<compile_context>
chip_gen: v7x
topology: tpu7x:2x2x1
jax: 0.10.2.dev20260603
libtpu: 0.0.44.dev20260713+nightly
codegen_flags: <defaults>
</compile_context>

<pallas_src>
import functools

import jax
import jax.numpy as jnp
from jax import lax
from jax.experimental import pallas as pl
from jax.experimental.pallas import tpu as pltpu
from jax.experimental.pallas import tpu_sc as plsc

N = 4000
E = 64000
D = 128
H = 128
T = 3 * N
TB = 600
NB = T // TB

NC = 2
NS = 16
EDGES_PER_TILE = E // NS
XTILES = 10
XROWS = N // XTILES
CH = 80

_INTERPRET = False


def _sc_mesh():
    return plsc.VectorSubcoreMesh(
        core_axis_name="c", subcore_axis_name="s",
        num_cores=NC, num_subcores=NS)


def _bincount_body(idx_hbm, ones_hbm, zeros_hbm, out_hbm,
                   idx_a, idx_b, ones_v, t0, t1, t2, sem_a, sem_b):
    c = lax.axis_index("c")
    s = lax.axis_index("s")
    tables = [t0, t1, t2]
    row0 = s * XROWS
    pltpu.sync_copy(ones_hbm, ones_v)
    for p in range(2):
        @pl.when(s < XTILES)
        def _zero():
            for j in range(3):
                pltpu.sync_copy(zeros_hbm, tables[j].at[pl.ds(row0, XROWS)])

        plsc.subcore_barrier()
        for j in range(3):
            base = (c * 6 + p * 3 + j) * E + s * EDGES_PER_TILE

            def _pair(i, _):
                off = base + i * (2 * CH)
                pltpu.sync_copy(idx_hbm.at[pl.ds(off, CH)], idx_a)
                sa = pltpu.async_copy(
                    ones_v, tables[j].at[idx_a], sem_a, add=True)
                pltpu.sync_copy(idx_hbm.at[pl.ds(off + CH, CH)], idx_b)
                sb = pltpu.async_copy(
                    ones_v, tables[j].at[idx_b], sem_b, add=True)
                sa.wait()
                sb.wait()
                return 0

            lax.fori_loop(0, EDGES_PER_TILE // (2 * CH), _pair, 0)
        plsc.subcore_barrier()

        @pl.when(s < XTILES)
        def _export():
            for j in range(3):
                arr = c * 6 + p * 3 + j
                pltpu.sync_copy(
                    tables[j].at[pl.ds(row0, XROWS)],
                    out_hbm.at[pl.ds(arr * N + row0, XROWS)])

        plsc.subcore_barrier()


def _bincounts_sc(idx_flat):
    ones_rows = jnp.ones((CH, H), jnp.float32)
    zeros_rows = jnp.zeros((XROWS, H), jnp.float32)
    k = pl.kernel(
        _bincount_body,
        out_type=jax.ShapeDtypeStruct((12 * N, H), jnp.float32),
        mesh=_sc_mesh(),
        scratch_types=[
            pltpu.VMEM((CH,), jnp.int32),
            pltpu.VMEM((CH,), jnp.int32),
            pltpu.VMEM((CH, H), jnp.float32),
        ] + [pltpu.VMEM_SHARED((N, H), jnp.float32)] * 3
          + [pltpu.SemaphoreType.DMA] * 2,
    )
    return k(idx_flat, ones_rows, zeros_rows).reshape(12, N, H)


def _aggregate_body(q_hbm, src_hbm, dst_hbm, zeros_hbm, out_hbm,
                    src_a, adj_a, dst_a, rows_a, src_b, adj_b, dst_b, rows_b,
                    a0, a1, a2, sem_ga, sem_gb, sem_sa, sem_sb):
    c = lax.axis_index("c")
    s = lax.axis_index("s")
    accs = [a0, a1, a2]
    row0 = s * XROWS

    @pl.when(s < XTILES)
    def _zero():
        for j in range(3):
            pltpu.sync_copy(zeros_hbm, accs[j].at[pl.ds(row0, XROWS)])

    plsc.subcore_barrier()
    for j in range(3):
        r = c * 3 + j
        base = r * E + s * EDGES_PER_TILE

        def _pair(i, _):
            off = base + i * (2 * CH)
            pltpu.sync_copy(src_hbm.at[pl.ds(off, CH)], src_a)
            pltpu.sync_copy(dst_hbm.at[pl.ds(off, CH)], dst_a)
            for v in range(CH // 16):
                adj_a[pl.ds(v * 16, 16)] = src_a[pl.ds(v * 16, 16)] + r * N
            ga = pltpu.async_copy(q_hbm.at[adj_a], rows_a, sem_ga)
            pltpu.sync_copy(src_hbm.at[pl.ds(off + CH, CH)], src_b)
            pltpu.sync_copy(dst_hbm.at[pl.ds(off + CH, CH)], dst_b)
            for v in range(CH // 16):
                adj_b[pl.ds(v * 16, 16)] = src_b[pl.ds(v * 16, 16)] + r * N
            gb = pltpu.async_copy(q_hbm.at[adj_b], rows_b, sem_gb)
            ga.wait()
            sa = pltpu.async_copy(rows_a, accs[j].at[dst_a], sem_sa, add=True)
            gb.wait()
            sb = pltpu.async_copy(rows_b, accs[j].at[dst_b], sem_sb, add=True)
            sa.wait()
            sb.wait()
            return 0

        lax.fori_loop(0, EDGES_PER_TILE // (2 * CH), _pair, 0)
    plsc.subcore_barrier()

    @pl.when(s < XTILES)
    def _export():
        for j in range(3):
            r = c * 3 + j
            pltpu.sync_copy(
                accs[j].at[pl.ds(row0, XROWS)],
                out_hbm.at[pl.ds(r * N + row0, XROWS)])


def _edge_aggregate_sc(q_stack, src_flat, dst_flat):
    zeros_rows = jnp.zeros((XROWS, H), jnp.float32)
    k = pl.kernel(
        _aggregate_body,
        out_type=jax.ShapeDtypeStruct((6 * N, H), jnp.float32),
        mesh=_sc_mesh(),
        scratch_types=[
            pltpu.VMEM((CH,), jnp.int32),
            pltpu.VMEM((CH,), jnp.int32),
            pltpu.VMEM((CH,), jnp.int32),
            pltpu.VMEM((CH, H), jnp.float32),
            pltpu.VMEM((CH,), jnp.int32),
            pltpu.VMEM((CH,), jnp.int32),
            pltpu.VMEM((CH,), jnp.int32),
            pltpu.VMEM((CH, H), jnp.float32),
        ] + [pltpu.VMEM_SHARED((N, H), jnp.float32)] * 3
          + [pltpu.SemaphoreType.DMA] * 4,
    )
    return k(q_stack.reshape(6 * N, H), src_flat, dst_flat,
             zeros_rows).reshape(6, N, H)


def _matmul_kernel(x_ref, cnt_ref, w_ref, q_ref):
    c = cnt_ref[0, :, 0]
    s = jax.lax.rsqrt(jnp.maximum(c, 1.0))
    x = x_ref[0] * s[:, None]
    q_ref[0] = jax.lax.dot_general(
        x, w_ref[0], (((1,), (0,)), ((), ())),
        preferred_element_type=jnp.float32)


def _scaled_matmuls(src_stack, counts, W_conv):
    return pl.pallas_call(
        _matmul_kernel,
        grid=(6,),
        in_specs=[
            pl.BlockSpec((1, N, D), lambda r: (r, 0, 0)),
            pl.BlockSpec((1, N, H), lambda r: (2 * r, 0, 0)),
            pl.BlockSpec((1, D, H), lambda r: (r, 0, 0)),
        ],
        out_specs=pl.BlockSpec((1, N, H), lambda r: (r, 0, 0)),
        out_shape=jax.ShapeDtypeStruct((6, N, H), jnp.float32),
        interpret=_INTERPRET,
    )(src_stack, counts, W_conv)


def _combine_kernel(agg_ref, cnt_ref, b_ref, feat_ref):
    t = pl.program_id(0)
    inv_m = jnp.where(t == 0, 1.0, jnp.where(t == 1, 1.0 / 3.0, 0.5))
    acc = jnp.zeros((N, H), jnp.float32)
    for j in range(3):
        c = cnt_ref[0, j, :, 0]
        s = jax.lax.rsqrt(jnp.maximum(c, 1.0))
        acc = acc + agg_ref[0, j] * s[:, None]
    beff = (b_ref[0, 0] + b_ref[0, 1] + b_ref[0, 2]) * inv_m
    feat_ref[0] = jnp.maximum(acc * inv_m + beff[None, :], 0.0)


def _combine(agg_stack, cnt_stack, b_stack):
    return pl.pallas_call(
        _combine_kernel,
        grid=(3,),
        in_specs=[
            pl.BlockSpec((1, 3, N, H), lambda t: (t, 0, 0, 0)),
            pl.BlockSpec((1, 3, N, H), lambda t: (t, 0, 0, 0)),
            pl.BlockSpec((1, 3, H), lambda t: (t, 0, 0)),
        ],
        out_specs=pl.BlockSpec((1, N, H), lambda t: (t, 0, 0)),
        out_shape=jax.ShapeDtypeStruct((3, N, H), jnp.float32),
        interpret=_INTERPRET,
    )(agg_stack, cnt_stack, b_stack)


def _lstm_kernel(feat_ref, wihbd_ref, whhbd_ref, b_ref, out_ref,
                 xp_scr, h1blk, carry):
    k = pl.program_id(0)

    @pl.when(k == 0)
    def _init():
        carry[...] = jnp.zeros_like(carry)
        h1blk[...] = jnp.zeros_like(h1blk)

    @pl.when(k == 1)
    def _reset_l2():
        carry[:, H:2 * H] = jnp.zeros((2, H), jnp.float32)

    mm = functools.partial(
        jax.lax.dot_general, dimension_numbers=(((1,), (0,)), ((), ())),
        preferred_element_type=jnp.float32)

    xin = jnp.concatenate([feat_ref[...], h1blk[...]], axis=1)
    xp_scr[...] = mm(xin, wihbd_ref[...]) + b_ref[...]

    whh = whhbd_ref[...].astype(jnp.bfloat16)
    h12 = carry[0:1, :]
    c12 = carry[1:2, :]

    def group(gi, hc):
        h12, c12 = hc
        base = pl.multiple_of(gi * 8, 8)
        rows = xp_scr[pl.ds(base, 8), :]
        h1s, outs = [], []
        for j in range(8):
            g = rows[j:j + 1, :] + mm(h12.astype(jnp.bfloat16), whh)
            ii = jax.nn.sigmoid(g[:, 0:2 * H])
            ff = jax.nn.sigmoid(g[:, 2 * H:4 * H])
            gg = jnp.tanh(g[:, 4 * H:6 * H])
            oo = jax.nn.sigmoid(g[:, 6 * H:8 * H])
            c12 = ff * c12 + ii * gg
            h12 = oo * jnp.tanh(c12)
            h1s.append(h12[:, 0:H])
            outs.append(h12[:, H:2 * H])
        h1blk[pl.ds(base, 8), :] = jnp.concatenate(h1s, axis=0)
        out_ref[pl.ds(base, 8), :] = jnp.maximum(
            jnp.concatenate(outs, axis=0), 0.0)
        return (h12, c12)

    h12, c12 = jax.lax.fori_loop(0, TB // 8, group, (h12, c12))
    carry[0:1, :] = h12
    carry[1:2, :] = c12


def _lstm(feat, wih_bd, whh_bd, bias):
    return pl.pallas_call(
        _lstm_kernel,
        grid=(NB + 1,),
        in_specs=[
            pl.BlockSpec((TB, D), lambda k: (jnp.minimum(k, NB - 1), 0)),
            pl.BlockSpec((2 * H, 8 * H), lambda k: (0, 0)),
            pl.BlockSpec((2 * H, 8 * H), lambda k: (0, 0)),
            pl.BlockSpec((1, 8 * H), lambda k: (0, 0)),
        ],
        out_specs=pl.BlockSpec((TB, H), lambda k: (jnp.maximum(k - 1, 0), 0)),
        out_shape=jax.ShapeDtypeStruct((T, H), jnp.float32),
        scratch_shapes=[
            pltpu.VMEM((TB, 8 * H), jnp.float32),
            pltpu.VMEM((TB, H), jnp.float32),
            pltpu.VMEM((2, 2 * H), jnp.float32),
        ],
        compiler_params=pltpu.CompilerParams(
            dimension_semantics=("arbitrary",)),
        interpret=_INTERPRET,
    )(feat, wih_bd, whh_bd, bias)


def _prep_lstm_weights(W_ih, W_hh, b_ih, b_hh):
    wih_bd = jnp.zeros((2 * H, 8 * H), jnp.float32)
    whh_bd = jnp.zeros((2 * H, 8 * H), jnp.float32)
    bias = jnp.zeros((8 * H,), jnp.float32)
    for l in range(2):
        for gi in range(4):
            blk = 2 * gi + l
            cs = slice(blk * H, (blk + 1) * H)
            rs = slice(l * H, (l + 1) * H)
            gs = slice(gi * H, (gi + 1) * H)
            wih_bd = wih_bd.at[rs, cs].set(W_ih[l, gs, :].T)
            whh_bd = whh_bd.at[rs, cs].set(W_hh[l, gs, :].T)
            bias = bias.at[cs].set(b_ih[l, gs] + b_hh[l, gs])
    return wih_bd, whh_bd, bias[None, :]


def kernel(x_node, x_instance, x_svc, ei_svc_call, ei_instance_node,
           ei_node_instance, ei_instance_instance, ei_svc_instance,
           ei_instance_svc, W_conv, b_conv, W_ih, W_hh, b_ih, b_hh):
    eis = [ei_svc_call, ei_instance_node, ei_node_instance,
           ei_instance_instance, ei_svc_instance, ei_instance_svc]
    idx_stack = jnp.stack([e[i] for e in eis for i in (0, 1)])
    counts = _bincounts_sc(idx_stack.reshape(-1))

    src_tables = jnp.stack(
        [x_svc, x_instance, x_node, x_instance, x_svc, x_instance])
    q_stack = _scaled_matmuls(src_tables, counts, W_conv)

    src_flat = jnp.stack([e[0] for e in eis]).reshape(-1)
    dst_flat = jnp.stack([e[1] for e in eis]).reshape(-1)
    agg = _edge_aggregate_sc(q_stack, src_flat, dst_flat)

    zeros_nh = jnp.zeros((N, H), jnp.float32)
    agg_stack = jnp.stack([
        jnp.stack([agg[1], zeros_nh, zeros_nh]),
        jnp.stack([agg[2], agg[3], agg[4]]),
        jnp.stack([agg[0], agg[5], zeros_nh]),
    ])
    ones_cnt = jnp.ones((N, H), jnp.float32)
    cnt_stack = jnp.stack([
        jnp.stack([counts[3], ones_cnt, ones_cnt]),
        jnp.stack([counts[5], counts[7], counts[9]]),
        jnp.stack([counts[1], counts[11], ones_cnt]),
    ])
    zeros_b = jnp.zeros((H,), jnp.float32)
    b_stack = jnp.stack([
        jnp.stack([b_conv[1], zeros_b, zeros_b]),
        jnp.stack([b_conv[2], b_conv[3], b_conv[4]]),
        jnp.stack([b_conv[0], b_conv[5], zeros_b]),
    ])

    feat3 = _combine(agg_stack, cnt_stack, b_stack)
    feat = feat3.reshape(T, D)

    wih_bd, whh_bd, bias = _prep_lstm_weights(W_ih, W_hh, b_ih, b_hh)
    rnn_out = _lstm(feat, wih_bd, whh_bd, bias)

    return (feat[:N], feat[N:2 * N], feat[2 * N:], rnn_out)

# --- scband reference (transcript-rebuilt; emitter-appended) ---
"""Pipeline reference for scband-aggr-hgraph-conv-window-3659312136368 (READ-ONLY COPY).

The authoritative reference and input builder live on the scoring server;
editing this copy changes nothing except your own understanding.
"""

import jax, jax.numpy as jnp
import numpy as np

N_NODE = 4000
N_INST = 4000
N_SVC = 4000
E = 64000
D = 128
H = 128


def setup_inputs(seed: int = 0) -> dict:
    key = jax.random.key(seed)
    ks = jax.random.split(key, 16)
    inp = {}
    inp["x_node"] = jax.random.normal(ks[0], (N_NODE, D), dtype=jnp.float32)
    inp["x_instance"] = jax.random.normal(ks[1], (N_INST, D), dtype=jnp.float32)
    inp["x_svc"] = jax.random.normal(ks[2], (N_SVC, D), dtype=jnp.float32)
    inp["ei_svc_call"] = jax.random.randint(ks[3], (2, E), 0, N_SVC, dtype=jnp.int32)
    inp["ei_instance_node"] = jax.random.randint(ks[4], (2, E), 0, N_INST, dtype=jnp.int32)
    inp["ei_node_instance"] = jax.random.randint(ks[5], (2, E), 0, N_NODE, dtype=jnp.int32)
    inp["ei_instance_instance"] = jax.random.randint(ks[6], (2, E), 0, N_INST, dtype=jnp.int32)
    inp["ei_svc_instance"] = jax.random.randint(ks[7], (2, E), 0, N_SVC, dtype=jnp.int32)
    inp["ei_instance_svc"] = jax.random.randint(ks[8], (2, E), 0, N_INST, dtype=jnp.int32)
    inp["W_conv"] = jax.random.normal(ks[9], (6, D, H), dtype=jnp.float32) * 0.05
    inp["b_conv"] = jax.random.normal(ks[10], (6, H), dtype=jnp.float32) * 0.05
    inp["W_ih"] = jax.random.normal(ks[11], (2, 4 * H, H), dtype=jnp.float32) * 0.05
    inp["W_hh"] = jax.random.normal(ks[12], (2, 4 * H, H), dtype=jnp.float32) * 0.05
    inp["b_ih"] = jax.random.normal(ks[13], (2, 4 * H), dtype=jnp.float32) * 0.05
    inp["b_hh"] = jax.random.normal(ks[14], (2, 4 * H), dtype=jnp.float32) * 0.05
    return inp


def graph_conv(x_src, ei, W, b, n_dst):
    # DGL GraphConv, norm='both': h = D_dst^{-1/2} A D_src^{-1/2} X W + b
    src = ei[0]
    dst = ei[1]
    n_src = x_src.shape[0]
    deg_out = jnp.maximum(jnp.bincount(src, length=n_src), 1).astype(x_src.dtype)
    deg_in = jnp.maximum(jnp.bincount(dst, length=n_dst), 1).astype(x_src.dtype)
    h = (x_src * (deg_out[:, None] ** -0.5)) @ W
    agg = jnp.zeros((n_dst, W.shape[1]), dtype=x_src.dtype).at[dst].add(h[src])
    return agg * (deg_in[:, None] ** -0.5) + b


def lstm_layer(x, Wih, Whh, bih, bhh):
    Hd = Whh.shape[1]

    def step(carry, xt):
        hp, cp = carry
        g = Wih @ xt + Whh @ hp + bih + bhh
        i, f, gg, o = jnp.split(g, 4)
        i = jax.nn.sigmoid(i)
        f = jax.nn.sigmoid(f)
        gg = jnp.tanh(gg)
        o = jax.nn.sigmoid(o)
        c = f * cp + i * gg
        h = o * jnp.tanh(c)
        return (h, c), h

    _, ys = jax.lax.scan(step, (jnp.zeros((Hd,), x.dtype), jnp.zeros((Hd,), x.dtype)), x)
    return ys


def lstm2(x, W_ih, W_hh, b_ih, b_hh):
    h = x
    for l in range(W_ih.shape[0]):
        h = lstm_layer(h, W_ih[l], W_hh[l], b_ih[l], b_hh[l])
    return h


def reference(x_node, x_instance, x_svc, ei_svc_call, ei_instance_node, ei_node_instance,
              ei_instance_instance, ei_svc_instance, ei_instance_svc,
              W_conv, b_conv, W_ih, W_hh, b_ih, b_hh):
    # HeteroGraphConv with aggregate='mean' over relations sharing a dst type
    h_svc_call = graph_conv(x_svc, ei_svc_call, W_conv[0], b_conv[0], N_SVC)
    h_inst_node = graph_conv(x_instance, ei_instance_node, W_conv[1], b_conv[1], N_NODE)
    h_node_inst = graph_conv(x_node, ei_node_instance, W_conv[2], b_conv[2], N_INST)
    h_inst_inst = graph_conv(x_instance, ei_instance_instance, W_conv[3], b_conv[3], N_INST)
    h_svc_inst = graph_conv(x_svc, ei_svc_instance, W_conv[4], b_conv[4], N_INST)
    h_inst_svc = graph_conv(x_instance, ei_instance_svc, W_conv[5], b_conv[5], N_SVC)
    node_feat = h_inst_node
    instance_feat = (h_node_inst + h_inst_inst + h_svc_inst) / 3.0
    svc_feat = (h_svc_call + h_inst_svc) / 2.0
    feat = jax.nn.relu(jnp.concatenate([node_feat, instance_feat, svc_feat], axis=0))
    nf = feat[:N_NODE]
    inf_ = feat[N_NODE:N_NODE + N_INST]
    sf = feat[N_NODE + N_INST:]
    rnn_out = jax.nn.relu(lstm2(feat, W_ih, W_hh, b_ih, b_hh))
    return (nf, inf_, sf, rnn_out)

if __name__ == "__main__":
    import jax
    _d = setup_inputs()
    print(jax.jit(kernel)(*tuple(_d.values())))

</pallas_src>

<mosaic_0001>
#map = affine_map<(d0, d1) -> (0)>
#map1 = affine_map<(d0, d1) -> (0, 0)>
module attributes {stable_mosaic.version = 14 : i64} {
  func.func @_bincount_body(%arg0: i32, %arg1: i32, %arg2: memref<768000xi32, #tpu.memory_space<hbm>>, %arg3: memref<80x128xf32, #tpu.memory_space<hbm>>, %arg4: memref<400x128xf32, #tpu.memory_space<hbm>>, %arg5: memref<48000x128xf32, #tpu.memory_space<hbm>>, %arg6: memref<80xi32, #tpu.memory_space<vmem>>, %arg7: memref<80xi32, #tpu.memory_space<vmem>>, %arg8: memref<80x128xf32, #tpu.memory_space<vmem>>, %arg9: memref<4000x128xf32, #tpu.memory_space<vmem_shared>>, %arg10: memref<4000x128xf32, #tpu.memory_space<vmem_shared>>, %arg11: memref<4000x128xf32, #tpu.memory_space<vmem_shared>>, %arg12: memref<!tpu.dma_semaphore, #tpu.memory_space<semaphore_mem>>, %arg13: memref<!tpu.dma_semaphore, #tpu.memory_space<semaphore_mem>>) attributes {dimension_semantics = [#tpu.dimension_semantics<core_parallel>, #tpu.dimension_semantics<subcore_parallel>], iteration_bounds = array<i64: 2, 16>, scalar_prefetch = 0 : i64, scratch_operands = 8 : i64, tpu.core_type = #tpu.core_type<sc_vector_subcore>, window_params = [{transform_indices = #map}, {transform_indices = #map1}, {transform_indices = #map1}, {transform_indices = #map1}]} {
    %mul3A = arith.constant 400 : i32
    %mul3A_0 = arith.muli %arg1, %mul3A : i32
    "tpu.region"() ({
      %run_scoped3A = tpu.sem_alloc : memref<!tpu.dma_semaphore, #tpu.memory_space<semaphore_mem>>
      tpu.enqueue_dma source(%arg3 : memref<80x128xf32, #tpu.memory_space<hbm>>) target(%arg8 : memref<80x128xf32, #tpu.memory_space<vmem>>) target_semaphore(%run_scoped3A : memref<!tpu.dma_semaphore, #tpu.memory_space<semaphore_mem>>)
      tpu.wait_dma2 semaphore(%run_scoped3A : memref<!tpu.dma_semaphore, #tpu.memory_space<semaphore_mem>>) src(%arg3 : memref<80x128xf32, #tpu.memory_space<hbm>>) dst(%arg8 : memref<80x128xf32, #tpu.memory_space<vmem>>)
      tpu.yield
    }) : () -> ()
    %lt3A = arith.constant 10 : i32
    %lt3A_1 = arith.cmpi slt, %arg1, %lt3A : i32
    %convert_element_type3A = arith.extui %lt3A_1 : i1 to i32
    %cond3A = arith.constant 0 : i32
    %cond3A_2 = arith.cmpi ne, %convert_element_type3A, %cond3A : i32
    scf.if %cond3A_2 {
      "tpu.region"() ({
        %run_scoped3A = tpu.sem_alloc : memref<!tpu.dma_semaphore, #tpu.memory_space<semaphore_mem>>
        %dma_start3A = arith.constant 0 : i32
        %dma_start3A_129 = tpu.memref_slice %arg9[%mul3A_0, %dma_start3A] : memref<4000x128xf32, #tpu.memory_space<vmem_shared>> -> memref<400x128xf32, #tpu.memory_space<vmem_shared>>
        tpu.enqueue_dma source(%arg4 : memref<400x128xf32, #tpu.memory_space<hbm>>) target(%dma_start3A_129 : memref<400x128xf32, #tpu.memory_space<vmem_shared>>) target_semaphore(%run_scoped3A : memref<!tpu.dma_semaphore, #tpu.memory_space<semaphore_mem>>)
        %dma_wait3A = arith.constant 0 : i32
        %dma_wait3A_130 = tpu.memref_slice %arg9[%mul3A_0, %dma_wait3A] : memref<4000x128xf32, #tpu.memory_space<vmem_shared>> -> memref<400x128xf32, #tpu.memory_space<vmem_shared>>
        tpu.wait_dma2 semaphore(%run_scoped3A : memref<!tpu.dma_semaphore, #tpu.memory_space<semaphore_mem>>) src(%arg4 : memref<400x128xf32, #tpu.memory_space<hbm>>) dst(%dma_wait3A_130 : memref<400x128xf32, #tpu.memory_space<vmem_shared>>)
        tpu.yield
      }) : () -> ()
      "tpu.region"() ({
        %run_scoped3A = tpu.sem_alloc : memref<!tpu.dma_semaphore, #tpu.memory_space<semaphore_mem>>
        %dma_start3A = arith.constant 0 : i32
        %dma_start3A_129 = tpu.memref_slice %arg10[%mul3A_0, %dma_start3A] : memref<4000x128xf32, #tpu.memory_space<vmem_shared>> -> memref<400x128xf32, #tpu.memory_space<vmem_shared>>
        tpu.enqueue_dma source(%arg4 : memref<400x128xf32, #tpu.memory_space<hbm>>) target(%dma_start3A_129 : memref<400x128xf32, #tpu.memory_space<vmem_shared>>) target_semaphore(%run_scoped3A : memref<!tpu.dma_semaphore, #tpu.memory_space<semaphore_mem>>)
        %dma_wait3A = arith.constant 0 : i32
        %dma_wait3A_130 = tpu.memref_slice %arg10[%mul3A_0, %dma_wait3A] : memref<4000x128xf32, #tpu.memory_space<vmem_shared>> -> memref<400x128xf32, #tpu.memory_space<vmem_shared>>
        tpu.wait_dma2 semaphore(%run_scoped3A : memref<!tpu.dma_semaphore, #tpu.memory_space<semaphore_mem>>) src(%arg4 : memref<400x128xf32, #tpu.memory_space<hbm>>) dst(%dma_wait3A_130 : memref<400x128xf32, #tpu.memory_space<vmem_shared>>)
        tpu.yield
      }) : () -> ()
      "tpu.region"() ({
        %run_scoped3A = tpu.sem_alloc : memref<!tpu.dma_semaphore, #tpu.memory_space<semaphore_mem>>
        %dma_start3A = arith.constant 0 : i32
        %dma_start3A_129 = tpu.memref_slice %arg11[%mul3A_0, %dma_start3A] : memref<4000x128xf32, #tpu.memory_space<vmem_shared>> -> memref<400x128xf32, #tpu.memory_space<vmem_shared>>
        tpu.enqueue_dma source(%arg4 : memref<400x128xf32, #tpu.memory_space<hbm>>) target(%dma_start3A_129 : memref<400x128xf32, #tpu.memory_space<vmem_shared>>) target_semaphore(%run_scoped3A : memref<!tpu.dma_semaphore, #tpu.memory_space<semaphore_mem>>)
        %dma_wait3A = arith.constant 0 : i32
        %dma_wait3A_130 = tpu.memref_slice %arg11[%mul3A_0, %dma_wait3A] : memref<4000x128xf32, #tpu.memory_space<vmem_shared>> -> memref<400x128xf32, #tpu.memory_space<vmem_shared>>
        tpu.wait_dma2 semaphore(%run_scoped3A : memref<!tpu.dma_semaphore, #tpu.memory_space<semaphore_mem>>) src(%arg4 : memref<400x128xf32, #tpu.memory_space<hbm>>) dst(%dma_wait3A_130 : memref<400x128xf32, #tpu.memory_space<vmem_shared>>)
        tpu.yield
      }) : () -> ()
    } else {
    }
    %barrier3A = arith.constant 0 : index
    tpu.barrier barrier_id(%barrier3A)
    %mul3A_3 = arith.constant 6 : i32
    %mul3A_4 = arith.muli %arg0, %mul3A_3 : i32
    %add3A = arith.constant 0 : i32
    %add3A_5 = arith.addi %mul3A_4, %add3A : i32
    %add3A_6 = arith.constant 0 : i32
    %add3A_7 = arith.addi %add3A_5, %add3A_6 : i32
    %mul3A_8 = arith.constant 64000 : i32
    %mul3A_9 = arith.muli %add3A_7, %mul3A_8 : i32
    %mul3A_10 = arith.constant 4000 : i32
    %mul3A_11 = arith.muli %arg1, %mul3A_10 : i32
    %add3A_12 = arith.addi %mul3A_9, %mul3A_11 : i32
    %scan3A = arith.constant 0 : i32
    %scan3A_13 = arith.constant 0 : i32
    %scan3A_14 = arith.constant 25 : i32
    %scan3A_15 = arith.addi %scan3A_13, %scan3A_14 : i32
    %scan3A_16 = arith.constant 1 : i32
    %scan3A_17 = scf.for %scan3A_129 = %scan3A_13 to %scan3A_15 step %scan3A_16 iter_args(%scan3A_130 = %scan3A) -> (i32)  : i32 {
      %mul3A_131 = arith.constant 160 : i32
      %mul3A_132 = arith.muli %scan3A_129, %mul3A_131 : i32
      %add3A_133 = arith.addi %add3A_12, %mul3A_132 : i32
      "tpu.region"() ({
        %run_scoped3A = tpu.sem_alloc : memref<!tpu.dma_semaphore, #tpu.memory_space<semaphore_mem>>
        %dma_start3A_147 = tpu.memref_slice %arg2[%add3A_133] : memref<768000xi32, #tpu.memory_space<hbm>> -> memref<80xi32, #tpu.memory_space<hbm>>
        %dma_start3A_148 = tpu.memref_slice %arg2[%add3A_133] : memref<768000xi32, #tpu.memory_space<hbm>> -> memref<80xi32, #tpu.memory_space<hbm>>
        tpu.enqueue_dma source(%dma_start3A_148 : memref<80xi32, #tpu.memory_space<hbm>>) target(%arg6 : memref<80xi32, #tpu.memory_space<vmem>>) target_semaphore(%run_scoped3A : memref<!tpu.dma_semaphore, #tpu.memory_space<semaphore_mem>>)
        %dma_wait3A_149 = tpu.memref_slice %arg2[%add3A_133] : memref<768000xi32, #tpu.memory_space<hbm>> -> memref<80xi32, #tpu.memory_space<hbm>>
        %dma_wait3A_150 = tpu.memref_slice %arg2[%add3A_133] : memref<768000xi32, #tpu.memory_space<hbm>> -> memref<80xi32, #tpu.memory_space<hbm>>
        tpu.wait_dma2 semaphore(%run_scoped3A : memref<!tpu.dma_semaphore, #tpu.memory_space<semaphore_mem>>) src(%dma_wait3A_150 : memref<80xi32, #tpu.memory_space<hbm>>) dst(%arg6 : memref<80xi32, #tpu.memory_space<vmem>>)
        tpu.yield
      }) : () -> ()
      %dma_start3A = arith.constant 0 : i32
      %dma_start3A_134 = arith.constant 0 : i32
      %dma_start3A_135 = tpu.memref_slice %arg9[%dma_start3A, %dma_start3A_134] : memref<4000x128xf32, #tpu.memory_space<vmem_shared>> -> memref<4000x128xf32, #tpu.memory_space<vmem_shared>>
      tpu.enqueue_indirect_dma source(%arg8 : memref<80x128xf32, #tpu.memory_space<vmem>>) target(%dma_start3A_135 : memref<4000x128xf32, #tpu.memory_space<vmem_shared>>) offsets(%arg6 : memref<80xi32, #tpu.memory_space<vmem>>) semaphore(%arg12 : memref<!tpu.dma_semaphore, #tpu.memory_space<semaphore_mem>>) {add = true}
      %add3A_136 = arith.constant 80 : i32
      %add3A_137 = arith.addi %add3A_133, %add3A_136 : i32
      "tpu.region"() ({
        %run_scoped3A = tpu.sem_alloc : memref<!tpu.dma_semaphore, #tpu.memory_space<semaphore_mem>>
        %dma_start3A_147 = tpu.memref_slice %arg2[%add3A_137] : memref<768000xi32, #tpu.memory_space<hbm>> -> memref<80xi32, #tpu.memory_space<hbm>>
        %dma_start3A_148 = tpu.memref_slice %arg2[%add3A_137] : memref<768000xi32, #tpu.memory_space<hbm>> -> memref<80xi32, #tpu.memory_space<hbm>>
        tpu.enqueue_dma source(%dma_start3A_148 : memref<80xi32, #tpu.memory_space<hbm>>) target(%arg7 : memref<80xi32, #tpu.memory_space<vmem>>) target_semaphore(%run_scoped3A : memref<!tpu.dma_semaphore, #tpu.memory_space<semaphore_mem>>)
        %dma_wait3A_149 = tpu.memref_slice %arg2[%add3A_137] : memref<768000xi32, #tpu.memory_space<hbm>> -> memref<80xi32, #tpu.memory_space<hbm>>
        %dma_wait3A_150 = tpu.memref_slice %arg2[%add3A_137] : memref<768000xi32, #tpu.memory_space<hbm>> -> memref<80xi32, #tpu.memory_space<hbm>>
        tpu.wait_dma2 semaphore(%run_scoped3A : memref<!tpu.dma_semaphore, #tpu.memory_space<semaphore_mem>>) src(%dma_wait3A_150 : memref<80xi32, #tpu.memory_space<hbm>>) dst(%arg7 : memref<80xi32, #tpu.memory_space<vmem>>)
        tpu.yield
      }) : () -> ()
      %dma_start3A_138 = arith.constant 0 : i32
      %dma_start3A_139 = arith.constant 0 : i32
      %dma_start3A_140 = tpu.memref_slice %arg9[%dma_start3A_138, %dma_start3A_139] : memref<4000x128xf32, #tpu.memory_space<vmem_shared>> -> memref<4000x128xf32, #tpu.memory_space<vmem_shared>>
      tpu.enqueue_indirect_dma source(%arg8 : memref<80x128xf32, #tpu.memory_space<vmem>>) target(%dma_start3A_140 : memref<4000x128xf32, #tpu.memory_space<vmem_shared>>) offsets(%arg7 : memref<80xi32, #tpu.memory_space<vmem>>) semaphore(%arg13 : memref<!tpu.dma_semaphore, #tpu.memory_space<semaphore_mem>>) {add = true}
      %dma_wait3A = arith.constant 0 : i32
      %dma_wait3A_141 = arith.constant 0 : i32
      %dma_wait3A_142 = tpu.memref_slice %arg9[%dma_wait3A, %dma_wait3A_141] : memref<4000x128xf32, #tpu.memory_space<vmem_shared>> -> memref<4000x128xf32, #tpu.memory_space<vmem_shared>>
      tpu.wait_indirect_dma semaphore(%arg12 : memref<!tpu.dma_semaphore, #tpu.memory_space<semaphore_mem>>) src(%arg8 : memref<80x128xf32, #tpu.memory_space<vmem>>) dst(%dma_wait3A_142 : memref<4000x128xf32, #tpu.memory_space<vmem_shared>>)
      %dma_wait3A_143 = arith.constant 0 : i32
      %dma_wait3A_144 = arith.constant 0 : i32
      %dma_wait3A_145 = tpu.memref_slice %arg9[%dma_wait3A_143, %dma_wait3A_144] : memref<4000x128xf32, #tpu.memory_space<vmem_shared>> -> memref<4000x128xf32, #tpu.memory_space<vmem_shared>>
      tpu.wait_indirect_dma semaphore(%arg13 : memref<!tpu.dma_semaphore, #tpu.memory_space<semaphore_mem>>) src(%arg8 : memref<80x128xf32, #tpu.memory_space<vmem>>) dst(%dma_wait3A_145 : memref<4000x128xf32, #tpu.memory_space<vmem_shared>>)
      %scan3A_146 = arith.constant 0 : i32
      scf.yield %scan3A_146 : i32
    }
    %scan3A_18 = arith.constant 25 : i32
    %mul3A_19 = arith.constant 6 : i32
    %mul3A_20 = arith.muli %arg0, %mul3A_19 : i32
    %add3A_21 = arith.constant 0 : i32
    %add3A_22 = arith.addi %mul3A_20, %add3A_21 : i32
    %add3A_23 = arith.constant 1 : i32
    %add3A_24 = arith.addi %add3A_22, %add3A_23 : i32
    %mul3A_25 = arith.constant 64000 : i32
    %mul3A_26 = arith.muli %add3A_24, %mul3A_25 : i32
    %mul3A_27 = arith.constant 4000 : i32
    %mul3A_28 = arith.muli %arg1, %mul3A_27 : i32
    %add3A_29 = arith.addi %mul3A_26, %mul3A_28 : i32
    %scan3A_30 = arith.constant 0 : i32
    %scan3A_31 = arith.constant 0 : i32
    %scan3A_32 = arith.constant 25 : i32
    %scan3A_33 = arith.addi %scan3A_31, %scan3A_32 : i32
    %scan3A_34 = arith.constant 1 : i32
    %scan3A_35 = scf.for %scan3A_129 = %scan3A_31 to %scan3A_33 step %scan3A_34 iter_args(%scan3A_130 = %scan3A_30) -> (i32)  : i32 {
      %mul3A_131 = arith.constant 160 : i32
      %mul3A_132 = arith.muli %scan3A_129, %mul3A_131 : i32
      %add3A_133 = arith.addi %add3A_29, %mul3A_132 : i32
      "tpu.region"() ({
        %run_scoped3A = tpu.sem_alloc : memref<!tpu.dma_semaphore, #tpu.memory_space<semaphore_mem>>
        %dma_start3A_147 = tpu.memref_slice %arg2[%add3A_133] : memref<768000xi32, #tpu.memory_space<hbm>> -> memref<80xi32, #tpu.memory_space<hbm>>
        %dma_start3A_148 = tpu.memref_slice %arg2[%add3A_133] : memref<768000xi32, #tpu.memory_space<hbm>> -> memref<80xi32, #tpu.memory_space<hbm>>
        tpu.enqueue_dma source(%dma_start3A_148 : memref<80xi32, #tpu.memory_space<hbm>>) target(%arg6 : memref<80xi32, #tpu.memory_space<vmem>>) target_semaphore(%run_scoped3A : memref<!tpu.dma_semaphore, #tpu.memory_space<semaphore_mem>>)
        %dma_wait3A_149 = tpu.memref_slice %arg2[%add3A_133] : memref<768000xi32, #tpu.memory_space<hbm>> -> memref<80xi32, #tpu.memory_space<hbm>>
        %dma_wait3A_150 = tpu.memref_slice %arg2[%add3A_133] : memref<768000xi32, #tpu.memory_space<hbm>> -> memref<80xi32, #tpu.memory_space<hbm>>
        tpu.wait_dma2 semaphore(%run_scoped3A : memref<!tpu.dma_semaphore, #tpu.memory_space<semaphore_mem>>) src(%dma_wait3A_150 : memref<80xi32, #tpu.memory_space<hbm>>) dst(%arg6 : memref<80xi32, #tpu.memory_space<vmem>>)
        tpu.yield
      }) : () -> ()
      %dma_start3A = arith.constant 0 : i32
      %dma_start3A_134 = arith.constant 0 : i32
      %dma_start3A_135 = tpu.memref_slice %arg10[%dma_start3A, %dma_start3A_134] : memref<4000x128xf32, #tpu.memory_space<vmem_shared>> -> memref<4000x128xf32, #tpu.memory_space<vmem_shared>>
      tpu.enqueue_indirect_dma source(%arg8 : memref<80x128xf32, #tpu.memory_space<vmem>>) target(%dma_start3A_135 : memref<4000x128xf32, #tpu.memory_space<vmem_shared>>) offsets(%arg6 : memref<80xi32, #tpu.memory_space<vmem>>) semaphore(%arg12 : memref<!tpu.dma_semaphore, #tpu.memory_space<semaphore_mem>>) {add = true}
      %add3A_136 = arith.constant 80 : i32
      %add3A_137 = arith.addi %add3A_133, %add3A_136 : i32
      "tpu.region"() ({
        %run_scoped3A = tpu.sem_alloc : memref<!tpu.dma_semaphore, #tpu.memory_space<semaphore_mem>>
        %dma_start3A_147 = tpu.memref_slice %arg2[%add3A_137] : memref<768000xi32, #tpu.memory_space<hbm>> -> memref<80xi32, #tpu.memory_space<hbm>>
        %dma_start3A_148 = tpu.memref_slice %arg2[%add3A_137] : memref<768000xi32, #tpu.memory_space<hbm>> -> memref<80xi32, #tpu.memory_space<hbm>>
        tpu.enqueue_dma source(%dma_start3A_148 : memref<80xi32, #tpu.memory_space<hbm>>) target(%arg7 : memref<80xi32, #tpu.memory_space<vmem>>) target_semaphore(%run_scoped3A : memref<!tpu.dma_semaphore, #tpu.memory_space<semaphore_mem>>)
        %dma_wait3A_149 = tpu.memref_slice %arg2[%add3A_137] : memref<768000xi32, #tpu.memory_space<hbm>> -> memref<80xi32, #tpu.memory_space<hbm>>
        %dma_wait3A_150 = tpu.memref_slice %arg2[%add3A_137] : memref<768000xi32, #tpu.memory_space<hbm>> -> memref<80xi32, #tpu.memory_space<hbm>>
        tpu.wait_dma2 semaphore(%run_scoped3A : memref<!tpu.dma_semaphore, #tpu.memory_space<semaphore_mem>>) src(%dma_wait3A_150 : memref<80xi32, #tpu.memory_space<hbm>>) dst(%arg7 : memref<80xi32, #tpu.memory_space<vmem>>)
        tpu.yield
      }) : () -> ()
      %dma_start3A_138 = arith.constant 0 : i32
      %dma_start3A_139 = arith.constant 0 : i32
      %dma_start3A_140 = tpu.memref_slice %arg10[%dma_start3A_138, %dma_start3A_139] : memref<4000x128xf32, #tpu.memory_space<vmem_shared>> -> memref<4000x128xf32, #tpu.memory_space<vmem_shared>>
      tpu.enqueue_indirect_dma source(%arg8 : memref<80x128xf32, #tpu.memory_space<vmem>>) target(%dma_start3A_140 : memref<4000x128xf32, #tpu.memory_space<vmem_shared>>) offsets(%arg7 : memref<80xi32, #tpu.memory_space<vmem>>) semaphore(%arg13 : memref<!tpu.dma_semaphore, #tpu.memory_space<semaphore_mem>>) {add = true}
      %dma_wait3A = arith.constant 0 : i32
      %dma_wait3A_141 = arith.constant 0 : i32
      %dma_wait3A_142 = tpu.memref_slice %arg10[%dma_wait3A, %dma_wait3A_141] : memref<4000x128xf32, #tpu.memory_space<vmem_shared>> -> memref<4000x128xf32, #tpu.memory_space<vmem_shared>>
      tpu.wait_indirect_dma semaphore(%arg12 : memref<!tpu.dma_semaphore, #tpu.memory_space<semaphore_mem>>) src(%arg8 : memref<80x128xf32, #tpu.memory_space<vmem>>) dst(%dma_wait3A_142 : memref<4000x128xf32, #tpu.memory_space<vmem_shared>>)
      %dma_wait3A_143 = arith.constant 0 : i32
      %dma_wait3A_144 = arith.constant 0 : i32
      %dma_wait3A_145 = tpu.memref_slice %arg10[%dma_wait3A_143, %dma_wait3A_144] : memref<4000x128xf32, #tpu.memory_space<vmem_shared>> -> memref<4000x128xf32, #tpu.memory_space<vmem_shared>>
      tpu.wait_indirect_dma semaphore(%arg13 : memref<!tpu.dma_semaphore, #tpu.memory_space<semaphore_mem>>) src(%arg8 : memref<80x128xf32, #tpu.memory_space<vmem>>) dst(%dma_wait3A_145 : memref<4000x128xf32, #tpu.memory_space<vmem_shared>>)
      %scan3A_146 = arith.constant 0 : i32
      scf.yield %scan3A_146 : i32
    }
    %scan3A_36 = arith.constant 25 : i32
    %mul3A_37 = arith.constant 6 : i32
    %mul3A_38 = arith.muli %arg0, %mul3A_37 : i32
    %add3A_39 = arith.constant 0 : i32
    %add3A_40 = arith.addi %mul3A_38, %add3A_39 : i32
    %add3A_41 = arith.constant 2 : i32
    %add3A_42 = arith.addi %add3A_40, %add3A_41 : i32
    %mul3A_43 = arith.constant 64000 : i32
    %mul3A_44 = arith.muli %add3A_42, %mul3A_43 : i32
    %mul3A_45 = arith.constant 4000 : i32
    %mul3A_46 = arith.muli %arg1, %mul3A_45 : i32
    %add3A_47 = arith.addi %mul3A_44, %mul3A_46 : i32
    %scan3A_48 = arith.constant 0 : i32
    %scan3A_49 = arith.constant 0 : i32
    %scan3A_50 = arith.constant 25 : i32
    %scan3A_51 = arith.addi %scan3A_49, %scan3A_50 : i32
    %scan3A_52 = arith.constant 1 : i32
    %scan3A_53 = scf.for %scan3A_129 = %scan3A_49 to %scan3A_51 step %scan3A_52 iter_args(%scan3A_130 = %scan3A_48) -> (i32)  : i32 {
      %mul3A_131 = arith.constant 160 : i32
      %mul3A_132 = arith.muli %scan3A_129, %mul3A_131 : i32
      %add3A_133 = arith.addi %add3A_47, %mul3A_132 : i32
      "tpu.region"() ({
        %run_scoped3A = tpu.sem_alloc : memref<!tpu.dma_semaphore, #tpu.memory_space<semaphore_mem>>
        %dma_start3A_147 = tpu.memref_slice %arg2[%add3A_133] : memref<768000xi32, #tpu.memory_space<hbm>> -> memref<80xi32, #tpu.memory_space<hbm>>
        %dma_start3A_148 = tpu.memref_slice %arg2[%add3A_133] : memref<768000xi32, #tpu.memory_space<hbm>> -> memref<80xi32, #tpu.memory_space<hbm>>
        tpu.enqueue_dma source(%dma_start3A_148 : memref<80xi32, #tpu.memory_space<hbm>>) target(%arg6 : memref<80xi32, #tpu.memory_space<vmem>>) target_semaphore(%run_scoped3A : memref<!tpu.dma_semaphore, #tpu.memory_space<semaphore_mem>>)
        %dma_wait3A_149 = tpu.memref_slice %arg2[%add3A_133] : memref<768000xi32, #tpu.memory_space<hbm>> -> memref<80xi32, #tpu.memory_space<hbm>>
        %dma_wait3A_150 = tpu.memref_slice %arg2[%add3A_133] : memref<768000xi32, #tpu.memory_space<hbm>> -> memref<80xi32, #tpu.memory_space<hbm>>
        tpu.wait_dma2 semaphore(%run_scoped3A : memref<!tpu.dma_semaphore, #tpu.memory_space<semaphore_mem>>) src(%dma_wait3A_150 : memref<80xi32, #tpu.memory_space<hbm>>) dst(%arg6 : memref<80xi32, #tpu.memory_space<vmem>>)
        tpu.yield
      }) : () -> ()
      %dma_start3A = arith.constant 0 : i32
      %dma_start3A_134 = arith.constant 0 : i32
      %dma_start3A_135 = tpu.memref_slice %arg11[%dma_start3A, %dma_start3A_134] : memref<4000x128xf32, #tpu.memory_space<vmem_shared>> -> memref<4000x128xf32, #tpu.memory_space<vmem_shared>>
      tpu.enqueue_indirect_dma source(%arg8 : memref<80x128xf32, #tpu.memory_space<vmem>>) target(%dma_start3A_135 : memref<4000x128xf32, #tpu.memory_space<vmem_shared>>) offsets(%arg6 : memref<80xi32, #tpu.memory_space<vmem>>) semaphore(%arg12 : memref<!tpu.dma_semaphore, #tpu.memory_space<semaphore_mem>>) {add = true}
      %add3A_136 = arith.constant 80 : i32
      %add3A_137 = arith.addi %add3A_133, %add3A_136 : i32
      "tpu.region"() ({
        %run_scoped3A = tpu.sem_alloc : memref<!tpu.dma_semaphore, #tpu.memory_space<semaphore_mem>>
        %dma_start3A_147 = tpu.memref_slice %arg2[%add3A_137] : memref<768000xi32, #tpu.memory_space<hbm>> -> memref<80xi32, #tpu.memory_space<hbm>>
        %dma_start3A_148 = tpu.memref_slice %arg2[%add3A_137] : memref<768000xi32, #tpu.memory_space<hbm>> -> memref<80xi32, #tpu.memory_space<hbm>>
        tpu.enqueue_dma source(%dma_start3A_148 : memref<80xi32, #tpu.memory_space<hbm>>) target(%arg7 : memref<80xi32, #tpu.memory_space<vmem>>) target_semaphore(%run_scoped3A : memref<!tpu.dma_semaphore, #tpu.memory_space<semaphore_mem>>)
        %dma_wait3A_149 = tpu.memref_slice %arg2[%add3A_137] : memref<768000xi32, #tpu.memory_space<hbm>> -> memref<80xi32, #tpu.memory_space<hbm>>
        %dma_wait3A_150 = tpu.memref_slice %arg2[%add3A_137] : memref<768000xi32, #tpu.memory_space<hbm>> -> memref<80xi32, #tpu.memory_space<hbm>>
        tpu.wait_dma2 semaphore(%run_scoped3A : memref<!tpu.dma_semaphore, #tpu.memory_space<semaphore_mem>>) src(%dma_wait3A_150 : memref<80xi32, #tpu.memory_space<hbm>>) dst(%arg7 : memref<80xi32, #tpu.memory_space<vmem>>)
        tpu.yield
      }) : () -> ()
      %dma_start3A_138 = arith.constant 0 : i32
      %dma_start3A_139 = arith.constant 0 : i32
      %dma_start3A_140 = tpu.memref_slice %arg11[%dma_start3A_138, %dma_start3A_139] : memref<4000x128xf32, #tpu.memory_space<vmem_shared>> -> memref<4000x128xf32, #tpu.memory_space<vmem_shared>>
      tpu.enqueue_indirect_dma source(%arg8 : memref<80x128xf32, #tpu.memory_space<vmem>>) target(%dma_start3A_140 : memref<4000x128xf32, #tpu.memory_space<vmem_shared>>) offsets(%arg7 : memref<80xi32, #tpu.memory_space<vmem>>) semaphore(%arg13 : memref<!tpu.dma_semaphore, #tpu.memory_space<semaphore_mem>>) {add = true}
      %dma_wait3A = arith.constant 0 : i32
      %dma_wait3A_141 = arith.constant 0 : i32
      %dma_wait3A_142 = tpu.memref_slice %arg11[%dma_wait3A, %dma_wait3A_141] : memref<4000x128xf32, #tpu.memory_space<vmem_shared>> -> memref<4000x128xf32, #tpu.memory_space<vmem_shared>>
      tpu.wait_indirect_dma semaphore(%arg12 : memref<!tpu.dma_semaphore, #tpu.memory_space<semaphore_mem>>) src(%arg8 : memref<80x128xf32, #tpu.memory_space<vmem>>) dst(%dma_wait3A_142 : memref<4000x128xf32, #tpu.memory_space<vmem_shared>>)
      %dma_wait3A_143 = arith.constant 0 : i32
      %dma_wait3A_144 = arith.constant 0 : i32
      %dma_wait3A_145 = tpu.memref_slice %arg11[%dma_wait3A_143, %dma_wait3A_144] : memref<4000x128xf32, #tpu.memory_space<vmem_shared>> -> memref<4000x128xf32, #tpu.memory_space<vmem_shared>>
      tpu.wait_indirect_dma semaphore(%arg13 : memref<!tpu.dma_semaphore, #tpu.memory_space<semaphore_mem>>) src(%arg8 : memref<80x128xf32, #tpu.memory_space<vmem>>) dst(%dma_wait3A_145 : memref<4000x128xf32, #tpu.memory_space<vmem_shared>>)
      %scan3A_146 = arith.constant 0 : i32
      scf.yield %scan3A_146 : i32
    }
    %scan3A_54 = arith.constant 25 : i32
    %barrier3A_55 = arith.constant 0 : index
    tpu.barrier barrier_id(%barrier3A_55)
    %lt3A_56 = arith.constant 10 : i32
    %lt3A_57 = arith.cmpi slt, %arg1, %lt3A_56 : i32
    %convert_element_type3A_58 = arith.extui %lt3A_57 : i1 to i32
    %cond3A_59 = arith.constant 0 : i32
    %cond3A_60 = arith.cmpi ne, %convert_element_type3A_58, %cond3A_59 : i32
    scf.if %cond3A_60 {
      %mul3A_129 = arith.constant 6 : i32
      %mul3A_130 = arith.muli %arg0, %mul3A_129 : i32
      %add3A_131 = arith.constant 0 : i32
      %add3A_132 = arith.addi %mul3A_130, %add3A_131 : i32
      %add3A_133 = arith.constant 0 : i32
      %add3A_134 = arith.addi %add3A_132, %add3A_133 : i32
      %mul3A_135 = arith.constant 4000 : i32
      %mul3A_136 = arith.muli %add3A_134, %mul3A_135 : i32
      %add3A_137 = arith.addi %mul3A_136, %mul3A_0 : i32
      "tpu.region"() ({
        %run_scoped3A = tpu.sem_alloc : memref<!tpu.dma_semaphore, #tpu.memory_space<semaphore_mem>>
        %dma_start3A = arith.constant 0 : i32
        %dma_start3A_156 = tpu.memref_slice %arg5[%add3A_137, %dma_start3A] : memref<48000x128xf32, #tpu.memory_space<hbm>> -> memref<400x128xf32, #tpu.memory_space<hbm>>
        %dma_start3A_157 = arith.constant 0 : i32
        %dma_start3A_158 = tpu.memref_slice %arg9[%mul3A_0, %dma_start3A_157] : memref<4000x128xf32, #tpu.memory_space<vmem_shared>> -> memref<400x128xf32, #tpu.memory_space<vmem_shared>>
        tpu.enqueue_dma source(%dma_start3A_158 : memref<400x128xf32, #tpu.memory_space<vmem_shared>>) target(%dma_start3A_156 : memref<400x128xf32, #tpu.memory_space<hbm>>) target_semaphore(%run_scoped3A : memref<!tpu.dma_semaphore, #tpu.memory_space<semaphore_mem>>)
        %dma_wait3A = arith.constant 0 : i32
        %dma_wait3A_159 = tpu.memref_slice %arg5[%add3A_137, %dma_wait3A] : memref<48000x128xf32, #tpu.memory_space<hbm>> -> memref<400x128xf32, #tpu.memory_space<hbm>>
        %dma_wait3A_160 = arith.constant 0 : i32
        %dma_wait3A_161 = tpu.memref_slice %arg9[%mul3A_0, %dma_wait3A_160] : memref<4000x128xf32, #tpu.memory_space<vmem_shared>> -> memref<400x128xf32, #tpu.memory_space<vmem_shared>>
        tpu.wait_dma2 semaphore(%run_scoped3A : memref<!tpu.dma_semaphore, #tpu.memory_space<semaphore_mem>>) src(%dma_wait3A_161 : memref<400x128xf32, #tpu.memory_space<vmem_shared>>) dst(%dma_wait3A_159 : memref<400x128xf32, #tpu.memory_space<hbm>>)
        tpu.yield
      }) : () -> ()
      %mul3A_138 = arith.constant 6 : i32
      %mul3A_139 = arith.muli %arg0, %mul3A_138 : i32
      %add3A_140 = arith.constant 0 : i32
      %add3A_141 = arith.addi %mul3A_139, %add3A_140 : i32
      %add3A_142 = arith.constant 1 : i32
      %add3A_143 = arith.addi %add3A_141, %add3A_142 : i32
      %mul3A_144 = arith.constant 4000 : i32
      %mul3A_145 = arith.muli %add3A_143, %mul3A_144 : i32
      %add3A_146 = arith.addi %mul3A_145, %mul3A_0 : i32
      "tpu.region"() ({
        %run_scoped3A = tpu.sem_alloc : memref<!tpu.dma_semaphore, #tpu.memory_space<semaphore_mem>>
        %dma_start3A = arith.constant 0 : i32
        %dma_start3A_156 = tpu.memref_slice %arg5[%add3A_146, %dma_start3A] : memref<48000x128xf32, #tpu.memory_space<hbm>> -> memref<400x128xf32, #tpu.memory_space<hbm>>
        %dma_start3A_157 = arith.constant 0 : i32
        %dma_start3A_158 = tpu.memref_slice %arg10[%mul3A_0, %dma_start3A_157] : memref<4000x128xf32, #tpu.memory_space<vmem_shared>> -> memref<400x128xf32, #tpu.memory_space<vmem_shared>>
        tpu.enqueue_dma source(%dma_start3A_158 : memref<400x128xf32, #tpu.memory_space<vmem_shared>>) target(%dma_start3A_156 : memref<400x128xf32, #tpu.memory_space<hbm>>) target_semaphore(%run_scoped3A : memref<!tpu.dma_semaphore, #tpu.memory_space<semaphore_mem>>)
        %dma_wait3A = arith.constant 0 : i32
        %dma_wait3A_159 = tpu.memref_slice %arg5[%add3A_146, %dma_wait3A] : memref<48000x128xf32, #tpu.memory_space<hbm>> -> memref<400x128xf32, #tpu.memory_space<hbm>>
        %dma_wait3A_160 = arith.constant 0 : i32
        %dma_wait3A_161 = tpu.memref_slice %arg10[%mul3A_0, %dma_wait3A_160] : memref<4000x128xf32, #tpu.memory_space<vmem_shared>> -> memref<400x128xf32, #tpu.memory_space<vmem_shared>>
        tpu.wait_dma2 semaphore(%run_scoped3A : memref<!tpu.dma_semaphore, #tpu.memory_space<semaphore_mem>>) src(%dma_wait3A_161 : memref<400x128xf32, #tpu.memory_space<vmem_shared>>) dst(%dma_wait3A_159 : memref<400x128xf32, #tpu.memory_space<hbm>>)
        tpu.yield
      }) : () -> ()
      %mul3A_147 = arith.constant 6 : i32
      %mul3A_148 = arith.muli %arg0, %mul3A_147 : i32
      %add3A_149 = arith.constant 0 : i32
      %add3A_150 = arith.addi %mul3A_148, %add3A_149 : i32
      %add3A_151 = arith.constant 2 : i32
      %add3A_152 = arith.addi %add3A_150, %add3A_151 : i32
      %mul3A_153 = arith.constant 4000 : i32
      %mul3A_154 = arith.muli %add3A_152, %mul3A_153 : i32
      %add3A_155 = arith.addi %mul3A_154, %mul3A_0 : i32
      "tpu.region"() ({
        %run_scoped3A = tpu.sem_alloc : memref<!tpu.dma_semaphore, #tpu.memory_space<semaphore_mem>>
        %dma_start3A = arith.constant 0 : i32
        %dma_start3A_156 = tpu.memref_slice %arg5[%add3A_155, %dma_start3A] : memref<48000x128xf32, #tpu.memory_space<hbm>> -> memref<400x128xf32, #tpu.memory_space<hbm>>
        %dma_start3A_157 = arith.constant 0 : i32
        %dma_start3A_158 = tpu.memref_slice %arg11[%mul3A_0, %dma_start3A_157] : memref<4000x128xf32, #tpu.memory_space<vmem_shared>> -> memref<400x128xf32, #tpu.memory_space<vmem_shared>>
        tpu.enqueue_dma source(%dma_start3A_158 : memref<400x128xf32, #tpu.memory_space<vmem_shared>>) target(%dma_start3A_156 : memref<400x128xf32, #tpu.memory_space<hbm>>) target_semaphore(%run_scoped3A : memref<!tpu.dma_semaphore, #tpu.memory_space<semaphore_mem>>)
        %dma_wait3A = arith.constant 0 : i32
        %dma_wait3A_159 = tpu.memref_slice %arg5[%add3A_155, %dma_wait3A] : memref<48000x128xf32, #tpu.memory_space<hbm>> -> memref<400x128xf32, #tpu.memory_space<hbm>>
        %dma_wait3A_160 = arith.constant 0 : i32
        %dma_wait3A_161 = tpu.memref_slice %arg11[%mul3A_0, %dma_wait3A_160] : memref<4000x128xf32, #tpu.memory_space<vmem_shared>> -> memref<400x128xf32, #tpu.memory_space<vmem_shared>>
        tpu.wait_dma2 semaphore(%run_scoped3A : memref<!tpu.dma_semaphore, #tpu.memory_space<semaphore_mem>>) src(%dma_wait3A_161 : memref<400x128xf32, #tpu.memory_space<vmem_shared>>) dst(%dma_wait3A_159 : memref<400x128xf32, #tpu.memory_space<hbm>>)
        tpu.yield
      }) : () -> ()
    } else {
    }
    %barrier3A_61 = arith.constant 0 : index
    tpu.barrier barrier_id(%barrier3A_61)
    %lt3A_62 = arith.constant 10 : i32
    %lt3A_63 = arith.cmpi slt, %arg1, %lt3A_62 : i32
    %convert_element_type3A_64 = arith.extui %lt3A_63 : i1 to i32
    %cond3A_65 = arith.constant 0 : i32
    %cond3A_66 = arith.cmpi ne, %convert_element_type3A_64, %cond3A_65 : i32
    scf.if %cond3A_66 {
      "tpu.region"() ({
        %run_scoped3A = tpu.sem_alloc : memref<!tpu.dma_semaphore, #tpu.memory_space<semaphore_mem>>
        %dma_start3A = arith.constant 0 : i32
        %dma_start3A_129 = tpu.memref_slice %arg9[%mul3A_0, %dma_start3A] : memref<4000x128xf32, #tpu.memory_space<vmem_shared>> -> memref<400x128xf32, #tpu.memory_space<vmem_shared>>
        tpu.enqueue_dma source(%arg4 : memref<400x128xf32, #tpu.memory_space<hbm>>) target(%dma_start3A_129 : memref<400x128xf32, #tpu.memory_space<vmem_shared>>) target_semaphore(%run_scoped3A : memref<!tpu.dma_semaphore, #tpu.memory_space<semaphore_mem>>)
        %dma_wait3A = arith.constant 0 : i32
        %dma_wait3A_130 = tpu.memref_slice %arg9[%mul3A_0, %dma_wait3A] : memref<4000x128xf32, #tpu.memory_space<vmem_shared>> -> memref<400x128xf32, #tpu.memory_space<vmem_shared>>
        tpu.wait_dma2 semaphore(%run_scoped3A : memref<!tpu.dma_semaphore, #tpu.memory_space<semaphore_mem>>) src(%arg4 : memref<400x128xf32, #tpu.memory_space<hbm>>) dst(%dma_wait3A_130 : memref<400x128xf32, #tpu.memory_space<vmem_shared>>)
        tpu.yield
      }) : () -> ()
      "tpu.region"() ({
        %run_scoped3A = tpu.sem_alloc : memref<!tpu.dma_semaphore, #tpu.memory_space<semaphore_mem>>
        %dma_start3A = arith.constant 0 : i32
        %dma_start3A_129 = tpu.memref_slice %arg10[%mul3A_0, %dma_start3A] : memref<4000x128xf32, #tpu.memory_space<vmem_shared>> -> memref<400x128xf32, #tpu.memory_space<vmem_shared>>
        tpu.enqueue_dma source(%arg4 : memref<400x128xf32, #tpu.memory_space<hbm>>) target(%dma_start3A_129 : memref<400x128xf32, #tpu.memory_space<vmem_shared>>) target_semaphore(%run_scoped3A : memref<!tpu.dma_semaphore, #tpu.memory_space<semaphore_mem>>)
        %dma_wait3A = arith.constant 0 : i32
        %dma_wait3A_130 = tpu.memref_slice %arg10[%mul3A_0, %dma_wait3A] : memref<4000x128xf32, #tpu.memory_space<vmem_shared>> -> memref<400x128xf32, #tpu.memory_space<vmem_shared>>
        tpu.wait_dma2 semaphore(%run_scoped3A : memref<!tpu.dma_semaphore, #tpu.memory_space<semaphore_mem>>) src(%arg4 : memref<400x128xf32, #tpu.memory_space<hbm>>) dst(%dma_wait3A_130 : memref<400x128xf32, #tpu.memory_space<vmem_shared>>)
        tpu.yield
      }) : () -> ()
      "tpu.region"() ({
        %run_scoped3A = tpu.sem_alloc : memref<!tpu.dma_semaphore, #tpu.memory_space<semaphore_mem>>
        %dma_start3A = arith.constant 0 : i32
        %dma_start3A_129 = tpu.memref_slice %arg11[%mul3A_0, %dma_start3A] : memref<4000x128xf32, #tpu.memory_space<vmem_shared>> -> memref<400x128xf32, #tpu.memory_space<vmem_shared>>
        tpu.enqueue_dma source(%arg4 : memref<400x128xf32, #tpu.memory_space<hbm>>) target(%dma_start3A_129 : memref<400x128xf32, #tpu.memory_space<vmem_shared>>) target_semaphore(%run_scoped3A : memref<!tpu.dma_semaphore, #tpu.memory_space<semaphore_mem>>)
        %dma_wait3A = arith.constant 0 : i32
        %dma_wait3A_130 = tpu.memref_slice %arg11[%mul3A_0, %dma_wait3A] : memref<4000x128xf32, #tpu.memory_space<vmem_shared>> -> memref<400x128xf32, #tpu.memory_space<vmem_shared>>
        tpu.wait_dma2 semaphore(%run_scoped3A : memref<!tpu.dma_semaphore, #tpu.memory_space<semaphore_mem>>) src(%arg4 : memref<400x128xf32, #tpu.memory_space<hbm>>) dst(%dma_wait3A_130 : memref<400x128xf32, #tpu.memory_space<vmem_shared>>)
        tpu.yield
      }) : () -> ()
    } else {
    }
    %barrier3A_67 = arith.constant 0 : index
    tpu.barrier barrier_id(%barrier3A_67)
    %mul3A_68 = arith.constant 6 : i32
    %mul3A_69 = arith.muli %arg0, %mul3A_68 : i32
    %add3A_70 = arith.constant 3 : i32
    %add3A_71 = arith.addi %mul3A_69, %add3A_70 : i32
    %add3A_72 = arith.constant 0 : i32
    %add3A_73 = arith.addi %add3A_71, %add3A_72 : i32
    %mul3A_74 = arith.constant 64000 : i32
    %mul3A_75 = arith.muli %add3A_73, %mul3A_74 : i32
    %mul3A_76 = arith.constant 4000 : i32
    %mul3A_77 = arith.muli %arg1, %mul3A_76 : i32
    %add3A_78 = arith.addi %mul3A_75, %mul3A_77 : i32
    %scan3A_79 = arith.constant 0 : i32
    %scan3A_80 = arith.constant 0 : i32
    %scan3A_81 = arith.constant 25 : i32
    %scan3A_82 = arith.addi %scan3A_80, %scan3A_81 : i32
    %scan3A_83 = arith.constant 1 : i32
    %scan3A_84 = scf.for %scan3A_129 = %scan3A_80 to %scan3A_82 step %scan3A_83 iter_args(%scan3A_130 = %scan3A_79) -> (i32)  : i32 {
      %mul3A_131 = arith.constant 160 : i32
      %mul3A_132 = arith.muli %scan3A_129, %mul3A_131 : i32
      %add3A_133 = arith.addi %add3A_78, %mul3A_132 : i32
      "tpu.region"() ({
        %run_scoped3A = tpu.sem_alloc : memref<!tpu.dma_semaphore, #tpu.memory_space<semaphore_mem>>
        %dma_start3A_147 = tpu.memref_slice %arg2[%add3A_133] : memref<768000xi32, #tpu.memory_space<hbm>> -> memref<80xi32, #tpu.memory_space<hbm>>
        %dma_start3A_148 = tpu.memref_slice %arg2[%add3A_133] : memref<768000xi32, #tpu.memory_space<hbm>> -> memref<80xi32, #tpu.memory_space<hbm>>
        tpu.enqueue_dma source(%dma_start3A_148 : memref<80xi32, #tpu.memory_space<hbm>>) target(%arg6 : memref<80xi32, #tpu.memory_space<vmem>>) target_semaphore(%run_scoped3A : memref<!tpu.dma_semaphore, #tpu.memory_space<semaphore_mem>>)
        %dma_wait3A_149 = tpu.memref_slice %arg2[%add3A_133] : memref<768000xi32, #tpu.memory_space<hbm>> -> memref<80xi32, #tpu.memory_space<hbm>>
        %dma_wait3A_150 = tpu.memref_slice %arg2[%add3A_133] : memref<768000xi32, #tpu.memory_space<hbm>> -> memref<80xi32, #tpu.memory_space<hbm>>
        tpu.wait_dma2 semaphore(%run_scoped3A : memref<!tpu.dma_semaphore, #tpu.memory_space<semaphore_mem>>) src(%dma_wait3A_150 : memref<80xi32, #tpu.memory_space<hbm>>) dst(%arg6 : memref<80xi32, #tpu.memory_space<vmem>>)
        tpu.yield
      }) : () -> ()
      %dma_start3A = arith.constant 0 : i32
      %dma_start3A_134 = arith.constant 0 : i32
      %dma_start3A_135 = tpu.memref_slice %arg9[%dma_start3A, %dma_start3A_134] : memref<4000x128xf32, #tpu.memory_space<vmem_shared>> -> memref<4000x128xf32, #tpu.memory_space<vmem_shared>>
      tpu.enqueue_indirect_dma source(%arg8 : memref<80x128xf32, #tpu.memory_space<vmem>>) target(%dma_start3A_135 : memref<4000x128xf32, #tpu.memory_space<vmem_shared>>) offsets(%arg6 : memref<80xi32, #tpu.memory_space<vmem>>) semaphore(%arg12 : memref<!tpu.dma_semaphore, #tpu.memory_space<semaphore_mem>>) {add = true}
      %add3A_136 = arith.constant 80 : i32
      %add3A_137 = arith.addi %add3A_133, %add3A_136 : i32
      "tpu.region"() ({
        %run_scoped3A = tpu.sem_alloc : memref<!tpu.dma_semaphore, #tpu.memory_space<semaphore_mem>>
        %dma_start3A_147 = tpu.memref_slice %arg2[%add3A_137] : memref<768000xi32, #tpu.memory_space<hbm>> -> memref<80xi32, #tpu.memory_space<hbm>>
        %dma_start3A_148 = tpu.memref_slice %arg2[%add3A_137] : memref<768000xi32, #tpu.memory_space<hbm>> -> memref<80xi32, #tpu.memory_space<hbm>>
        tpu.enqueue_dma source(%dma_start3A_148 : memref<80xi32, #tpu.memory_space<hbm>>) target(%arg7 : memref<80xi32, #tpu.memory_space<vmem>>) target_semaphore(%run_scoped3A : memref<!tpu.dma_semaphore, #tpu.memory_space<semaphore_mem>>)
        %dma_wait3A_149 = tpu.memref_slice %arg2[%add3A_137] : memref<768000xi32, #tpu.memory_space<hbm>> -> memref<80xi32, #tpu.memory_space<hbm>>
        %dma_wait3A_150 = tpu.memref_slice %arg2[%add3A_137] : memref<768000xi32, #tpu.memory_space<hbm>> -> memref<80xi32, #tpu.memory_space<hbm>>
        tpu.wait_dma2 semaphore(%run_scoped3A : memref<!tpu.dma_semaphore, #tpu.memory_space<semaphore_mem>>) src(%dma_wait3A_150 : memref<80xi32, #tpu.memory_space<hbm>>) dst(%arg7 : memref<80xi32, #tpu.memory_space<vmem>>)
        tpu.yield
      }) : () -> ()
      %dma_start3A_138 = arith.constant 0 : i32
      %dma_start3A_139 = arith.constant 0 : i32
      %dma_start3A_140 = tpu.memref_slice %arg9[%dma_start3A_138, %dma_start3A_139] : memref<4000x128xf32, #tpu.memory_space<vmem_shared>> -> memref<4000x128xf32, #tpu.memory_space<vmem_shared>>
      tpu.enqueue_indirect_dma source(%arg8 : memref<80x128xf32, #tpu.memory_space<vmem>>) target(%dma_start3A_140 : memref<4000x128xf32, #tpu.memory_space<vmem_shared>>) offsets(%arg7 : memref<80xi32, #tpu.memory_space<vmem>>) semaphore(%arg13 : memref<!tpu.dma_semaphore, #tpu.memory_space<semaphore_mem>>) {add = true}
      %dma_wait3A = arith.constant 0 : i32
      %dma_wait3A_141 = arith.constant 0 : i32
      %dma_wait3A_142 = tpu.memref_slice %arg9[%dma_wait3A, %dma_wait3A_141] : memref<4000x128xf32, #tpu.memory_space<vmem_shared>> -> memref<4000x128xf32, #tpu.memory_space<vmem_shared>>
      tpu.wait_indirect_dma semaphore(%arg12 : memref<!tpu.dma_semaphore, #tpu.memory_space<semaphore_mem>>) src(%arg8 : memref<80x128xf32, #tpu.memory_space<vmem>>) dst(%dma_wait3A_142 : memref<4000x128xf32, #tpu.memory_space<vmem_shared>>)
      %dma_wait3A_143 = arith.constant 0 : i32
      %dma_wait3A_144 = arith.constant 0 : i32
      %dma_wait3A_145 = tpu.memref_slice %arg9[%dma_wait3A_143, %dma_wait3A_144] : memref<4000x128xf32, #tpu.memory_space<vmem_shared>> -> memref<4000x128xf32, #tpu.memory_space<vmem_shared>>
      tpu.wait_indirect_dma semaphore(%arg13 : memref<!tpu.dma_semaphore, #tpu.memory_space<semaphore_mem>>) src(%arg8 : memref<80x128xf32, #tpu.memory_space<vmem>>) dst(%dma_wait3A_145 : memref<4000x128xf32, #tpu.memory_space<vmem_shared>>)
      %scan3A_146 = arith.constant 0 : i32
      scf.yield %scan3A_146 : i32
    }
    %scan3A_85 = arith.constant 25 : i32
    %mul3A_86 = arith.constant 6 : i32
    %mul3A_87 = arith.muli %arg0, %mul3A_86 : i32
    %add3A_88 = arith.constant 3 : i32
    %add3A_89 = arith.addi %mul3A_87, %add3A_88 : i32
    %add3A_90 = arith.constant 1 : i32
    %add3A_91 = arith.addi %add3A_89, %add3A_90 : i32
    %mul3A_92 = arith.constant 64000 : i32
    %mul3A_93 = arith.muli %add3A_91, %mul3A_92 : i32
    %mul3A_94 = arith.constant 4000 : i32
    %mul3A_95 = arith.muli %arg1, %mul3A_94 : i32
    %add3A_96 = arith.addi %mul3A_93, %mul3A_95 : i32
    %scan3A_97 = arith.constant 0 : i32
    %scan3A_98 = arith.constant 0 : i32
    %scan3A_99 = arith.constant 25 : i32
    %scan3A_100 = arith.addi %scan3A_98, %scan3A_99 : i32
    %scan3A_101 = arith.constant 1 : i32
    %scan3A_102 = scf.for %scan3A_129 = %scan3A_98 to %scan3A_100 step %scan3A_101 iter_args(%scan3A_130 = %scan3A_97) -> (i32)  : i32 {
      %mul3A_131 = arith.constant 160 : i32
      %mul3A_132 = arith.muli %scan3A_129, %mul3A_131 : i32
      %add3A_133 = arith.addi %add3A_96, %mul3A_132 : i32
      "tpu.region"() ({
        %run_scoped3A = tpu.sem_alloc : memref<!tpu.dma_semaphore, #tpu.memory_space<semaphore_mem>>
        %dma_start3A_147 = tpu.memref_slice %arg2[%add3A_133] : memref<768000xi32, #tpu.memory_space<hbm>> -> memref<80xi32, #tpu.memory_space<hbm>>
        %dma_start3A_148 = tpu.memref_slice %arg2[%add3A_133] : memref<768000xi32, #tpu.memory_space<hbm>> -> memref<80xi32, #tpu.memory_space<hbm>>
        tpu.enqueue_dma source(%dma_start3A_148 : memref<80xi32, #tpu.memory_space<hbm>>) target(%arg6 : memref<80xi32, #tpu.memory_space<vmem>>) target_semaphore(%run_scoped3A : memref<!tpu.dma_semaphore, #tpu.memory_space<semaphore_mem>>)
        %dma_wait3A_149 = tpu.memref_slice %arg2[%add3A_133] : memref<768000xi32, #tpu.memory_space<hbm>> -> memref<80xi32, #tpu.memory_space<hbm>>
        %dma_wait3A_150 = tpu.memref_slice %arg2[%add3A_133] : memref<768000xi32, #tpu.memory_space<hbm>> -> memref<80xi32, #tpu.memory_space<hbm>>
        tpu.wait_dma2 semaphore(%run_scoped3A : memref<!tpu.dma_semaphore, #tpu.memory_space<semaphore_mem>>) src(%dma_wait3A_150 : memref<80xi32, #tpu.memory_space<hbm>>) dst(%arg6 : memref<80xi32, #tpu.memory_space<vmem>>)
        tpu.yield
      }) : () -> ()
      %dma_start3A = arith.constant 0 : i32
      %dma_start3A_134 = arith.constant 0 : i32
      %dma_start3A_135 = tpu.memref_slice %arg10[%dma_start3A, %dma_start3A_134] : memref<4000x128xf32, #tpu.memory_space<vmem_shared>> -> memref<4000x128xf32, #tpu.memory_space<vmem_shared>>
      tpu.enqueue_indirect_dma source(%arg8 : memref<80x128xf32, #tpu.memory_space<vmem>>) target(%dma_start3A_135 : memref<4000x128xf32, #tpu.memory_space<vmem_shared>>) offsets(%arg6 : memref<80xi32, #tpu.memory_space<vmem>>) semaphore(%arg12 : memref<!tpu.dma_semaphore, #tpu.memory_space<semaphore_mem>>) {add = true}
      %add3A_136 = arith.constant 80 : i32
      %add3A_137 = arith.addi %add3A_133, %add3A_136 : i32
      "tpu.region"() ({
        %run_scoped3A = tpu.sem_alloc : memref<!tpu.dma_semaphore, #tpu.memory_space<semaphore_mem>>
        %dma_start3A_147 = tpu.memref_slice %arg2[%add3A_137] : memref<768000xi32, #tpu.memory_space<hbm>> -> memref<80xi32, #tpu.memory_space<hbm>>
        %dma_start3A_148 = tpu.memref_slice %arg2[%add3A_137] : memref<768000xi32, #tpu.memory_space<hbm>> -> memref<80xi32, #tpu.memory_space<hbm>>
        tpu.enqueue_dma source(%dma_start3A_148 : memref<80xi32, #tpu.memory_space<hbm>>) target(%arg7 : memref<80xi32, #tpu.memory_space<vmem>>) target_semaphore(%run_scoped3A : memref<!tpu.dma_semaphore, #tpu.memory_space<semaphore_mem>>)
        %dma_wait3A_149 = tpu.memref_slice %arg2[%add3A_137] : memref<768000xi32, #tpu.memory_space<hbm>> -> memref<80xi32, #tpu.memory_space<hbm>>
        %dma_wait3A_150 = tpu.memref_slice %arg2[%add3A_137] : memref<768000xi32, #tpu.memory_space<hbm>> -> memref<80xi32, #tpu.memory_space<hbm>>
        tpu.wait_dma2 semaphore(%run_scoped3A : memref<!tpu.dma_semaphore, #tpu.memory_space<semaphore_mem>>) src(%dma_wait3A_150 : memref<80xi32, #tpu.memory_space<hbm>>) dst(%arg7 : memref<80xi32, #tpu.memory_space<vmem>>)
        tpu.yield
      }) : () -> ()
      %dma_start3A_138 = arith.constant 0 : i32
      %dma_start3A_139 = arith.constant 0 : i32
      %dma_start3A_140 = tpu.memref_slice %arg10[%dma_start3A_138, %dma_start3A_139] : memref<4000x128xf32, #tpu.memory_space<vmem_shared>> -> memref<4000x128xf32, #tpu.memory_space<vmem_shared>>
      tpu.enqueue_indirect_dma source(%arg8 : memref<80x128xf32, #tpu.memory_space<vmem>>) target(%dma_start3A_140 : memref<4000x128xf32, #tpu.memory_space<vmem_shared>>) offsets(%arg7 : memref<80xi32, #tpu.memory_space<vmem>>) semaphore(%arg13 : memref<!tpu.dma_semaphore, #tpu.memory_space<semaphore_mem>>) {add = true}
      %dma_wait3A = arith.constant 0 : i32
      %dma_wait3A_141 = arith.constant 0 : i32
      %dma_wait3A_142 = tpu.memref_slice %arg10[%dma_wait3A, %dma_wait3A_141] : memref<4000x128xf32, #tpu.memory_space<vmem_shared>> -> memref<4000x128xf32, #tpu.memory_space<vmem_shared>>
      tpu.wait_indirect_dma semaphore(%arg12 : memref<!tpu.dma_semaphore, #tpu.memory_space<semaphore_mem>>) src(%arg8 : memref<80x128xf32, #tpu.memory_space<vmem>>) dst(%dma_wait3A_142 : memref<4000x128xf32, #tpu.memory_space<vmem_shared>>)
      %dma_wait3A_143 = arith.constant 0 : i32
      %dma_wait3A_144 = arith.constant 0 : i32
      %dma_wait3A_145 = tpu.memref_slice %arg10[%dma_wait3A_143, %dma_wait3A_144] : memref<4000x128xf32, #tpu.memory_space<vmem_shared>> -> memref<4000x128xf32, #tpu.memory_space<vmem_shared>>
      tpu.wait_indirect_dma semaphore(%arg13 : memref<!tpu.dma_semaphore, #tpu.memory_space<semaphore_mem>>) src(%arg8 : memref<80x128xf32, #tpu.memory_space<vmem>>) dst(%dma_wait3A_145 : memref<4000x128xf32, #tpu.memory_space<vmem_shared>>)
      %scan3A_146 = arith.constant 0 : i32
      scf.yield %scan3A_146 : i32
    }
    %scan3A_103 = arith.constant 25 : i32
    %mul3A_104 = arith.constant 6 : i32
    %mul3A_105 = arith.muli %arg0, %mul3A_104 : i32
    %add3A_106 = arith.constant 3 : i32
    %add3A_107 = arith.addi %mul3A_105, %add3A_106 : i32
    %add3A_108 = arith.constant 2 : i32
    %add3A_109 = arith.addi %add3A_107, %add3A_108 : i32
    %mul3A_110 = arith.constant 64000 : i32
    %mul3A_111 = arith.muli %add3A_109, %mul3A_110 : i32
    %mul3A_112 = arith.constant 4000 : i32
    %mul3A_113 = arith.muli %arg1, %mul3A_112 : i32
    %add3A_114 = arith.addi %mul3A_111, %mul3A_113 : i32
    %scan3A_115 = arith.constant 0 : i32
    %scan3A_116 = arith.constant 0 : i32
    %scan3A_117 = arith.constant 25 : i32
    %scan3A_118 = arith.addi %scan3A_116, %scan3A_117 : i32
    %scan3A_119 = arith.constant 1 : i32
    %scan3A_120 = scf.for %scan3A_129 = %scan3A_116 to %scan3A_118 step %scan3A_119 iter_args(%scan3A_130 = %scan3A_115) -> (i32)  : i32 {
      %mul3A_131 = arith.constant 160 : i32
      %mul3A_132 = arith.muli %scan3A_129, %mul3A_131 : i32
      %add3A_133 = arith.addi %add3A_114, %mul3A_132 : i32
      "tpu.region"() ({
        %run_scoped3A = tpu.sem_alloc : memref<!tpu.dma_semaphore, #tpu.memory_space<semaphore_mem>>
        %dma_start3A_147 = tpu.memref_slice %arg2[%add3A_133] : memref<768000xi32, #tpu.memory_space<hbm>> -> memref<80xi32, #tpu.memory_space<hbm>>
        %dma_start3A_148 = tpu.memref_slice %arg2[%add3A_133] : memref<768000xi32, #tpu.memory_space<hbm>> -> memref<80xi32, #tpu.memory_space<hbm>>
        tpu.enqueue_dma source(%dma_start3A_148 : memref<80xi32, #tpu.memory_space<hbm>>) target(%arg6 : memref<80xi32, #tpu.memory_space<vmem>>) target_semaphore(%run_scoped3A : memref<!tpu.dma_semaphore, #tpu.memory_space<semaphore_mem>>)
        %dma_wait3A_149 = tpu.memref_slice %arg2[%add3A_133] : memref<768000xi32, #tpu.memory_space<hbm>> -> memref<80xi32, #tpu.memory_space<hbm>>
        %dma_wait3A_150 = tpu.memref_slice %arg2[%add3A_133] : memref<768000xi32, #tpu.memory_space<hbm>> -> memref<80xi32, #tpu.memory_space<hbm>>
        tpu.wait_dma2 semaphore(%run_scoped3A : memref<!tpu.dma_semaphore, #tpu.memory_space<semaphore_mem>>) src(%dma_wait3A_150 : memref<80xi32, #tpu.memory_space<hbm>>) dst(%arg6 : memref<80xi32, #tpu.memory_space<vmem>>)
        tpu.yield
      }) : () -> ()
      %dma_start3A = arith.constant 0 : i32
      %dma_start3A_134 = arith.constant 0 : i32
      %dma_start3A_135 = tpu.memref_slice %arg11[%dma_start3A, %dma_start3A_134] : memref<4000x128xf32, #tpu.memory_space<vmem_shared>> -> memref<4000x128xf32, #tpu.memory_space<vmem_shared>>
      tpu.enqueue_indirect_dma source(%arg8 : memref<80x128xf32, #tpu.memory_space<vmem>>) target(%dma_start3A_135 : memref<4000x128xf32, #tpu.memory_space<vmem_shared>>) offsets(%arg6 : memref<80xi32, #tpu.memory_space<vmem>>) semaphore(%arg12 : memref<!tpu.dma_semaphore, #tpu.memory_space<semaphore_mem>>) {add = true}
      %add3A_136 = arith.constant 80 : i32
      %add3A_137 = arith.addi %add3A_133, %add3A_136 : i32
      "tpu.region"() ({
        %run_scoped3A = tpu.sem_alloc : memref<!tpu.dma_semaphore, #tpu.memory_space<semaphore_mem>>
        %dma_start3A_147 = tpu.memref_slice %arg2[%add3A_137] : memref<768000xi32, #tpu.memory_space<hbm>> -> memref<80xi32, #tpu.memory_space<hbm>>
        %dma_start3A_148 = tpu.memref_slice %arg2[%add3A_137] : memref<768000xi32, #tpu.memory_space<hbm>> -> memref<80xi32, #tpu.memory_space<hbm>>
        tpu.enqueue_dma source(%dma_start3A_148 : memref<80xi32, #tpu.memory_space<hbm>>) target(%arg7 : memref<80xi32, #tpu.memory_space<vmem>>) target_semaphore(%run_scoped3A : memref<!tpu.dma_semaphore, #tpu.memory_space<semaphore_mem>>)
        %dma_wait3A_149 = tpu.memref_slice %arg2[%add3A_137] : memref<768000xi32, #tpu.memory_space<hbm>> -> memref<80xi32, #tpu.memory_space<hbm>>
        %dma_wait3A_150 = tpu.memref_slice %arg2[%add3A_137] : memref<768000xi32, #tpu.memory_space<hbm>> -> memref<80xi32, #tpu.memory_space<hbm>>
        tpu.wait_dma2 semaphore(%run_scoped3A : memref<!tpu.dma_semaphore, #tpu.memory_space<semaphore_mem>>) src(%dma_wait3A_150 : memref<80xi32, #tpu.memory_space<hbm>>) dst(%arg7 : memref<80xi32, #tpu.memory_space<vmem>>)
        tpu.yield
      }) : () -> ()
      %dma_start3A_138 = arith.constant 0 : i32
      %dma_start3A_139 = arith.constant 0 : i32
      %dma_start3A_140 = tpu.memref_slice %arg11[%dma_start3A_138, %dma_start3A_139] : memref<4000x128xf32, #tpu.memory_space<vmem_shared>> -> memref<4000x128xf32, #tpu.memory_space<vmem_shared>>
      tpu.enqueue_indirect_dma source(%arg8 : memref<80x128xf32, #tpu.memory_space<vmem>>) target(%dma_start3A_140 : memref<4000x128xf32, #tpu.memory_space<vmem_shared>>) offsets(%arg7 : memref<80xi32, #tpu.memory_space<vmem>>) semaphore(%arg13 : memref<!tpu.dma_semaphore, #tpu.memory_space<semaphore_mem>>) {add = true}
      %dma_wait3A = arith.constant 0 : i32
      %dma_wait3A_141 = arith.constant 0 : i32
      %dma_wait3A_142 = tpu.memref_slice %arg11[%dma_wait3A, %dma_wait3A_141] : memref<4000x128xf32, #tpu.memory_space<vmem_shared>> -> memref<4000x128xf32, #tpu.memory_space<vmem_shared>>
      tpu.wait_indirect_dma semaphore(%arg12 : memref<!tpu.dma_semaphore, #tpu.memory_space<semaphore_mem>>) src(%arg8 : memref<80x128xf32, #tpu.memory_space<vmem>>) dst(%dma_wait3A_142 : memref<4000x128xf32, #tpu.memory_space<vmem_shared>>)
      %dma_wait3A_143 = arith.constant 0 : i32
      %dma_wait3A_144 = arith.constant 0 : i32
      %dma_wait3A_145 = tpu.memref_slice %arg11[%dma_wait3A_143, %dma_wait3A_144] : memref<4000x128xf32, #tpu.memory_space<vmem_shared>> -> memref<4000x128xf32, #tpu.memory_space<vmem_shared>>
      tpu.wait_indirect_dma semaphore(%arg13 : memref<!tpu.dma_semaphore, #tpu.memory_space<semaphore_mem>>) src(%arg8 : memref<80x128xf32, #tpu.memory_space<vmem>>) dst(%dma_wait3A_145 : memref<4000x128xf32, #tpu.memory_space<vmem_shared>>)
      %scan3A_146 = arith.constant 0 : i32
      scf.yield %scan3A_146 : i32
    }
    %scan3A_121 = arith.constant 25 : i32
    %barrier3A_122 = arith.constant 0 : index
    tpu.barrier barrier_id(%barrier3A_122)
    %lt3A_123 = arith.constant 10 : i32
    %lt3A_124 = arith.cmpi slt, %arg1, %lt3A_123 : i32
    %convert_element_type3A_125 = arith.extui %lt3A_124 : i1 to i32
    %cond3A_126 = arith.constant 0 : i32
    %cond3A_127 = arith.cmpi ne, %convert_element_type3A_125, %cond3A_126 : i32
    scf.if %cond3A_127 {
      %mul3A_129 = arith.constant 6 : i32
      %mul3A_130 = arith.muli %arg0, %mul3A_129 : i32
      %add3A_131 = arith.constant 3 : i32
      %add3A_132 = arith.addi %mul3A_130, %add3A_131 : i32
      %add3A_133 = arith.constant 0 : i32
      %add3A_134 = arith.addi %add3A_132, %add3A_133 : i32
      %mul3A_135 = arith.constant 4000 : i32
      %mul3A_136 = arith.muli %add3A_134, %mul3A_135 : i32
      %add3A_137 = arith.addi %mul3A_136, %mul3A_0 : i32
      "tpu.region"() ({
        %run_scoped3A = tpu.sem_alloc : memref<!tpu.dma_semaphore, #tpu.memory_space<semaphore_mem>>
        %dma_start3A = arith.constant 0 : i32
        %dma_start3A_156 = tpu.memref_slice %arg5[%add3A_137, %dma_start3A] : memref<48000x128xf32, #tpu.memory_space<hbm>> -> memref<400x128xf32, #tpu.memory_space<hbm>>
        %dma_start3A_157 = arith.constant 0 : i32
        %dma_start3A_158 = tpu.memref_slice %arg9[%mul3A_0, %dma_start3A_157] : memref<4000x128xf32, #tpu.memory_space<vmem_shared>> -> memref<400x128xf32, #tpu.memory_space<vmem_shared>>
        tpu.enqueue_dma source(%dma_start3A_158 : memref<400x128xf32, #tpu.memory_space<vmem_shared>>) target(%dma_start3A_156 : memref<400x128xf32, #tpu.memory_space<hbm>>) target_semaphore(%run_scoped3A : memref<!tpu.dma_semaphore, #tpu.memory_space<semaphore_mem>>)
        %dma_wait3A = arith.constant 0 : i32
        %dma_wait3A_159 = tpu.memref_slice %arg5[%add3A_137, %dma_wait3A] : memref<48000x128xf32, #tpu.memory_space<hbm>> -> memref<400x128xf32, #tpu.memory_space<hbm>>
        %dma_wait3A_160 = arith.constant 0 : i32
        %dma_wait3A_161 = tpu.memref_slice %arg9[%mul3A_0, %dma_wait3A_160] : memref<4000x128xf32, #tpu.memory_space<vmem_shared>> -> memref<400x128xf32, #tpu.memory_space<vmem_shared>>
        tpu.wait_dma2 semaphore(%run_scoped3A : memref<!tpu.dma_semaphore, #tpu.memory_space<semaphore_mem>>) src(%dma_wait3A_161 : memref<400x128xf32, #tpu.memory_space<vmem_shared>>) dst(%dma_wait3A_159 : memref<400x128xf32, #tpu.memory_space<hbm>>)
        tpu.yield
      }) : () -> ()
      %mul3A_138 = arith.constant 6 : i32
      %mul3A_139 = arith.muli %arg0, %mul3A_138 : i32
      %add3A_140 = arith.constant 3 : i32
      %add3A_141 = arith.addi %mul3A_139, %add3A_140 : i32
      %add3A_142 = arith.constant 1 : i32
      %add3A_143 = arith.addi %add3A_141, %add3A_142 : i32
      %mul3A_144 = arith.constant 4000 : i32
      %mul3A_145 = arith.muli %add3A_143, %mul3A_144 : i32
      %add3A_146 = arith.addi %mul3A_145, %mul3A_0 : i32
      "tpu.region"() ({
        %run_scoped3A = tpu.sem_alloc : memref<!tpu.dma_semaphore, #tpu.memory_space<semaphore_mem>>
        %dma_start3A = arith.constant 0 : i32
        %dma_start3A_156 = tpu.memref_slice %arg5[%add3A_146, %dma_start3A] : memref<48000x128xf32, #tpu.memory_space<hbm>> -> memref<400x128xf32, #tpu.memory_space<hbm>>
        %dma_start3A_157 = arith.constant 0 : i32
        %dma_start3A_158 = tpu.memref_slice %arg10[%mul3A_0, %dma_start3A_157] : memref<4000x128xf32, #tpu.memory_space<vmem_shared>> -> memref<400x128xf32, #tpu.memory_space<vmem_shared>>
        tpu.enqueue_dma source(%dma_start3A_158 : memref<400x128xf32, #tpu.memory_space<vmem_shared>>) target(%dma_start3A_156 : memref<400x128xf32, #tpu.memory_space<hbm>>) target_semaphore(%run_scoped3A : memref<!tpu.dma_semaphore, #tpu.memory_space<semaphore_mem>>)
        %dma_wait3A = arith.constant 0 : i32
        %dma_wait3A_159 = tpu.memref_slice %arg5[%add3A_146, %dma_wait3A] : memref<48000x128xf32, #tpu.memory_space<hbm>> -> memref<400x128xf32, #tpu.memory_space<hbm>>
        %dma_wait3A_160 = arith.constant 0 : i32
        %dma_wait3A_161 = tpu.memref_slice %arg10[%mul3A_0, %dma_wait3A_160] : memref<4000x128xf32, #tpu.memory_space<vmem_shared>> -> memref<400x128xf32, #tpu.memory_space<vmem_shared>>
        tpu.wait_dma2 semaphore(%run_scoped3A : memref<!tpu.dma_semaphore, #tpu.memory_space<semaphore_mem>>) src(%dma_wait3A_161 : memref<400x128xf32, #tpu.memory_space<vmem_shared>>) dst(%dma_wait3A_159 : memref<400x128xf32, #tpu.memory_space<hbm>>)
        tpu.yield
      }) : () -> ()
      %mul3A_147 = arith.constant 6 : i32
      %mul3A_148 = arith.muli %arg0, %mul3A_147 : i32
      %add3A_149 = arith.constant 3 : i32
      %add3A_150 = arith.addi %mul3A_148, %add3A_149 : i32
      %add3A_151 = arith.constant 2 : i32
      %add3A_152 = arith.addi %add3A_150, %add3A_151 : i32
      %mul3A_153 = arith.constant 4000 : i32
      %mul3A_154 = arith.muli %add3A_152, %mul3A_153 : i32
      %add3A_155 = arith.addi %mul3A_154, %mul3A_0 : i32
      "tpu.region"() ({
        %run_scoped3A = tpu.sem_alloc : memref<!tpu.dma_semaphore, #tpu.memory_space<semaphore_mem>>
        %dma_start3A = arith.constant 0 : i32
        %dma_start3A_156 = tpu.memref_slice %arg5[%add3A_155, %dma_start3A] : memref<48000x128xf32, #tpu.memory_space<hbm>> -> memref<400x128xf32, #tpu.memory_space<hbm>>
        %dma_start3A_157 = arith.constant 0 : i32
        %dma_start3A_158 = tpu.memref_slice %arg11[%mul3A_0, %dma_start3A_157] : memref<4000x128xf32, #tpu.memory_space<vmem_shared>> -> memref<400x128xf32, #tpu.memory_space<vmem_shared>>
        tpu.enqueue_dma source(%dma_start3A_158 : memref<400x128xf32, #tpu.memory_space<vmem_shared>>) target(%dma_start3A_156 : memref<400x128xf32, #tpu.memory_space<hbm>>) target_semaphore(%run_scoped3A : memref<!tpu.dma_semaphore, #tpu.memory_space<semaphore_mem>>)
        %dma_wait3A = arith.constant 0 : i32
        %dma_wait3A_159 = tpu.memref_slice %arg5[%add3A_155, %dma_wait3A] : memref<48000x128xf32, #tpu.memory_space<hbm>> -> memref<400x128xf32, #tpu.memory_space<hbm>>
        %dma_wait3A_160 = arith.constant 0 : i32
        %dma_wait3A_161 = tpu.memref_slice %arg11[%mul3A_0, %dma_wait3A_160] : memref<4000x128xf32, #tpu.memory_space<vmem_shared>> -> memref<400x128xf32, #tpu.memory_space<vmem_shared>>
        tpu.wait_dma2 semaphore(%run_scoped3A : memref<!tpu.dma_semaphore, #tpu.memory_space<semaphore_mem>>) src(%dma_wait3A_161 : memref<400x128xf32, #tpu.memory_space<vmem_shared>>) dst(%dma_wait3A_159 : memref<400x128xf32, #tpu.memory_space<hbm>>)
        tpu.yield
      }) : () -> ()
    } else {
    }
    %barrier3A_128 = arith.constant 0 : index
    tpu.barrier barrier_id(%barrier3A_128)
    return
  }
}

#map = affine_map<(d0, d1) -> (0, 0)>
#map1 = affine_map<(d0, d1) -> (0)>
module attributes {stable_mosaic.version = 14 : i64} {
  func.func @_aggregate_body(%arg0: i32, %arg1: i32, %arg2: memref<24000x128xf32, #tpu.memory_space<hbm>>, %arg3: memref<384000xi32, #tpu.memory_space<hbm>>, %arg4: memref<384000xi32, #tpu.memory_space<hbm>>, %arg5: memref<400x128xf32, #tpu.memory_space<hbm>>, %arg6: memref<24000x128xf32, #tpu.memory_space<hbm>>, %arg7: memref<80xi32, #tpu.memory_space<vmem>>, %arg8: memref<80xi32, #tpu.memory_space<vmem>>, %arg9: memref<80xi32, #tpu.memory_space<vmem>>, %arg10: memref<80x128xf32, #tpu.memory_space<vmem>>, %arg11: memref<80xi32, #tpu.memory_space<vmem>>, %arg12: memref<80xi32, #tpu.memory_space<vmem>>, %arg13: memref<80xi32, #tpu.memory_space<vmem>>, %arg14: memref<80x128xf32, #tpu.memory_space<vmem>>, %arg15: memref<4000x128xf32, #tpu.memory_space<vmem_shared>>, %arg16: memref<4000x128xf32, #tpu.memory_space<vmem_shared>>, %arg17: memref<4000x128xf32, #tpu.memory_space<vmem_shared>>, %arg18: memref<!tpu.dma_semaphore, #tpu.memory_space<semaphore_mem>>, %arg19: memref<!tpu.dma_semaphore, #tpu.memory_space<semaphore_mem>>, %arg20: memref<!tpu.dma_semaphore, #tpu.memory_space<semaphore_mem>>, %arg21: memref<!tpu.dma_semaphore, #tpu.memory_space<semaphore_mem>>) attributes {dimension_semantics = [#tpu.dimension_semantics<core_parallel>, #tpu.dimension_semantics<subcore_parallel>], iteration_bounds = array<i64: 2, 16>, scalar_prefetch = 0 : i64, scratch_operands = 15 : i64, tpu.core_type = #tpu.core_type<sc_vector_subcore>, window_params = [{transform_indices = #map}, {transform_indices = #map1}, {transform_indices = #map1}, {transform_indices = #map}, {transform_indices = #map}]} {
    %mul3A = arith.constant 400 : i32
    %mul3A_0 = arith.muli %arg1, %mul3A : i32
    %lt3A = arith.constant 10 : i32
    %lt3A_1 = arith.cmpi slt, %arg1, %lt3A : i32
    %convert_element_type3A = arith.extui %lt3A_1 : i1 to i32
    %cond3A = arith.constant 0 : i32
    %cond3A_2 = arith.cmpi ne, %convert_element_type3A, %cond3A : i32
    scf.if %cond3A_2 {
      "tpu.region"() ({
        %run_scoped3A = tpu.sem_alloc : memref<!tpu.dma_semaphore, #tpu.memory_space<semaphore_mem>>
        %dma_start3A = arith.constant 0 : i32
        %dma_start3A_55 = tpu.memref_slice %arg15[%mul3A_0, %dma_start3A] : memref<4000x128xf32, #tpu.memory_space<vmem_shared>> -> memref<400x128xf32, #tpu.memory_space<vmem_shared>>
        tpu.enqueue_dma source(%arg5 : memref<400x128xf32, #tpu.memory_space<hbm>>) target(%dma_start3A_55 : memref<400x128xf32, #tpu.memory_space<vmem_shared>>) target_semaphore(%run_scoped3A : memref<!tpu.dma_semaphore, #tpu.memory_space<semaphore_mem>>)
        %dma_wait3A = arith.constant 0 : i32
        %dma_wait3A_56 = tpu.memref_slice %arg15[%mul3A_0, %dma_wait3A] : memref<4000x128xf32, #tpu.memory_space<vmem_shared>> -> memref<400x128xf32, #tpu.memory_space<vmem_shared>>
        tpu.wait_dma2 semaphore(%run_scoped3A : memref<!tpu.dma_semaphore, #tpu.memory_space<semaphore_mem>>) src(%arg5 : memref<400x128xf32, #tpu.memory_space<hbm>>) dst(%dma_wait3A_56 : memref<400x128xf32, #tpu.memory_space<vmem_shared>>)
        tpu.yield
      }) : () -> ()
      "tpu.region"() ({
        %run_scoped3A = tpu.sem_alloc : memref<!tpu.dma_semaphore, #tpu.memory_space<semaphore_mem>>
        %dma_start3A = arith.constant 0 : i32
        %dma_start3A_55 = tpu.memref_slice %arg16[%mul3A_0, %dma_start3A] : memref<4000x128xf32, #tpu.memory_space<vmem_shared>> -> memref<400x128xf32, #tpu.memory_space<vmem_shared>>
        tpu.enqueue_dma source(%arg5 : memref<400x128xf32, #tpu.memory_space<hbm>>) target(%dma_start3A_55 : memref<400x128xf32, #tpu.memory_space<vmem_shared>>) target_semaphore(%run_scoped3A : memref<!tpu.dma_semaphore, #tpu.memory_space<semaphore_mem>>)
        %dma_wait3A = arith.constant 0 : i32
        %dma_wait3A_56 = tpu.memref_slice %arg16[%mul3A_0, %dma_wait3A] : memref<4000x128xf32, #tpu.memory_space<vmem_shared>> -> memref<400x128xf32, #tpu.memory_space<vmem_shared>>
        tpu.wait_dma2 semaphore(%run_scoped3A : memref<!tpu.dma_semaphore, #tpu.memory_space<semaphore_mem>>) src(%arg5 : memref<400x128xf32, #tpu.memory_space<hbm>>) dst(%dma_wait3A_56 : memref<400x128xf32, #tpu.memory_space<vmem_shared>>)
        tpu.yield
      }) : () -> ()
      "tpu.region"() ({
        %run_scoped3A = tpu.sem_alloc : memref<!tpu.dma_semaphore, #tpu.memory_space<semaphore_mem>>
        %dma_start3A = arith.constant 0 : i32
        %dma_start3A_55 = tpu.memref_slice %arg17[%mul3A_0, %dma_start3A] : memref<4000x128xf32, #tpu.memory_space<vmem_shared>> -> memref<400x128xf32, #tpu.memory_space<vmem_shared>>
        tpu.enqueue_dma source(%arg5 : memref<400x128xf32, #tpu.memory_space<hbm>>) target(%dma_start3A_55 : memref<400x128xf32, #tpu.memory_space<vmem_shared>>) target_semaphore(%run_scoped3A : memref<!tpu.dma_semaphore, #tpu.memory_space<semaphore_mem>>)
        %dma_wait3A = arith.constant 0 : i32
        %dma_wait3A_56 = tpu.memref_slice %arg17[%mul3A_0, %dma_wait3A] : memref<4000x128xf32, #tpu.memory_space<vmem_shared>> -> memref<400x128xf32, #tpu.memory_space<vmem_shared>>
        tpu.wait_dma2 semaphore(%run_scoped3A : memref<!tpu.dma_semaphore, #tpu.memory_space<semaphore_mem>>) src(%arg5 : memref<400x128xf32, #tpu.memory_space<hbm>>) dst(%dma_wait3A_56 : memref<400x128xf32, #tpu.memory_space<vmem_shared>>)
        tpu.yield
      }) : () -> ()
    } else {
    }
    %barrier3A = arith.constant 0 : index
    tpu.barrier barrier_id(%barrier3A)
    %mul3A_3 = arith.constant 3 : i32
    %mul3A_4 = arith.muli %arg0, %mul3A_3 : i32
    %add3A = arith.constant 0 : i32
    %add3A_5 = arith.addi %mul3A_4, %add3A : i32
    %mul3A_6 = arith.constant 64000 : i32
    %mul3A_7 = arith.muli %add3A_5, %mul3A_6 : i32
    %mul3A_8 = arith.constant 4000 : i32
    %mul3A_9 = arith.muli %arg1, %mul3A_8 : i32
    %add3A_10 = arith.addi %mul3A_7, %mul3A_9 : i32
    %scan3A = arith.constant 0 : i32
    %scan3A_11 = arith.constant 0 : i32
    %scan3A_12 = arith.constant 25 : i32
    %scan3A_13 = arith.addi %scan3A_11, %scan3A_12 : i32
    %scan3A_14 = arith.constant 1 : i32
    %scan3A_15 = scf.for %scan3A_55 = %scan3A_11 to %scan3A_13 step %scan3A_14 iter_args(%scan3A_56 = %scan3A) -> (i32)  : i32 {
      %mul3A_57 = arith.constant 160 : i32
      %mul3A_58 = arith.muli %scan3A_55, %mul3A_57 : i32
      %add3A_59 = arith.addi %add3A_10, %mul3A_58 : i32
      "tpu.region"() ({
        %run_scoped3A = tpu.sem_alloc : memref<!tpu.dma_semaphore, #tpu.memory_space<semaphore_mem>>
        %dma_start3A_195 = tpu.memref_slice %arg3[%add3A_59] : memref<384000xi32, #tpu.memory_space<hbm>> -> memref<80xi32, #tpu.memory_space<hbm>>
        %dma_start3A_196 = tpu.memref_slice %arg3[%add3A_59] : memref<384000xi32, #tpu.memory_space<hbm>> -> memref<80xi32, #tpu.memory_space<hbm>>
        tpu.enqueue_dma source(%dma_start3A_196 : memref<80xi32, #tpu.memory_space<hbm>>) target(%arg7 : memref<80xi32, #tpu.memory_space<vmem>>) target_semaphore(%run_scoped3A : memref<!tpu.dma_semaphore, #tpu.memory_space<semaphore_mem>>)
        %dma_wait3A_197 = tpu.memref_slice %arg3[%add3A_59] : memref<384000xi32, #tpu.memory_space<hbm>> -> memref<80xi32, #tpu.memory_space<hbm>>
        %dma_wait3A_198 = tpu.memref_slice %arg3[%add3A_59] : memref<384000xi32, #tpu.memory_space<hbm>> -> memref<80xi32, #tpu.memory_space<hbm>>
        tpu.wait_dma2 semaphore(%run_scoped3A : memref<!tpu.dma_semaphore, #tpu.memory_space<semaphore_mem>>) src(%dma_wait3A_198 : memref<80xi32, #tpu.memory_space<hbm>>) dst(%arg7 : memref<80xi32, #tpu.memory_space<vmem>>)
        tpu.yield
      }) : () -> ()
      "tpu.region"() ({
        %run_scoped3A = tpu.sem_alloc : memref<!tpu.dma_semaphore, #tpu.memory_space<semaphore_mem>>
        %dma_start3A_195 = tpu.memref_slice %arg4[%add3A_59] : memref<384000xi32, #tpu.memory_space<hbm>> -> memref<80xi32, #tpu.memory_space<hbm>>
        %dma_start3A_196 = tpu.memref_slice %arg4[%add3A_59] : memref<384000xi32, #tpu.memory_space<hbm>> -> memref<80xi32, #tpu.memory_space<hbm>>
        tpu.enqueue_dma source(%dma_start3A_196 : memref<80xi32, #tpu.memory_space<hbm>>) target(%arg9 : memref<80xi32, #tpu.memory_space<vmem>>) target_semaphore(%run_scoped3A : memref<!tpu.dma_semaphore, #tpu.memory_space<semaphore_mem>>)
        %dma_wait3A_197 = tpu.memref_slice %arg4[%add3A_59] : memref<384000xi32, #tpu.memory_space<hbm>> -> memref<80xi32, #tpu.memory_space<hbm>>
        %dma_wait3A_198 = tpu.memref_slice %arg4[%add3A_59] : memref<384000xi32, #tpu.memory_space<hbm>> -> memref<80xi32, #tpu.memory_space<hbm>>
        tpu.wait_dma2 semaphore(%run_scoped3A : memref<!tpu.dma_semaphore, #tpu.memory_space<semaphore_mem>>) src(%dma_wait3A_198 : memref<80xi32, #tpu.memory_space<hbm>>) dst(%arg9 : memref<80xi32, #tpu.memory_space<vmem>>)
        tpu.yield
      }) : () -> ()
      %get3A = arith.constant 0 : index
      %get3A_60 = tpu.vector_load %arg7[%get3A] {strides = array<i32>} : memref<80xi32, #tpu.memory_space<vmem>>, vector<16xi32>,
      %get3A_61 = vector.shape_cast %get3A_60 : vector<16xi32> to vector<16xi32>
      %mul3A_62 = arith.constant 4000 : i32
      %mul3A_63 = arith.muli %add3A_5, %mul3A_62 : i32
      %add3A_64 = vector.broadcast %mul3A_63 : i32 to vector<16xi32>
      %add3A_65 = arith.addi %get3A_61, %add3A_64 : vector<16xi32>
      %swap3A = arith.constant 0 : index
      %swap3A_66 = tpu.vector_load %arg8[%swap3A] {strides = array<i32>} : memref<80xi32, #tpu.memory_space<vmem>>, vector<16xi32>,
      %swap3A_67 = vector.shape_cast %swap3A_66 : vector<16xi32> to vector<16xi32>
      %swap3A_68 = vector.shape_cast %add3A_65 : vector<16xi32> to vector<16xi32>
      tpu.vector_store %arg8[%swap3A], %swap3A_68 {strides = array<i32>} : memref<80xi32, #tpu.memory_space<vmem>>, vector<16xi32>,
      %get3A_69 = arith.constant 16 : index
      %get3A_70 = tpu.vector_load %arg7[%get3A_69] {strides = array<i32>} : memref<80xi32, #tpu.memory_space<vmem>>, vector<16xi32>,
      %get3A_71 = vector.shape_cast %get3A_70 : vector<16xi32> to vector<16xi32>
      %mul3A_72 = arith.constant 4000 : i32
      %mul3A_73 = arith.muli %add3A_5, %mul3A_72 : i32
      %add3A_74 = vector.broadcast %mul3A_73 : i32 to vector<16xi32>
      %add3A_75 = arith.addi %get3A_71, %add3A_74 : vector<16xi32>
      %swap3A_76 = arith.constant 16 : index
      %swap3A_77 = tpu.vector_load %arg8[%swap3A_76] {strides = array<i32>} : memref<80xi32, #tpu.memory_space<vmem>>, vector<16xi32>,
      %swap3A_78 = vector.shape_cast %swap3A_77 : vector<16xi32> to vector<16xi32>
      %swap3A_79 = vector.shape_cast %add3A_75 : vector<16xi32> to vector<16xi32>
      tpu.vector_store %arg8[%swap3A_76], %swap3A_79 {strides = array<i32>} : memref<80xi32, #tpu.memory_space<vmem>>, vector<16xi32>,
      %get3A_80 = arith.constant 32 : index
      %get3A_81 = tpu.vector_load %arg7[%get3A_80] {strides = array<i32>} : memref<80xi32, #tpu.memory_space<vmem>>, vector<16xi32>,
      %get3A_82 = vector.shape_cast %get3A_81 : vector<16xi32> to vector<16xi32>
      %mul3A_83 = arith.constant 4000 : i32
      %mul3A_84 = arith.muli %add3A_5, %mul3A_83 : i32
      %add3A_85 = vector.broadcast %mul3A_84 : i32 to vector<16xi32>
      %add3A_86 = arith.addi %get3A_82, %add3A_85 : vector<16xi32>
      %swap3A_87 = arith.constant 32 : index
      %swap3A_88 = tpu.vector_load %arg8[%swap3A_87] {strides = array<i32>} : memref<80xi32, #tpu.memory_space<vmem>>, vector<16xi32>,
      %swap3A_89 = vector.shape_cast %swap3A_88 : vector<16xi32> to vector<16xi32>
      %swap3A_90 = vector.shape_cast %add3A_86 : vector<16xi32> to vector<16xi32>
      tpu.vector_store %arg8[%swap3A_87], %swap3A_90 {strides = array<i32>} : memref<80xi32, #tpu.memory_space<vmem>>, vector<16xi32>,
      %get3A_91 = arith.constant 48 : index
      %get3A_92 = tpu.vector_load %arg7[%get3A_91] {strides = array<i32>} : memref<80xi32, #tpu.memory_space<vmem>>, vector<16xi32>,
      %get3A_93 = vector.shape_cast %get3A_92 : vector<16xi32> to vector<16xi32>
      %mul3A_94 = arith.constant 4000 : i32
      %mul3A_95 = arith.muli %add3A_5, %mul3A_94 : i32
      %add3A_96 = vector.broadcast %mul3A_95 : i32 to vector<16xi32>
      %add3A_97 = arith.addi %get3A_93, %add3A_96 : vector<16xi32>
      %swap3A_98 = arith.constant 48 : index
      %swap3A_99 = tpu.vector_load %arg8[%swap3A_98] {strides = array<i32>} : memref<80xi32, #tpu.memory_space<vmem>>, vector<16xi32>,
      %swap3A_100 = vector.shape_cast %swap3A_99 : vector<16xi32> to vector<16xi32>
      %swap3A_101 = vector.shape_cast %add3A_97 : vector<16xi32> to vector<16xi32>
      tpu.vector_store %arg8[%swap3A_98], %swap3A_101 {strides = array<i32>} : memref<80xi32, #tpu.memory_space<vmem>>, vector<16xi32>,
      %get3A_102 = arith.constant 64 : index
      %get3A_103 = tpu.vector_load %arg7[%get3A_102] {strides = array<i32>} : memref<80xi32, #tpu.memory_space<vmem>>, vector<16xi32>,
      %get3A_104 = vector.shape_cast %get3A_103 : vector<16xi32> to vector<16xi32>
      %mul3A_105 = arith.constant 4000 : i32
      %mul3A_106 = arith.muli %add3A_5, %mul3A_105 : i32
      %add3A_107 = vector.broadcast %mul3A_106 : i32 to vector<16xi32>
      %add3A_108 = arith.addi %get3A_104, %add3A_107 : vector<16xi32>
      %swap3A_109 = arith.constant 64 : index
      %swap3A_110 = tpu.vector_load %arg8[%swap3A_109] {strides = array<i32>} : memref<80xi32, #tpu.memory_space<vmem>>, vector<16xi32>,
      %swap3A_111 = vector.shape_cast %swap3A_110 : vector<16xi32> to vector<16xi32>
      %swap3A_112 = vector.shape_cast %add3A_108 : vector<16xi32> to vector<16xi32>
      tpu.vector_store %arg8[%swap3A_109], %swap3A_112 {strides = array<i32>} : memref<80xi32, #tpu.memory_space<vmem>>, vector<16xi32>,
      %dma_start3A = arith.constant 0 : i32
      %dma_start3A_113 = arith.constant 0 : i32
      %dma_start3A_114 = tpu.memref_slice %arg2[%dma_start3A, %dma_start3A_113] : memref<24000x128xf32, #tpu.memory_space<hbm>> -> memref<24000x128xf32, #tpu.memory_space<hbm>>
      tpu.enqueue_indirect_dma source(%dma_start3A_114 : memref<24000x128xf32, #tpu.memory_space<hbm>>) target(%arg10 : memref<80x128xf32, #tpu.memory_space<vmem>>) offsets(%arg8 : memref<80xi32, #tpu.memory_space<vmem>>) semaphore(%arg18 : memref<!tpu.dma_semaphore, #tpu.memory_space<semaphore_mem>>)
      %add3A_115 = arith.constant 80 : i32
      %add3A_116 = arith.addi %add3A_59, %add3A_115 : i32
      "tpu.region"() ({
        %run_scoped3A = tpu.sem_alloc : memref<!tpu.dma_semaphore, #tpu.memory_space<semaphore_mem>>
        %dma_start3A_195 = tpu.memref_slice %arg3[%add3A_116] : memref<384000xi32, #tpu.memory_space<hbm>> -> memref<80xi32, #tpu.memory_space<hbm>>
        %dma_start3A_196 = tpu.memref_slice %arg3[%add3A_116] : memref<384000xi32, #tpu.memory_space<hbm>> -> memref<80xi32, #tpu.memory_space<hbm>>
        tpu.enqueue_dma source(%dma_start3A_196 : memref<80xi32, #tpu.memory_space<hbm>>) target(%arg11 : memref<80xi32, #tpu.memory_space<vmem>>) target_semaphore(%run_scoped3A : memref<!tpu.dma_semaphore, #tpu.memory_space<semaphore_mem>>)
        %dma_wait3A_197 = tpu.memref_slice %arg3[%add3A_116] : memref<384000xi32, #tpu.memory_space<hbm>> -> memref<80xi32, #tpu.memory_space<hbm>>
        %dma_wait3A_198 = tpu.memref_slice %arg3[%add3A_116] : memref<384000xi32, #tpu.memory_space<hbm>> -> memref<80xi32, #tpu.memory_space<hbm>>
        tpu.wait_dma2 semaphore(%run_scoped3A : memref<!tpu.dma_semaphore, #tpu.memory_space<semaphore_mem>>) src(%dma_wait3A_198 : memref<80xi32, #tpu.memory_space<hbm>>) dst(%arg11 : memref<80xi32, #tpu.memory_space<vmem>>)
        tpu.yield
      }) : () -> ()
      %add3A_117 = arith.constant 80 : i32
      %add3A_118 = arith.addi %add3A_59, %add3A_117 : i32
      "tpu.region"() ({
        %run_scoped3A = tpu.sem_alloc : memref<!tpu.dma_semaphore, #tpu.memory_space<semaphore_mem>>
        %dma_start3A_195 = tpu.memref_slice %arg4[%add3A_118] : memref<384000xi32, #tpu.memory_space<hbm>> -> memref<80xi32, #tpu.memory_space<hbm>>
        %dma_start3A_196 = tpu.memref_slice %arg4[%add3A_118] : memref<384000xi32, #tpu.memory_space<hbm>> -> memref<80xi32, #tpu.memory_space<hbm>>
        tpu.enqueue_dma source(%dma_start3A_196 : memref<80xi32, #tpu.memory_space<hbm>>) target(%arg13 : memref<80xi32, #tpu.memory_space<vmem>>) target_semaphore(%run_scoped3A : memref<!tpu.dma_semaphore, #tpu.memory_space<semaphore_mem>>)
        %dma_wait3A_197 = tpu.memref_slice %arg4[%add3A_118] : memref<384000xi32, #tpu.memory_space<hbm>> -> memref<80xi32, #tpu.memory_space<hbm>>
        %dma_wait3A_198 = tpu.memref_slice %arg4[%add3A_118] : memref<384000xi32, #tpu.memory_space<hbm>> -> memref<80xi32, #tpu.memory_space<hbm>>
        tpu.wait_dma2 semaphore(%run_scoped3A : memref<!tpu.dma_semaphore, #tpu.memory_space<semaphore_mem>>) src(%dma_wait3A_198 : memref<80xi32, #tpu.memory_space<hbm>>) dst(%arg13 : memref<80xi32, #tpu.memory_space<vmem>>)
        tpu.yield
      }) : () -> ()
      %get3A_119 = arith.constant 0 : index
      %get3A_120 = tpu.vector_load %arg11[%get3A_119] {strides = array<i32>} : memref<80xi32, #tpu.memory_space<vmem>>, vector<16xi32>,
      %get3A_121 = vector.shape_cast %get3A_120 : vector<16xi32> to vector<16xi32>
      %mul3A_122 = arith.constant 4000 : i32
      %mul3A_123 = arith.muli %add3A_5, %mul3A_122 : i32
      %add3A_124 = vector.broadcast %mul3A_123 : i32 to vector<16xi32>
      %add3A_125 = arith.addi %get3A_121, %add3A_124 : vector<16xi32>
      %swap3A_126 = arith.constant 0 : index
      %swap3A_127 = tpu.vector_load %arg12[%swap3A_126] {strides = array<i32>} : memref<80xi32, #tpu.memory_space<vmem>>, vector<16xi32>,
      %swap3A_128 = vector.shape_cast %swap3A_127 : vector<16xi32> to vector<16xi32>
      %swap3A_129 = vector.shape_cast %add3A_125 : vector<16xi32> to vector<16xi32>
      tpu.vector_store %arg12[%swap3A_126], %swap3A_129 {strides = array<i32>} : memref<80xi32, #tpu.memory_space<vmem>>, vector<16xi32>,
      %get3A_130 = arith.constant 16 : index
      %get3A_131 = tpu.vector_load %arg11[%get3A_130] {strides = array<i32>} : memref<80xi32, #tpu.memory_space<vmem>>, vector<16xi32>,
      %get3A_132 = vector.shape_cast %get3A_131 : vector<16xi32> to vector<16xi32>
      %mul3A_133 = arith.constant 4000 : i32
      %mul3A_134 = arith.muli %add3A_5, %mul3A_133 : i32
      %add3A_135 = vector.broadcast %mul3A_134 : i32 to vector<16xi32>
      %add3A_136 = arith.addi %get3A_132, %add3A_135 : vector<16xi32>
      %swap3A_137 = arith.constant 16 : index
      %swap3A_138 = tpu.vector_load %arg12[%swap3A_137] {strides = array<i32>} : memref<80xi32, #tpu.memory_space<vmem>>, vector<16xi32>,
      %swap3A_139 = vector.shape_cast %swap3A_138 : vector<16xi32> to vector<16xi32>
      %swap3A_140 = vector.shape_cast %add3A_136 : vector<16xi32> to vector<16xi32>
      tpu.vector_store %arg12[%swap3A_137], %swap3A_140 {strides = array<i32>} : memref<80xi32, #tpu.memory_space<vmem>>, vector<16xi32>,
      %get3A_141 = arith.constant 32 : index
      %get3A_142 = tpu.vector_load %arg11[%get3A_141] {strides = array<i32>} : memref<80xi32, #tpu.memory_space<vmem>>, vector<16xi32>,
      %get3A_143 = vector.shape_cast %get3A_142 : vector<16xi32> to vector<16xi32>
      %mul3A_144 = arith.constant 4000 : i32
      %mul3A_145 = arith.muli %add3A_5, %mul3A_144 : i32
      %add3A_146 = vector.broadcast %mul3A_145 : i32 to vector<16xi32>
      %add3A_147 = arith.addi %get3A_143, %add3A_146 : vector<16xi32>
      %swap3A_148 = arith.constant 32 : index
      %swap3A_149 = tpu.vector_load %arg12[%swap3A_148] {strides = array<i32>} : memref<80xi32, #tpu.memory_space<vmem>>, vector<16xi32>,
      %swap3A_150 = vector.shape_cast %swap3A_149 : vector<16xi32> to vector<16xi32>
      %swap3A_151 = vector.shape_cast %add3A_147 : vector<16xi32> to vector<16xi32>
      tpu.vector_store %arg12[%swap3A_148], %swap3A_151 {strides = array<i32>} : memref<80xi32, #tpu.memory_space<vmem>>, vector<16xi32>,
      %get3A_152 = arith.constant 48 : index
      %get3A_153 = tpu.vector_load %arg11[%get3A_152] {strides = array<i32>} : memref<80xi32, #tpu.memory_space<vmem>>, vector<16xi32>,
      %get3A_154 = vector.shape_cast %get3A_153 : vector<16xi32> to vector<16xi32>
      %mul3A_155 = arith.constant 4000 : i32
      %mul3A_156 = arith.muli %add3A_5, %mul3A_155 : i32
      %add3A_157 = vector.broadcast %mul3A_156 : i32 to vector<16xi32>
      %add3A_158 = arith.addi %get3A_154, %add3A_157 : vector<16xi32>
      %swap3A_159 = arith.constant 48 : index
      %swap3A_160 = tpu.vector_load %arg12[%swap3A_159] {strides = array<i32>} : memref<80xi32, #tpu.memory_space<vmem>>, vector<16xi32>,
      %swap3A_161 = vector.shape_cast %swap3A_160 : vector<16xi32> to vector<16xi32>
      %swap3A_162 = vector.shape_cast %add3A_158 : vector<16xi32> to vector<16xi32>
      tpu.vector_store %arg12[%swap3A_159], %swap3A_162 {strides = array<i32>} : memref<80xi32, #tpu.memory_space<vmem>>, vector<16xi32>,
      %get3A_163 = arith.constant 64 : index
      %get3A_164 = tpu.vector_load %arg11[%get3A_163] {strides = array<i32>} : memref<80xi32, #tpu.memory_space<vmem>>, vector<16xi32>,
      %get3A_165 = vector.shape_cast %get3A_164 : vector<16xi32> to vector<16xi32>
      %mul3A_166 = arith.constant 4000 : i32
      %mul3A_167 = arith.muli %add3A_5, %mul3A_166 : i32
      %add3A_168 = vector.broadcast %mul3A_167 : i32 to vector<16xi32>
      %add3A_169 = arith.addi %get3A_165, %add3A_168 : vector<16xi32>
      %swap3A_170 = arith.constant 64 : index
      %swap3A_171 = tpu.vector_load %arg12[%swap3A_170] {strides = array<i32>} : memref<80xi32, #tpu.memory_space<vmem>>, vector<16xi32>,
      %swap3A_172 = vector.shape_cast %swap3A_171 : vector<16xi32> to vector<16xi32>
      %swap3A_173 = vector.shape_cast %add3A_169 : vector<16xi32> to vector<16xi32>
      tpu.vector_store %arg12[%swap3A_170], %swap3A_173 {strides = array<i32>} : memref<80xi32, #tpu.memory_space<vmem>>, vector<16xi32>,
      %dma_start3A_174 = arith.constant 0 : i32
      %dma_start3A_175 = arith.constant 0 : i32
      %dma_start3A_176 = tpu.memref_slice %arg2[%dma_start3A_174, %dma_start3A_175] : memref<24000x128xf32, #tpu.memory_space<hbm>> -> memref<24000x128xf32, #tpu.memory_space<hbm>>
      tpu.enqueue_indirect_dma source(%dma_start3A_176 : memref<24000x128xf32, #tpu.memory_space<hbm>>) target(%arg14 : memref<80x128xf32, #tpu.memory_space<vmem>>) offsets(%arg12 : memref<80xi32, #tpu.memory_space<vmem>>) semaphore(%arg19 : memref<!tpu.dma_semaphore, #tpu.memory_space<semaphore_mem>>)
      %dma_wait3A = arith.constant 0 : i32
      %dma_wait3A_177 = arith.constant 0 : i32
      %dma_wait3A_178 = tpu.memref_slice %arg2[%dma_wait3A, %dma_wait3A_177] : memref<24000x128xf32, #tpu.memory_space<hbm>> -> memref<24000x128xf32, #tpu.memory_space<hbm>>
      tpu.wait_indirect_dma semaphore(%arg18 : memref<!tpu.dma_semaphore, #tpu.memory_space<semaphore_mem>>) src(%dma_wait3A_178 : memref<24000x128xf32, #tpu.memory_space<hbm>>) dst(%arg10 : memref<80x128xf32, #tpu.memory_space<vmem>>)
      %dma_start3A_179 = arith.constant 0 : i32
      %dma_start3A_180 = arith.constant 0 : i32
      %dma_start3A_181 = tpu.memref_slice %arg15[%dma_start3A_179, %dma_start3A_180] : memref<4000x128xf32, #tpu.memory_space<vmem_shared>> -> memref<4000x128xf32, #tpu.memory_space<vmem_shared>>
      tpu.enqueue_indirect_dma source(%arg10 : memref<80x128xf32, #tpu.memory_space<vmem>>) target(%dma_start3A_181 : memref<4000x128xf32, #tpu.memory_space<vmem_shared>>) offsets(%arg9 : memref<80xi32, #tpu.memory_space<vmem>>) semaphore(%arg20 : memref<!tpu.dma_semaphore, #tpu.memory_space<semaphore_mem>>) {add = true}
      %dma_wait3A_182 = arith.constant 0 : i32
      %dma_wait3A_183 = arith.constant 0 : i32
      %dma_wait3A_184 = tpu.memref_slice %arg2[%dma_wait3A_182, %dma_wait3A_183] : memref<24000x128xf32, #tpu.memory_space<hbm>> -> memref<24000x128xf32, #tpu.memory_space<hbm>>
      tpu.wait_indirect_dma semaphore(%arg19 : memref<!tpu.dma_semaphore, #tpu.memory_space<semaphore_mem>>) src(%dma_wait3A_184 : memref<24000x128xf32, #tpu.memory_space<hbm>>) dst(%arg14 : memref<80x128xf32, #tpu.memory_space<vmem>>)
      %dma_start3A_185 = arith.constant 0 : i32
      %dma_start3A_186 = arith.constant 0 : i32
      %dma_start3A_187 = tpu.memref_slice %arg15[%dma_start3A_185, %dma_start3A_186] : memref<4000x128xf32, #tpu.memory_space<vmem_shared>> -> memref<4000x128xf32, #tpu.memory_space<vmem_shared>>
      tpu.enqueue_indirect_dma source(%arg14 : memref<80x128xf32, #tpu.memory_space<vmem>>) target(%dma_start3A_187 : memref<4000x128xf32, #tpu.memory_space<vmem_shared>>) offsets(%arg13 : memref<80xi32, #tpu.memory_space<vmem>>) semaphore(%arg21 : memref<!tpu.dma_semaphore, #tpu.memory_space<semaphore_mem>>) {add = true}
      %dma_wait3A_188 = arith.constant 0 : i32
      %dma_wait3A_189 = arith.constant 0 : i32
      %dma_wait3A_190 = tpu.memref_slice %arg15[%dma_wait3A_188, %dma_wait3A_189] : memref<4000x128xf32, #tpu.memory_space<vmem_shared>> -> memref<4000x128xf32, #tpu.memory_space<vmem_shared>>
      tpu.wait_indirect_dma semaphore(%arg20 : memref<!tpu.dma_semaphore, #tpu.memory_space<semaphore_mem>>) src(%arg10 : memref<80x128xf32, #tpu.memory_space<vmem>>) dst(%dma_wait3A_190 : memref<4000x128xf32, #tpu.memory_space<vmem_shared>>)
      %dma_wait3A_191 = arith.constant 0 : i32
      %dma_wait3A_192 = arith.constant 0 : i32
      %dma_wait3A_193 = tpu.memref_slice %arg15[%dma_wait3A_191, %dma_wait3A_192] : memref<4000x128xf32, #tpu.memory_space<vmem_shared>> -> memref<4000x128xf32, #tpu.memory_space<vmem_shared>>
      tpu.wait_indirect_dma semaphore(%arg21 : memref<!tpu.dma_semaphore, #tpu.memory_space<semaphore_mem>>) src(%arg14 : memref<80x128xf32, #tpu.memory_space<vmem>>) dst(%dma_wait3A_193 : memref<4000x128xf32, #tpu.memory_space<vmem_shared>>)
      %scan3A_194 = arith.constant 0 : i32
      scf.yield %scan3A_194 : i32
    }
    %scan3A_16 = arith.constant 25 : i32
    %mul3A_17 = arith.constant 3 : i32
    %mul3A_18 = arith.muli %arg0, %mul3A_17 : i32
    %add3A_19 = arith.constant 1 : i32
    %add3A_20 = arith.addi %mul3A_18, %add3A_19 : i32
    %mul3A_21 = arith.constant 64000 : i32
    %mul3A_22 = arith.muli %add3A_20, %mul3A_21 : i32
    %mul3A_23 = arith.constant 4000 : i32
    %mul3A_24 = arith.muli %arg1, %mul3A_23 : i32
    %add3A_25 = arith.addi %mul3A_22, %mul3A_24 : i32
    %scan3A_26 = arith.constant 0 : i32
    %scan3A_27 = arith.constant 0 : i32
    %scan3A_28 = arith.constant 25 : i32
    %scan3A_29 = arith.addi %scan3A_27, %scan3A_28 : i32
    %scan3A_30 = arith.constant 1 : i32
    %scan3A_31 = scf.for %scan3A_55 = %scan3A_27 to %scan3A_29 step %scan3A_30 iter_args(%scan3A_56 = %scan3A_26) -> (i32)  : i32 {
      %mul3A_57 = arith.constant 160 : i32
      %mul3A_58 = arith.muli %scan3A_55, %mul3A_57 : i32
      %add3A_59 = arith.addi %add3A_25, %mul3A_58 : i32
      "tpu.region"() ({
        %run_scoped3A = tpu.sem_alloc : memref<!tpu.dma_semaphore, #tpu.memory_space<semaphore_mem>>
        %dma_start3A_195 = tpu.memref_slice %arg3[%add3A_59] : memref<384000xi32, #tpu.memory_space<hbm>> -> memref<80xi32, #tpu.memory_space<hbm>>
        %dma_start3A_196 = tpu.memref_slice %arg3[%add3A_59] : memref<384000xi32, #tpu.memory_space<hbm>> -> memref<80xi32, #tpu.memory_space<hbm>>
        tpu.enqueue_dma source(%dma_start3A_196 : memref<80xi32, #tpu.memory_space<hbm>>) target(%arg7 : memref<80xi32, #tpu.memory_space<vmem>>) target_semaphore(%run_scoped3A : memref<!tpu.dma_semaphore, #tpu.memory_space<semaphore_mem>>)
        %dma_wait3A_197 = tpu.memref_slice %arg3[%add3A_59] : memref<384000xi32, #tpu.memory_space<hbm>> -> memref<80xi32, #tpu.memory_space<hbm>>
        %dma_wait3A_198 = tpu.memref_slice %arg3[%add3A_59] : memref<384000xi32, #tpu.memory_space<hbm>> -> memref<80xi32, #tpu.memory_space<hbm>>
        tpu.wait_dma2 semaphore(%run_scoped3A : memref<!tpu.dma_semaphore, #tpu.memory_space<semaphore_mem>>) src(%dma_wait3A_198 : memref<80xi32, #tpu.memory_space<hbm>>) dst(%arg7 : memref<80xi32, #tpu.memory_space<vmem>>)
        tpu.yield
      }) : () -> ()
      "tpu.region"() ({
        %run_scoped3A = tpu.sem_alloc : memref<!tpu.dma_semaphore, #tpu.memory_space<semaphore_mem>>
        %dma_start3A_195 = tpu.memref_slice %arg4[%add3A_59] : memref<384000xi32, #tpu.memory_space<hbm>> -> memref<80xi32, #tpu.memory_space<hbm>>
        %dma_start3A_196 = tpu.memref_slice %arg4[%add3A_59] : memref<384000xi32, #tpu.memory_space<hbm>> -> memref<80xi32, #tpu.memory_space<hbm>>
        tpu.enqueue_dma source(%dma_start3A_196 : memref<80xi32, #tpu.memory_space<hbm>>) target(%arg9 : memref<80xi32, #tpu.memory_space<vmem>>) target_semaphore(%run_scoped3A : memref<!tpu.dma_semaphore, #tpu.memory_space<semaphore_mem>>)
        %dma_wait3A_197 = tpu.memref_slice %arg4[%add3A_59] : memref<384000xi32, #tpu.memory_space<hbm>> -> memref<80xi32, #tpu.memory_space<hbm>>
        %dma_wait3A_198 = tpu.memref_slice %arg4[%add3A_59] : memref<384000xi32, #tpu.memory_space<hbm>> -> memref<80xi32, #tpu.memory_space<hbm>>
        tpu.wait_dma2 semaphore(%run_scoped3A : memref<!tpu.dma_semaphore, #tpu.memory_space<semaphore_mem>>) src(%dma_wait3A_198 : memref<80xi32, #tpu.memory_space<hbm>>) dst(%arg9 : memref<80xi32, #tpu.memory_space<vmem>>)
        tpu.yield
      }) : () -> ()
      %get3A = arith.constant 0 : index
      %get3A_60 = tpu.vector_load %arg7[%get3A] {strides = array<i32>} : memref<80xi32, #tpu.memory_space<vmem>>, vector<16xi32>,
      %get3A_61 = vector.shape_cast %get3A_60 : vector<16xi32> to vector<16xi32>
      %mul3A_62 = arith.constant 4000 : i32
      %mul3A_63 = arith.muli %add3A_20, %mul3A_62 : i32
      %add3A_64 = vector.broadcast %mul3A_63 : i32 to vector<16xi32>
      %add3A_65 = arith.addi %get3A_61, %add3A_64 : vector<16xi32>
      %swap3A = arith.constant 0 : index
      %swap3A_66 = tpu.vector_load %arg8[%swap3A] {strides = array<i32>} : memref<80xi32, #tpu.memory_space<vmem>>, vector<16xi32>,
      %swap3A_67 = vector.shape_cast %swap3A_66 : vector<16xi32> to vector<16xi32>
      %swap3A_68 = vector.shape_cast %add3A_65 : vector<16xi32> to vector<16xi32>
      tpu.vector_store %arg8[%swap3A], %swap3A_68 {strides = array<i32>} : memref<80xi32, #tpu.memory_space<vmem>>, vector<16xi32>,
      %get3A_69 = arith.constant 16 : index
      %get3A_70 = tpu.vector_load %arg7[%get3A_69] {strides = array<i32>} : memref<80xi32, #tpu.memory_space<vmem>>, vector<16xi32>,
      %get3A_71 = vector.shape_cast %get3A_70 : vector<16xi32> to vector<16xi32>
      %mul3A_72 = arith.constant 4000 : i32
      %mul3A_73 = arith.muli %add3A_20, %mul3A_72 : i32
      %add3A_74 = vector.broadcast %mul3A_73 : i32 to vector<16xi32>
      %add3A_75 = arith.addi %get3A_71, %add3A_74 : vector<16xi32>
      %swap3A_76 = arith.constant 16 : index
      %swap3A_77 = tpu.vector_load %arg8[%swap3A_76] {strides = array<i32>} : memref<80xi32, #tpu.memory_space<vmem>>, vector<16xi32>,
      %swap3A_78 = vector.shape_cast %swap3A_77 : vector<16xi32> to vector<16xi32>
      %swap3A_79 = vector.shape_cast %add3A_75 : vector<16xi32> to vector<16xi32>
      tpu.vector_store %arg8[%swap3A_76], %swap3A_79 {strides = array<i32>} : memref<80xi32, #tpu.memory_space<vmem>>, vector<16xi32>,
      %get3A_80 = arith.constant 32 : index
      %get3A_81 = tpu.vector_load %arg7[%get3A_80] {strides = array<i32>} : memref<80xi32, #tpu.memory_space<vmem>>, vector<16xi32>,
      %get3A_82 = vector.shape_cast %get3A_81 : vector<16xi32> to vector<16xi32>
      %mul3A_83 = arith.constant 4000 : i32
      %mul3A_84 = arith.muli %add3A_20, %mul3A_83 : i32
      %add3A_85 = vector.broadcast %mul3A_84 : i32 to vector<16xi32>
      %add3A_86 = arith.addi %get3A_82, %add3A_85 : vector<16xi32>
      %swap3A_87 = arith.constant 32 : index
      %swap3A_88 = tpu.vector_load %arg8[%swap3A_87] {strides = array<i32>} : memref<80xi32, #tpu.memory_space<vmem>>, vector<16xi32>,
      %swap3A_89 = vector.shape_cast %swap3A_88 : vector<16xi32> to vector<16xi32>
      %swap3A_90 = vector.shape_cast %add3A_86 : vector<16xi32> to vector<16xi32>
      tpu.vector_store %arg8[%swap3A_87], %swap3A_90 {strides = array<i32>} : memref<80xi32, #tpu.memory_space<vmem>>, vector<16xi32>,
      %get3A_91 = arith.constant 48 : index
      %get3A_92 = tpu.vector_load %arg7[%get3A_91] {strides = array<i32>} : memref<80xi32, #tpu.memory_space<vmem>>, vector<16xi32>,
      %get3A_93 = vector.shape_cast %get3A_92 : vector<16xi32> to vector<16xi32>
      %mul3A_94 = arith.constant 4000 : i32
      %mul3A_95 = arith.muli %add3A_20, %mul3A_94 : i32
      %add3A_96 = vector.broadcast %mul3A_95 : i32 to vector<16xi32>
      %add3A_97 = arith.addi %get3A_93, %add3A_96 : vector<16xi32>
      %swap3A_98 = arith.constant 48 : index
      %swap3A_99 = tpu.vector_load %arg8[%swap3A_98] {strides = array<i32>} : memref<80xi32, #tpu.memory_space<vmem>>, vector<16xi32>,
      %swap3A_100 = vector.shape_cast %swap3A_99 : vector<16xi32> to vector<16xi32>
      %swap3A_101 = vector.shape_cast %add3A_97 : vector<16xi32> to vector<16xi32>
      tpu.vector_store %arg8[%swap3A_98], %swap3A_101 {strides = array<i32>} : memref<80xi32, #tpu.memory_space<vmem>>, vector<16xi32>,
      %get3A_102 = arith.constant 64 : index
      %get3A_103 = tpu.vector_load %arg7[%get3A_102] {strides = array<i32>} : memref<80xi32, #tpu.memory_space<vmem>>, vector<16xi32>,
      %get3A_104 = vector.shape_cast %get3A_103 : vector<16xi32> to vector<16xi32>
      %mul3A_105 = arith.constant 4000 : i32
      %mul3A_106 = arith.muli %add3A_20, %mul3A_105 : i32
      %add3A_107 = vector.broadcast %mul3A_106 : i32 to vector<16xi32>
      %add3A_108 = arith.addi %get3A_104, %add3A_107 : vector<16xi32>
      %swap3A_109 = arith.constant 64 : index
      %swap3A_110 = tpu.vector_load %arg8[%swap3A_109] {strides = array<i32>} : memref<80xi32, #tpu.memory_space<vmem>>, vector<16xi32>,
      %swap3A_111 = vector.shape_cast %swap3A_110 : vector<16xi32> to vector<16xi32>
      %swap3A_112 = vector.shape_cast %add3A_108 : vector<16xi32> to vector<16xi32>
      tpu.vector_store %arg8[%swap3A_109], %swap3A_112 {strides = array<i32>} : memref<80xi32, #tpu.memory_space<vmem>>, vector<16xi32>,
      %dma_start3A = arith.constant 0 : i32
      %dma_start3A_113 = arith.constant 0 : i32
      %dma_start3A_114 = tpu.memref_slice %arg2[%dma_start3A, %dma_start3A_113] : memref<24000x128xf32, #tpu.memory_space<hbm>> -> memref<24000x128xf32, #tpu.memory_space<hbm>>
      tpu.enqueue_indirect_dma source(%dma_start3A_114 : memref<24000x128xf32, #tpu.memory_space<hbm>>) target(%arg10 : memref<80x128xf32, #tpu.memory_space<vmem>>) offsets(%arg8 : memref<80xi32, #tpu.memory_space<vmem>>) semaphore(%arg18 : memref<!tpu.dma_semaphore, #tpu.memory_space<semaphore_mem>>)
      %add3A_115 = arith.constant 80 : i32
      %add3A_116 = arith.addi %add3A_59, %add3A_115 : i32
      "tpu.region"() ({
        %run_scoped3A = tpu.sem_alloc : memref<!tpu.dma_semaphore, #tpu.memory_space<semaphore_mem>>
        %dma_start3A_195 = tpu.memref_slice %arg3[%add3A_116] : memref<384000xi32, #tpu.memory_space<hbm>> -> memref<80xi32, #tpu.memory_space<hbm>>
        %dma_start3A_196 = tpu.memref_slice %arg3[%add3A_116] : memref<384000xi32, #tpu.memory_space<hbm>> -> memref<80xi32, #tpu.memory_space<hbm>>
        tpu.enqueue_dma source(%dma_start3A_196 : memref<80xi32, #tpu.memory_space<hbm>>) target(%arg11 : memref<80xi32, #tpu.memory_space<vmem>>) target_semaphore(%run_scoped3A : memref<!tpu.dma_semaphore, #tpu.memory_space<semaphore_mem>>)
        %dma_wait3A_197 = tpu.memref_slice %arg3[%add3A_116] : memref<384000xi32, #tpu.memory_space<hbm>> -> memref<80xi32, #tpu.memory_space<hbm>>
        %dma_wait3A_198 = tpu.memref_slice %arg3[%add3A_116] : memref<384000xi32, #tpu.memory_space<hbm>> -> memref<80xi32, #tpu.memory_space<hbm>>
        tpu.wait_dma2 semaphore(%run_scoped3A : memref<!tpu.dma_semaphore, #tpu.memory_space<semaphore_mem>>) src(%dma_wait3A_198 : memref<80xi32, #tpu.memory_space<hbm>>) dst(%arg11 : memref<80xi32, #tpu.memory_space<vmem>>)
        tpu.yield
      }) : () -> ()
      %add3A_117 = arith.constant 80 : i32
      %add3A_118 = arith.addi %add3A_59, %add3A_117 : i32
      "tpu.region"() ({
        %run_scoped3A = tpu.sem_alloc : memref<!tpu.dma_semaphore, #tpu.memory_space<semaphore_mem>>
        %dma_start3A_195 = tpu.memref_slice %arg4[%add3A_118] : memref<384000xi32, #tpu.memory_space<hbm>> -> memref<80xi32, #tpu.memory_space<hbm>>
        %dma_start3A_196 = tpu.memref_slice %arg4[%add3A_118] : memref<384000xi32, #tpu.memory_space<hbm>> -> memref<80xi32, #tpu.memory_space<hbm>>
        tpu.enqueue_dma source(%dma_start3A_196 : memref<80xi32, #tpu.memory_space<hbm>>) target(%arg13 : memref<80xi32, #tpu.memory_space<vmem>>) target_semaphore(%run_scoped3A : memref<!tpu.dma_semaphore, #tpu.memory_space<semaphore_mem>>)
        %dma_wait3A_197 = tpu.memref_slice %arg4[%add3A_118] : memref<384000xi32, #tpu.memory_space<hbm>> -> memref<80xi32, #tpu.memory_space<hbm>>
        %dma_wait3A_198 = tpu.memref_slice %arg4[%add3A_118] : memref<384000xi32, #tpu.memory_space<hbm>> -> memref<80xi32, #tpu.memory_space<hbm>>
        tpu.wait_dma2 semaphore(%run_scoped3A : memref<!tpu.dma_semaphore, #tpu.memory_space<semaphore_mem>>) src(%dma_wait3A_198 : memref<80xi32, #tpu.memory_space<hbm>>) dst(%arg13 : memref<80xi32, #tpu.memory_space<vmem>>)
        tpu.yield
      }) : () -> ()
      %get3A_119 = arith.constant 0 : index
      %get3A_120 = tpu.vector_load %arg11[%get3A_119] {strides = array<i32>} : memref<80xi32, #tpu.memory_space<vmem>>, vector<16xi32>,
      %get3A_121 = vector.shape_cast %get3A_120 : vector<16xi32> to vector<16xi32>
      %mul3A_122 = arith.constant 4000 : i32
      %mul3A_123 = arith.muli %add3A_20, %mul3A_122 : i32
      %add3A_124 = vector.broadcast %mul3A_123 : i32 to vector<16xi32>
      %add3A_125 = arith.addi %get3A_121, %add3A_124 : vector<16xi32>
      %swap3A_126 = arith.constant 0 : index
      %swap3A_127 = tpu.vector_load %arg12[%swap3A_126] {strides = array<i32>} : memref<80xi32, #tpu.memory_space<vmem>>, vector<16xi32>,
      %swap3A_128 = vector.shape_cast %swap3A_127 : vector<16xi32> to vector<16xi32>
      %swap3A_129 = vector.shape_cast %add3A_125 : vector<16xi32> to vector<16xi32>
      tpu.vector_store %arg12[%swap3A_126], %swap3A_129 {strides = array<i32>} : memref<80xi32, #tpu.memory_space<vmem>>, vector<16xi32>,
      %get3A_130 = arith.constant 16 : index
      %get3A_131 = tpu.vector_load %arg11[%get3A_130] {strides = array<i32>} : memref<80xi32, #tpu.memory_space<vmem>>, vector<16xi32>,
      %get3A_132 = vector.shape_cast %get3A_131 : vector<16xi32> to vector<16xi32>
      %mul3A_133 = arith.constant 4000 : i32
      %mul3A_134 = arith.muli %add3A_20, %mul3A_133 : i32
      %add3A_135 = vector.broadcast %mul3A_134 : i32 to vector<16xi32>
      %add3A_136 = arith.addi %get3A_132, %add3A_135 : vector<16xi32>
      %swap3A_137 = arith.constant 16 : index
      %swap3A_138 = tpu.vector_load %arg12[%swap3A_137] {strides = array<i32>} : memref<80xi32, #tpu.memory_space<vmem>>, vector<16xi32>,
      %swap3A_139 = vector.shape_cast %swap3A_138 : vector<16xi32> to vector<16xi32>
      %swap3A_140 = vector.shape_cast %add3A_136 : vector<16xi32> to vector<16xi32>
      tpu.vector_store %arg12[%swap3A_137], %swap3A_140 {strides = array<i32>} : memref<80xi32, #tpu.memory_space<vmem>>, vector<16xi32>,
      %get3A_141 = arith.constant 32 : index
      %get3A_142 = tpu.vector_load %arg11[%get3A_141] {strides = array<i32>} : memref<80xi32, #tpu.memory_space<vmem>>, vector<16xi32>,
      %get3A_143 = vector.shape_cast %get3A_142 : vector<16xi32> to vector<16xi32>
      %mul3A_144 = arith.constant 4000 : i32
      %mul3A_145 = arith.muli %add3A_20, %mul3A_144 : i32
      %add3A_146 = vector.broadcast %mul3A_145 : i32 to vector<16xi32>
      %add3A_147 = arith.addi %get3A_143, %add3A_146 : vector<16xi32>
      %swap3A_148 = arith.constant 32 : index
      %swap3A_149 = tpu.vector_load %arg12[%swap3A_148] {strides = array<i32>} : memref<80xi32, #tpu.memory_space<vmem>>, vector<16xi32>,
      %swap3A_150 = vector.shape_cast %swap3A_149 : vector<16xi32> to vector<16xi32>
      %swap3A_151 = vector.shape_cast %add3A_147 : vector<16xi32> to vector<16xi32>
      tpu.vector_store %arg12[%swap3A_148], %swap3A_151 {strides = array<i32>} : memref<80xi32, #tpu.memory_space<vmem>>, vector<16xi32>,
      %get3A_152 = arith.constant 48 : index
      %get3A_153 = tpu.vector_load %arg11[%get3A_152] {strides = array<i32>} : memref<80xi32, #tpu.memory_space<vmem>>, vector<16xi32>,
      %get3A_154 = vector.shape_cast %get3A_153 : vector<16xi32> to vector<16xi32>
      %mul3A_155 = arith.constant 4000 : i32
      %mul3A_156 = arith.muli %add3A_20, %mul3A_155 : i32
      %add3A_157 = vector.broadcast %mul3A_156 : i32 to vector<16xi32>
      %add3A_158 = arith.addi %get3A_154, %add3A_157 : vector<16xi32>
      %swap3A_159 = arith.constant 48 : index
      %swap3A_160 = tpu.vector_load %arg12[%swap3A_159] {strides = array<i32>} : memref<80xi32, #tpu.memory_space<vmem>>, vector<16xi32>,
      %swap3A_161 = vector.shape_cast %swap3A_160 : vector<16xi32> to vector<16xi32>
      %swap3A_162 = vector.shape_cast %add3A_158 : vector<16xi32> to vector<16xi32>
      tpu.vector_store %arg12[%swap3A_159], %swap3A_162 {strides = array<i32>} : memref<80xi32, #tpu.memory_space<vmem>>, vector<16xi32>,
      %get3A_163 = arith.constant 64 : index
      %get3A_164 = tpu.vector_load %arg11[%get3A_163] {strides = array<i32>} : memref<80xi32, #tpu.memory_space<vmem>>, vector<16xi32>,
      %get3A_165 = vector.shape_cast %get3A_164 : vector<16xi32> to vector<16xi32>
      %mul3A_166 = arith.constant 4000 : i32
      %mul3A_167 = arith.muli %add3A_20, %mul3A_166 : i32
      %add3A_168 = vector.broadcast %mul3A_167 : i32 to vector<16xi32>
      %add3A_169 = arith.addi %get3A_165, %add3A_168 : vector<16xi32>
      %swap3A_170 = arith.constant 64 : index
      %swap3A_171 = tpu.vector_load %arg12[%swap3A_170] {strides = array<i32>} : memref<80xi32, #tpu.memory_space<vmem>>, vector<16xi32>,
      %swap3A_172 = vector.shape_cast %swap3A_171 : vector<16xi32> to vector<16xi32>
      %swap3A_173 = vector.shape_cast %add3A_169 : vector<16xi32> to vector<16xi32>
      tpu.vector_store %arg12[%swap3A_170], %swap3A_173 {strides = array<i32>} : memref<80xi32, #tpu.memory_space<vmem>>, vector<16xi32>,
      %dma_start3A_174 = arith.constant 0 : i32
      %dma_start3A_175 = arith.constant 0 : i32
      %dma_start3A_176 = tpu.memref_slice %arg2[%dma_start3A_174, %dma_start3A_175] : memref<24000x128xf32, #tpu.memory_space<hbm>> -> memref<24000x128xf32, #tpu.memory_space<hbm>>
      tpu.enqueue_indirect_dma source(%dma_start3A_176 : memref<24000x128xf32, #tpu.memory_space<hbm>>) target(%arg14 : memref<80x128xf32, #tpu.memory_space<vmem>>) offsets(%arg12 : memref<80xi32, #tpu.memory_space<vmem>>) semaphore(%arg19 : memref<!tpu.dma_semaphore, #tpu.memory_space<semaphore_mem>>)
      %dma_wait3A = arith.constant 0 : i32
      %dma_wait3A_177 = arith.constant 0 : i32
      %dma_wait3A_178 = tpu.memref_slice %arg2[%dma_wait3A, %dma_wait3A_177] : memref<24000x128xf32, #tpu.memory_space<hbm>> -> memref<24000x128xf32, #tpu.memory_space<hbm>>
      tpu.wait_indirect_dma semaphore(%arg18 : memref<!tpu.dma_semaphore, #tpu.memory_space<semaphore_mem>>) src(%dma_wait3A_178 : memref<24000x128xf32, #tpu.memory_space<hbm>>) dst(%arg10 : memref<80x128xf32, #tpu.memory_space<vmem>>)
      %dma_start3A_179 = arith.constant 0 : i32
      %dma_start3A_180 = arith.constant 0 : i32
      %dma_start3A_181 = tpu.memref_slice %arg16[%dma_start3A_179, %dma_start3A_180] : memref<4000x128xf32, #tpu.memory_space<vmem_shared>> -> memref<4000x128xf32, #tpu.memory_space<vmem_shared>>
      tpu.enqueue_indirect_dma source(%arg10 : memref<80x128xf32, #tpu.memory_space<vmem>>) target(%dma_start3A_181 : memref<4000x128xf32, #tpu.memory_space<vmem_shared>>) offsets(%arg9 : memref<80xi32, #tpu.memory_space<vmem>>) semaphore(%arg20 : memref<!tpu.dma_semaphore, #tpu.memory_space<semaphore_mem>>) {add = true}
      %dma_wait3A_182 = arith.constant 0 : i32
      %dma_wait3A_183 = arith.constant 0 : i32
      %dma_wait3A_184 = tpu.memref_slice %arg2[%dma_wait3A_182, %dma_wait3A_183] : memref<24000x128xf32, #tpu.memory_space<hbm>> -> memref<24000x128xf32, #tpu.memory_space<hbm>>
      tpu.wait_indirect_dma semaphore(%arg19 : memref<!tpu.dma_semaphore, #tpu.memory_space<semaphore_mem>>) src(%dma_wait3A_184 : memref<24000x128xf32, #tpu.memory_space<hbm>>) dst(%arg14 : memref<80x128xf32, #tpu.memory_space<vmem>>)
      %dma_start3A_185 = arith.constant 0 : i32
      %dma_start3A_186 = arith.constant 0 : i32
      %dma_start3A_187 = tpu.memref_slice %arg16[%dma_start3A_185, %dma_start3A_186] : memref<4000x128xf32, #tpu.memory_space<vmem_shared>> -> memref<4000x128xf32, #tpu.memory_space<vmem_shared>>
      tpu.enqueue_indirect_dma source(%arg14 : memref<80x128xf32, #tpu.memory_space<vmem>>) target(%dma_start3A_187 : memref<4000x128xf32, #tpu.memory_space<vmem_shared>>) offsets(%arg13 : memref<80xi32, #tpu.memory_space<vmem>>) semaphore(%arg21 : memref<!tpu.dma_semaphore, #tpu.memory_space<semaphore_mem>>) {add = true}
      %dma_wait3A_188 = arith.constant 0 : i32
      %dma_wait3A_189 = arith.constant 0 : i32
      %dma_wait3A_190 = tpu.memref_slice %arg16[%dma_wait3A_188, %dma_wait3A_189] : memref<4000x128xf32, #tpu.memory_space<vmem_shared>> -> memref<4000x128xf32, #tpu.memory_space<vmem_shared>>
      tpu.wait_indirect_dma semaphore(%arg20 : memref<!tpu.dma_semaphore, #tpu.memory_space<semaphore_mem>>) src(%arg10 : memref<80x128xf32, #tpu.memory_space<vmem>>) dst(%dma_wait3A_190 : memref<4000x128xf32, #tpu.memory_space<vmem_shared>>)
      %dma_wait3A_191 = arith.constant 0 : i32
      %dma_wait3A_192 = arith.constant 0 : i32
      %dma_wait3A_193 = tpu.memref_slice %arg16[%dma_wait3A_191, %dma_wait3A_192] : memref<4000x128xf32, #tpu.memory_space<vmem_shared>> -> memref<4000x128xf32, #tpu.memory_space<vmem_shared>>
      tpu.wait_indirect_dma semaphore(%arg21 : memref<!tpu.dma_semaphore, #tpu.memory_space<semaphore_mem>>) src(%arg14 : memref<80x128xf32, #tpu.memory_space<vmem>>) dst(%dma_wait3A_193 : memref<4000x128xf32, #tpu.memory_space<vmem_shared>>)
      %scan3A_194 = arith.constant 0 : i32
      scf.yield %scan3A_194 : i32
    }
    %scan3A_32 = arith.constant 25 : i32
    %mul3A_33 = arith.constant 3 : i32
    %mul3A_34 = arith.muli %arg0, %mul3A_33 : i32
    %add3A_35 = arith.constant 2 : i32
    %add3A_36 = arith.addi %mul3A_34, %add3A_35 : i32
    %mul3A_37 = arith.constant 64000 : i32
    %mul3A_38 = arith.muli %add3A_36, %mul3A_37 : i32
    %mul3A_39 = arith.constant 4000 : i32
    %mul3A_40 = arith.muli %arg1, %mul3A_39 : i32
    %add3A_41 = arith.addi %mul3A_38, %mul3A_40 : i32
    %scan3A_42 = arith.constant 0 : i32
    %scan3A_43 = arith.constant 0 : i32
    %scan3A_44 = arith.constant 25 : i32
    %scan3A_45 = arith.addi %scan3A_43, %scan3A_44 : i32
    %scan3A_46 = arith.constant 1 : i32
    %scan3A_47 = scf.for %scan3A_55 = %scan3A_43 to %scan3A_45 step %scan3A_46 iter_args(%scan3A_56 = %scan3A_42) -> (i32)  : i32 {
      %mul3A_57 = arith.constant 160 : i32
      %mul3A_58 = arith.muli %scan3A_55, %mul3A_57 : i32
      %add3A_59 = arith.addi %add3A_41, %mul3A_58 : i32
      "tpu.region"() ({
        %run_scoped3A = tpu.sem_alloc : memref<!tpu.dma_semaphore, #tpu.memory_space<semaphore_mem>>
        %dma_start3A_195 = tpu.memref_slice %arg3[%add3A_59] : memref<384000xi32, #tpu.memory_space<hbm>> -> memref<80xi32, #tpu.memory_space<hbm>>
        %dma_start3A_196 = tpu.memref_slice %arg3[%add3A_59] : memref<384000xi32, #tpu.memory_space<hbm>> -> memref<80xi32, #tpu.memory_space<hbm>>
        tpu.enqueue_dma source(%dma_start3A_196 : memref<80xi32, #tpu.memory_space<hbm>>) target(%arg7 : memref<80xi32, #tpu.memory_space<vmem>>) target_semaphore(%run_scoped3A : memref<!tpu.dma_semaphore, #tpu.memory_space<semaphore_mem>>)
        %dma_wait3A_197 = tpu.memref_slice %arg3[%add3A_59] : memref<384000xi32, #tpu.memory_space<hbm>> -> memref<80xi32, #tpu.memory_space<hbm>>
        %dma_wait3A_198 = tpu.memref_slice %arg3[%add3A_59] : memref<384000xi32, #tpu.memory_space<hbm>> -> memref<80xi32, #tpu.memory_space<hbm>>
        tpu.wait_dma2 semaphore(%run_scoped3A : memref<!tpu.dma_semaphore, #tpu.memory_space<semaphore_mem>>) src(%dma_wait3A_198 : memref<80xi32, #tpu.memory_space<hbm>>) dst(%arg7 : memref<80xi32, #tpu.memory_space<vmem>>)
        tpu.yield
      }) : () -> ()
      "tpu.region"() ({
        %run_scoped3A = tpu.sem_alloc : memref<!tpu.dma_semaphore, #tpu.memory_space<semaphore_mem>>
        %dma_start3A_195 = tpu.memref_slice %arg4[%add3A_59] : memref<384000xi32, #tpu.memory_space<hbm>> -> memref<80xi32, #tpu.memory_space<hbm>>
        %dma_start3A_196 = tpu.memref_slice %arg4[%add3A_59] : memref<384000xi32, #tpu.memory_space<hbm>> -> memref<80xi32, #tpu.memory_space<hbm>>
        tpu.enqueue_dma source(%dma_start3A_196 : memref<80xi32, #tpu.memory_space<hbm>>) target(%arg9 : memref<80xi32, #tpu.memory_space<vmem>>) target_semaphore(%run_scoped3A : memref<!tpu.dma_semaphore, #tpu.memory_space<semaphore_mem>>)
        %dma_wait3A_197 = tpu.memref_slice %arg4[%add3A_59] : memref<384000xi32, #tpu.memory_space<hbm>> -> memref<80xi32, #tpu.memory_space<hbm>>
        %dma_wait3A_198 = tpu.memref_slice %arg4[%add3A_59] : memref<384000xi32, #tpu.memory_space<hbm>> -> memref<80xi32, #tpu.memory_space<hbm>>
        tpu.wait_dma2 semaphore(%run_scoped3A : memref<!tpu.dma_semaphore, #tpu.memory_space<semaphore_mem>>) src(%dma_wait3A_198 : memref<80xi32, #tpu.memory_space<hbm>>) dst(%arg9 : memref<80xi32, #tpu.memory_space<vmem>>)
        tpu.yield
      }) : () -> ()
      %get3A = arith.constant 0 : index
      %get3A_60 = tpu.vector_load %arg7[%get3A] {strides = array<i32>} : memref<80xi32, #tpu.memory_space<vmem>>, vector<16xi32>,
      %get3A_61 = vector.shape_cast %get3A_60 : vector<16xi32> to vector<16xi32>
      %mul3A_62 = arith.constant 4000 : i32
      %mul3A_63 = arith.muli %add3A_36, %mul3A_62 : i32
      %add3A_64 = vector.broadcast %mul3A_63 : i32 to vector<16xi32>
      %add3A_65 = arith.addi %get3A_61, %add3A_64 : vector<16xi32>
      %swap3A = arith.constant 0 : index
      %swap3A_66 = tpu.vector_load %arg8[%swap3A] {strides = array<i32>} : memref<80xi32, #tpu.memory_space<vmem>>, vector<16xi32>,
      %swap3A_67 = vector.shape_cast %swap3A_66 : vector<16xi32> to vector<16xi32>
      %swap3A_68 = vector.shape_cast %add3A_65 : vector<16xi32> to vector<16xi32>
      tpu.vector_store %arg8[%swap3A], %swap3A_68 {strides = array<i32>} : memref<80xi32, #tpu.memory_space<vmem>>, vector<16xi32>,
      %get3A_69 = arith.constant 16 : index
      %get3A_70 = tpu.vector_load %arg7[%get3A_69] {strides = array<i32>} : memref<80xi32, #tpu.memory_space<vmem>>, vector<16xi32>,
      %get3A_71 = vector.shape_cast %get3A_70 : vector<16xi32> to vector<16xi32>
      %mul3A_72 = arith.constant 4000 : i32
      %mul3A_73 = arith.muli %add3A_36, %mul3A_72 : i32
      %add3A_74 = vector.broadcast %mul3A_73 : i32 to vector<16xi32>
      %add3A_75 = arith.addi %get3A_71, %add3A_74 : vector<16xi32>
      %swap3A_76 = arith.constant 16 : index
      %swap3A_77 = tpu.vector_load %arg8[%swap3A_76] {strides = array<i32>} : memref<80xi32, #tpu.memory_space<vmem>>, vector<16xi32>,
      %swap3A_78 = vector.shape_cast %swap3A_77 : vector<16xi32> to vector<16xi32>
      %swap3A_79 = vector.shape_cast %add3A_75 : vector<16xi32> to vector<16xi32>
      tpu.vector_store %arg8[%swap3A_76], %swap3A_79 {strides = array<i32>} : memref<80xi32, #tpu.memory_space<vmem>>, vector<16xi32>,
      %get3A_80 = arith.constant 32 : index
      %get3A_81 = tpu.vector_load %arg7[%get3A_80] {strides = array<i32>} : memref<80xi32, #tpu.memory_space<vmem>>, vector<16xi32>,
      %get3A_82 = vector.shape_cast %get3A_81 : vector<16xi32> to vector<16xi32>
      %mul3A_83 = arith.constant 4000 : i32
      %mul3A_84 = arith.muli %add3A_36, %mul3A_83 : i32
      %add3A_85 = vector.broadcast %mul3A_84 : i32 to vector<16xi32>
      %add3A_86 = arith.addi %get3A_82, %add3A_85 : vector<16xi32>
      %swap3A_87 = arith.constant 32 : index
      %swap3A_88 = tpu.vector_load %arg8[%swap3A_87] {strides = array<i32>} : memref<80xi32, #tpu.memory_space<vmem>>, vector<16xi32>,
      %swap3A_89 = vector.shape_cast %swap3A_88 : vector<16xi32> to vector<16xi32>
      %swap3A_90 = vector.shape_cast %add3A_86 : vector<16xi32> to vector<16xi32>
      tpu.vector_store %arg8[%swap3A_87], %swap3A_90 {strides = array<i32>} : memref<80xi32, #tpu.memory_space<vmem>>, vector<16xi32>,
      %get3A_91 = arith.constant 48 : index
      %get3A_92 = tpu.vector_load %arg7[%get3A_91] {strides = array<i32>} : memref<80xi32, #tpu.memory_space<vmem>>, vector<16xi32>,
      %get3A_93 = vector.shape_cast %get3A_92 : vector<16xi32> to vector<16xi32>
      %mul3A_94 = arith.constant 4000 : i32
      %mul3A_95 = arith.muli %add3A_36, %mul3A_94 : i32
      %add3A_96 = vector.broadcast %mul3A_95 : i32 to vector<16xi32>
      %add3A_97 = arith.addi %get3A_93, %add3A_96 : vector<16xi32>
      %swap3A_98 = arith.constant 48 : index
      %swap3A_99 = tpu.vector_load %arg8[%swap3A_98] {strides = array<i32>} : memref<80xi32, #tpu.memory_space<vmem>>, vector<16xi32>,
      %swap3A_100 = vector.shape_cast %swap3A_99 : vector<16xi32> to vector<16xi32>
      %swap3A_101 = vector.shape_cast %add3A_97 : vector<16xi32> to vector<16xi32>
      tpu.vector_store %arg8[%swap3A_98], %swap3A_101 {strides = array<i32>} : memref<80xi32, #tpu.memory_space<vmem>>, vector<16xi32>,
      %get3A_102 = arith.constant 64 : index
      %get3A_103 = tpu.vector_load %arg7[%get3A_102] {strides = array<i32>} : memref<80xi32, #tpu.memory_space<vmem>>, vector<16xi32>,
      %get3A_104 = vector.shape_cast %get3A_103 : vector<16xi32> to vector<16xi32>
      %mul3A_105 = arith.constant 4000 : i32
      %mul3A_106 = arith.muli %add3A_36, %mul3A_105 : i32
      %add3A_107 = vector.broadcast %mul3A_106 : i32 to vector<16xi32>
      %add3A_108 = arith.addi %get3A_104, %add3A_107 : vector<16xi32>
      %swap3A_109 = arith.constant 64 : index
      %swap3A_110 = tpu.vector_load %arg8[%swap3A_109] {strides = array<i32>} : memref<80xi32, #tpu.memory_space<vmem>>, vector<16xi32>,
      %swap3A_111 = vector.shape_cast %swap3A_110 : vector<16xi32> to vector<16xi32>
      %swap3A_112 = vector.shape_cast %add3A_108 : vector<16xi32> to vector<16xi32>
      tpu.vector_store %arg8[%swap3A_109], %swap3A_112 {strides = array<i32>} : memref<80xi32, #tpu.memory_space<vmem>>, vector<16xi32>,
      %dma_start3A = arith.constant 0 : i32
      %dma_start3A_113 = arith.constant 0 : i32
      %dma_start3A_114 = tpu.memref_slice %arg2[%dma_start3A, %dma_start3A_113] : memref<24000x128xf32, #tpu.memory_space<hbm>> -> memref<24000x128xf32, #tpu.memory_space<hbm>>
      tpu.enqueue_indirect_dma source(%dma_start3A_114 : memref<24000x128xf32, #tpu.memory_space<hbm>>) target(%arg10 : memref<80x128xf32, #tpu.memory_space<vmem>>) offsets(%arg8 : memref<80xi32, #tpu.memory_space<vmem>>) semaphore(%arg18 : memref<!tpu.dma_semaphore, #tpu.memory_space<semaphore_mem>>)
      %add3A_115 = arith.constant 80 : i32
      %add3A_116 = arith.addi %add3A_59, %add3A_115 : i32
      "tpu.region"() ({
        %run_scoped3A = tpu.sem_alloc : memref<!tpu.dma_semaphore, #tpu.memory_space<semaphore_mem>>
        %dma_start3A_195 = tpu.memref_slice %arg3[%add3A_116] : memref<384000xi32, #tpu.memory_space<hbm>> -> memref<80xi32, #tpu.memory_space<hbm>>
        %dma_start3A_196 = tpu.memref_slice %arg3[%add3A_116] : memref<384000xi32, #tpu.memory_space<hbm>> -> memref<80xi32, #tpu.memory_space<hbm>>
        tpu.enqueue_dma source(%dma_start3A_196 : memref<80xi32, #tpu.memory_space<hbm>>) target(%arg11 : memref<80xi32, #tpu.memory_space<vmem>>) target_semaphore(%run_scoped3A : memref<!tpu.dma_semaphore, #tpu.memory_space<semaphore_mem>>)
        %dma_wait3A_197 = tpu.memref_slice %arg3[%add3A_116] : memref<384000xi32, #tpu.memory_space<hbm>> -> memref<80xi32, #tpu.memory_space<hbm>>
        %dma_wait3A_198 = tpu.memref_slice %arg3[%add3A_116] : memref<384000xi32, #tpu.memory_space<hbm>> -> memref<80xi32, #tpu.memory_space<hbm>>
        tpu.wait_dma2 semaphore(%run_scoped3A : memref<!tpu.dma_semaphore, #tpu.memory_space<semaphore_mem>>) src(%dma_wait3A_198 : memref<80xi32, #tpu.memory_space<hbm>>) dst(%arg11 : memref<80xi32, #tpu.memory_space<vmem>>)
        tpu.yield
      }) : () -> ()
      %add3A_117 = arith.constant 80 : i32
      %add3A_118 = arith.addi %add3A_59, %add3A_117 : i32
      "tpu.region"() ({
        %run_scoped3A = tpu.sem_alloc : memref<!tpu.dma_semaphore, #tpu.memory_space<semaphore_mem>>
        %dma_start3A_195 = tpu.memref_slice %arg4[%add3A_118] : memref<384000xi32, #tpu.memory_space<hbm>> -> memref<80xi32, #tpu.memory_space<hbm>>
        %dma_start3A_196 = tpu.memref_slice %arg4[%add3A_118] : memref<384000xi32, #tpu.memory_space<hbm>> -> memref<80xi32, #tpu.memory_space<hbm>>
        tpu.enqueue_dma source(%dma_start3A_196 : memref<80xi32, #tpu.memory_space<hbm>>) target(%arg13 : memref<80xi32, #tpu.memory_space<vmem>>) target_semaphore(%run_scoped3A : memref<!tpu.dma_semaphore, #tpu.memory_space<semaphore_mem>>)
        %dma_wait3A_197 = tpu.memref_slice %arg4[%add3A_118] : memref<384000xi32, #tpu.memory_space<hbm>> -> memref<80xi32, #tpu.memory_space<hbm>>
        %dma_wait3A_198 = tpu.memref_slice %arg4[%add3A_118] : memref<384000xi32, #tpu.memory_space<hbm>> -> memref<80xi32, #tpu.memory_space<hbm>>
        tpu.wait_dma2 semaphore(%run_scoped3A : memref<!tpu.dma_semaphore, #tpu.memory_space<semaphore_mem>>) src(%dma_wait3A_198 : memref<80xi32, #tpu.memory_space<hbm>>) dst(%arg13 : memref<80xi32, #tpu.memory_space<vmem>>)
        tpu.yield
      }) : () -> ()
      %get3A_119 = arith.constant 0 : index
      %get3A_120 = tpu.vector_load %arg11[%get3A_119] {strides = array<i32>} : memref<80xi32, #tpu.memory_space<vmem>>, vector<16xi32>,
      %get3A_121 = vector.shape_cast %get3A_120 : vector<16xi32> to vector<16xi32>
      %mul3A_122 = arith.constant 4000 : i32
      %mul3A_123 = arith.muli %add3A_36, %mul3A_122 : i32
      %add3A_124 = vector.broadcast %mul3A_123 : i32 to vector<16xi32>
      %add3A_125 = arith.addi %get3A_121, %add3A_124 : vector<16xi32>
      %swap3A_126 = arith.constant 0 : index
      %swap3A_127 = tpu.vector_load %arg12[%swap3A_126] {strides = array<i32>} : memref<80xi32, #tpu.memory_space<vmem>>, vector<16xi32>,
      %swap3A_128 = vector.shape_cast %swap3A_127 : vector<16xi32> to vector<16xi32>
      %swap3A_129 = vector.shape_cast %add3A_125 : vector<16xi32> to vector<16xi32>
      tpu.vector_store %arg12[%swap3A_126], %swap3A_129 {strides = array<i32>} : memref<80xi32, #tpu.memory_space<vmem>>, vector<16xi32>,
      %get3A_130 = arith.constant 16 : index
      %get3A_131 = tpu.vector_load %arg11[%get3A_130] {strides = array<i32>} : memref<80xi32, #tpu.memory_space<vmem>>, vector<16xi32>,
      %get3A_132 = vector.shape_cast %get3A_131 : vector<16xi32> to vector<16xi32>
      %mul3A_133 = arith.constant 4000 : i32
      %mul3A_134 = arith.muli %add3A_36, %mul3A_133 : i32
      %add3A_135 = vector.broadcast %mul3A_134 : i32 to vector<16xi32>
      %add3A_136 = arith.addi %get3A_132, %add3A_135 : vector<16xi32>
      %swap3A_137 = arith.constant 16 : index
      %swap3A_138 = tpu.vector_load %arg12[%swap3A_137] {strides = array<i32>} : memref<80xi32, #tpu.memory_space<vmem>>, vector<16xi32>,
      %swap3A_139 = vector.shape_cast %swap3A_138 : vector<16xi32> to vector<16xi32>
      %swap3A_140 = vector.shape_cast %add3A_136 : vector<16xi32> to vector<16xi32>
      tpu.vector_store %arg12[%swap3A_137], %swap3A_140 {strides = array<i32>} : memref<80xi32, #tpu.memory_space<vmem>>, vector<16xi32>,
      %get3A_141 = arith.constant 32 : index
      %get3A_142 = tpu.vector_load %arg11[%get3A_141] {strides = array<i32>} : memref<80xi32, #tpu.memory_space<vmem>>, vector<16xi32>,
      %get3A_143 = vector.shape_cast %get3A_142 : vector<16xi32> to vector<16xi32>
      %mul3A_144 = arith.constant 4000 : i32
      %mul3A_145 = arith.muli %add3A_36, %mul3A_144 : i32
      %add3A_146 = vector.broadcast %mul3A_145 : i32 to vector<16xi32>
      %add3A_147 = arith.addi %get3A_143, %add3A_146 : vector<16xi32>
      %swap3A_148 = arith.constant 32 : index
      %swap3A_149 = tpu.vector_load %arg12[%swap3A_148] {strides = array<i32>} : memref<80xi32, #tpu.memory_space<vmem>>, vector<16xi32>,
      %swap3A_150 = vector.shape_cast %swap3A_149 : vector<16xi32> to vector<16xi32>
      %swap3A_151 = vector.shape_cast %add3A_147 : vector<16xi32> to vector<16xi32>
      tpu.vector_store %arg12[%swap3A_148], %swap3A_151 {strides = array<i32>} : memref<80xi32, #tpu.memory_space<vmem>>, vector<16xi32>,
      %get3A_152 = arith.constant 48 : index
      %get3A_153 = tpu.vector_load %arg11[%get3A_152] {strides = array<i32>} : memref<80xi32, #tpu.memory_space<vmem>>, vector<16xi32>,
      %get3A_154 = vector.shape_cast %get3A_153 : vector<16xi32> to vector<16xi32>
      %mul3A_155 = arith.constant 4000 : i32
      %mul3A_156 = arith.muli %add3A_36, %mul3A_155 : i32
      %add3A_157 = vector.broadcast %mul3A_156 : i32 to vector<16xi32>
      %add3A_158 = arith.addi %get3A_154, %add3A_157 : vector<16xi32>
      %swap3A_159 = arith.constant 48 : index
      %swap3A_160 = tpu.vector_load %arg12[%swap3A_159] {strides = array<i32>} : memref<80xi32, #tpu.memory_space<vmem>>, vector<16xi32>,
      %swap3A_161 = vector.shape_cast %swap3A_160 : vector<16xi32> to vector<16xi32>
      %swap3A_162 = vector.shape_cast %add3A_158 : vector<16xi32> to vector<16xi32>
      tpu.vector_store %arg12[%swap3A_159], %swap3A_162 {strides = array<i32>} : memref<80xi32, #tpu.memory_space<vmem>>, vector<16xi32>,
      %get3A_163 = arith.constant 64 : index
      %get3A_164 = tpu.vector_load %arg11[%get3A_163] {strides = array<i32>} : memref<80xi32, #tpu.memory_space<vmem>>, vector<16xi32>,
      %get3A_165 = vector.shape_cast %get3A_164 : vector<16xi32> to vector<16xi32>
      %mul3A_166 = arith.constant 4000 : i32
      %mul3A_167 = arith.muli %add3A_36, %mul3A_166 : i32
      %add3A_168 = vector.broadcast %mul3A_167 : i32 to vector<16xi32>
      %add3A_169 = arith.addi %get3A_165, %add3A_168 : vector<16xi32>
      %swap3A_170 = arith.constant 64 : index
      %swap3A_171 = tpu.vector_load %arg12[%swap3A_170] {strides = array<i32>} : memref<80xi32, #tpu.memory_space<vmem>>, vector<16xi32>,
      %swap3A_172 = vector.shape_cast %swap3A_171 : vector<16xi32> to vector<16xi32>
      %swap3A_173 = vector.shape_cast %add3A_169 : vector<16xi32> to vector<16xi32>
      tpu.vector_store %arg12[%swap3A_170], %swap3A_173 {strides = array<i32>} : memref<80xi32, #tpu.memory_space<vmem>>, vector<16xi32>,
      %dma_start3A_174 = arith.constant 0 : i32
      %dma_start3A_175 = arith.constant 0 : i32
      %dma_start3A_176 = tpu.memref_slice %arg2[%dma_start3A_174, %dma_start3A_175] : memref<24000x128xf32, #tpu.memory_space<hbm>> -> memref<24000x128xf32, #tpu.memory_space<hbm>>
      tpu.enqueue_indirect_dma source(%dma_start3A_176 : memref<24000x128xf32, #tpu.memory_space<hbm>>) target(%arg14 : memref<80x128xf32, #tpu.memory_space<vmem>>) offsets(%arg12 : memref<80xi32, #tpu.memory_space<vmem>>) semaphore(%arg19 : memref<!tpu.dma_semaphore, #tpu.memory_space<semaphore_mem>>)
      %dma_wait3A = arith.constant 0 : i32
      %dma_wait3A_177 = arith.constant 0 : i32
      %dma_wait3A_178 = tpu.memref_slice %arg2[%dma_wait3A, %dma_wait3A_177] : memref<24000x128xf32, #tpu.memory_space<hbm>> -> memref<24000x128xf32, #tpu.memory_space<hbm>>
      tpu.wait_indirect_dma semaphore(%arg18 : memref<!tpu.dma_semaphore, #tpu.memory_space<semaphore_mem>>) src(%dma_wait3A_178 : memref<24000x128xf32, #tpu.memory_space<hbm>>) dst(%arg10 : memref<80x128xf32, #tpu.memory_space<vmem>>)
      %dma_start3A_179 = arith.constant 0 : i32
      %dma_start3A_180 = arith.constant 0 : i32
      %dma_start3A_181 = tpu.memref_slice %arg17[%dma_start3A_179, %dma_start3A_180] : memref<4000x128xf32, #tpu.memory_space<vmem_shared>> -> memref<4000x128xf32, #tpu.memory_space<vmem_shared>>
      tpu.enqueue_indirect_dma source(%arg10 : memref<80x128xf32, #tpu.memory_space<vmem>>) target(%dma_start3A_181 : memref<4000x128xf32, #tpu.memory_space<vmem_shared>>) offsets(%arg9 : memref<80xi32, #tpu.memory_space<vmem>>) semaphore(%arg20 : memref<!tpu.dma_semaphore, #tpu.memory_space<semaphore_mem>>) {add = true}
      %dma_wait3A_182 = arith.constant 0 : i32
      %dma_wait3A_183 = arith.constant 0 : i32
      %dma_wait3A_184 = tpu.memref_slice %arg2[%dma_wait3A_182, %dma_wait3A_183] : memref<24000x128xf32, #tpu.memory_space<hbm>> -> memref<24000x128xf32, #tpu.memory_space<hbm>>
      tpu.wait_indirect_dma semaphore(%arg19 : memref<!tpu.dma_semaphore, #tpu.memory_space<semaphore_mem>>) src(%dma_wait3A_184 : memref<24000x128xf32, #tpu.memory_space<hbm>>) dst(%arg14 : memref<80x128xf32, #tpu.memory_space<vmem>>)
      %dma_start3A_185 = arith.constant 0 : i32
      %dma_start3A_186 = arith.constant 0 : i32
      %dma_start3A_187 = tpu.memref_slice %arg17[%dma_start3A_185, %dma_start3A_186] : memref<4000x128xf32, #tpu.memory_space<vmem_shared>> -> memref<4000x128xf32, #tpu.memory_space<vmem_shared>>
      tpu.enqueue_indirect_dma source(%arg14 : memref<80x128xf32, #tpu.memory_space<vmem>>) target(%dma_start3A_187 : memref<4000x128xf32, #tpu.memory_space<vmem_shared>>) offsets(%arg13 : memref<80xi32, #tpu.memory_space<vmem>>) semaphore(%arg21 : memref<!tpu.dma_semaphore, #tpu.memory_space<semaphore_mem>>) {add = true}
      %dma_wait3A_188 = arith.constant 0 : i32
      %dma_wait3A_189 = arith.constant 0 : i32
      %dma_wait3A_190 = tpu.memref_slice %arg17[%dma_wait3A_188, %dma_wait3A_189] : memref<4000x128xf32, #tpu.memory_space<vmem_shared>> -> memref<4000x128xf32, #tpu.memory_space<vmem_shared>>
      tpu.wait_indirect_dma semaphore(%arg20 : memref<!tpu.dma_semaphore, #tpu.memory_space<semaphore_mem>>) src(%arg10 : memref<80x128xf32, #tpu.memory_space<vmem>>) dst(%dma_wait3A_190 : memref<4000x128xf32, #tpu.memory_space<vmem_shared>>)
      %dma_wait3A_191 = arith.constant 0 : i32
      %dma_wait3A_192 = arith.constant 0 : i32
      %dma_wait3A_193 = tpu.memref_slice %arg17[%dma_wait3A_191, %dma_wait3A_192] : memref<4000x128xf32, #tpu.memory_space<vmem_shared>> -> memref<4000x128xf32, #tpu.memory_space<vmem_shared>>
      tpu.wait_indirect_dma semaphore(%arg21 : memref<!tpu.dma_semaphore, #tpu.memory_space<semaphore_mem>>) src(%arg14 : memref<80x128xf32, #tpu.memory_space<vmem>>) dst(%dma_wait3A_193 : memref<4000x128xf32, #tpu.memory_space<vmem_shared>>)
      %scan3A_194 = arith.constant 0 : i32
      scf.yield %scan3A_194 : i32
    }
    %scan3A_48 = arith.constant 25 : i32
    %barrier3A_49 = arith.constant 0 : index
    tpu.barrier barrier_id(%barrier3A_49)
    %lt3A_50 = arith.constant 10 : i32
    %lt3A_51 = arith.cmpi slt, %arg1, %lt3A_50 : i32
    %convert_element_type3A_52 = arith.extui %lt3A_51 : i1 to i32
    %cond3A_53 = arith.constant 0 : i32
    %cond3A_54 = arith.cmpi ne, %convert_element_type3A_52, %cond3A_53 : i32
    scf.if %cond3A_54 {
      %mul3A_55 = arith.constant 3 : i32
      %mul3A_56 = arith.muli %arg0, %mul3A_55 : i32
      %add3A_57 = arith.constant 0 : i32
      %add3A_58 = arith.addi %mul3A_56, %add3A_57 : i32
      %mul3A_59 = arith.constant 4000 : i32
      %mul3A_60 = arith.muli %add3A_58, %mul3A_59 : i32
      %add3A_61 = arith.addi %mul3A_60, %mul3A_0 : i32
      "tpu.region"() ({
        %run_scoped3A = tpu.sem_alloc : memref<!tpu.dma_semaphore, #tpu.memory_space<semaphore_mem>>
        %dma_start3A = arith.constant 0 : i32
        %dma_start3A_76 = tpu.memref_slice %arg6[%add3A_61, %dma_start3A] : memref<24000x128xf32, #tpu.memory_space<hbm>> -> memref<400x128xf32, #tpu.memory_space<hbm>>
        %dma_start3A_77 = arith.constant 0 : i32
        %dma_start3A_78 = tpu.memref_slice %arg15[%mul3A_0, %dma_start3A_77] : memref<4000x128xf32, #tpu.memory_space<vmem_shared>> -> memref<400x128xf32, #tpu.memory_space<vmem_shared>>
        tpu.enqueue_dma source(%dma_start3A_78 : memref<400x128xf32, #tpu.memory_space<vmem_shared>>) target(%dma_start3A_76 : memref<400x128xf32, #tpu.memory_space<hbm>>) target_semaphore(%run_scoped3A : memref<!tpu.dma_semaphore, #tpu.memory_space<semaphore_mem>>)
        %dma_wait3A = arith.constant 0 : i32
        %dma_wait3A_79 = tpu.memref_slice %arg6[%add3A_61, %dma_wait3A] : memref<24000x128xf32, #tpu.memory_space<hbm>> -> memref<400x128xf32, #tpu.memory_space<hbm>>
        %dma_wait3A_80 = arith.constant 0 : i32
        %dma_wait3A_81 = tpu.memref_slice %arg15[%mul3A_0, %dma_wait3A_80] : memref<4000x128xf32, #tpu.memory_space<vmem_shared>> -> memref<400x128xf32, #tpu.memory_space<vmem_shared>>
        tpu.wait_dma2 semaphore(%run_scoped3A : memref<!tpu.dma_semaphore, #tpu.memory_space<semaphore_mem>>) src(%dma_wait3A_81 : memref<400x128xf32, #tpu.memory_space<vmem_shared>>) dst(%dma_wait3A_79 : memref<400x128xf32, #tpu.memory_space<hbm>>)
        tpu.yield
      }) : () -> ()
      %mul3A_62 = arith.constant 3 : i32
      %mul3A_63 = arith.muli %arg0, %mul3A_62 : i32
      %add3A_64 = arith.constant 1 : i32
      %add3A_65 = arith.addi %mul3A_63, %add3A_64 : i32
      %mul3A_66 = arith.constant 4000 : i32
      %mul3A_67 = arith.muli %add3A_65, %mul3A_66 : i32
      %add3A_68 = arith.addi %mul3A_67, %mul3A_0 : i32
      "tpu.region"() ({
        %run_scoped3A = tpu.sem_alloc : memref<!tpu.dma_semaphore, #tpu.memory_space<semaphore_mem>>
        %dma_start3A = arith.constant 0 : i32
        %dma_start3A_76 = tpu.memref_slice %arg6[%add3A_68, %dma_start3A] : memref<24000x128xf32, #tpu.memory_space<hbm>> -> memref<400x128xf32, #tpu.memory_space<hbm>>
        %dma_start3A_77 = arith.constant 0 : i32
        %dma_start3A_78 = tpu.memref_slice %arg16[%mul3A_0, %dma_start3A_77] : memref<4000x128xf32, #tpu.memory_space<vmem_shared>> -> memref<400x128xf32, #tpu.memory_space<vmem_shared>>
        tpu.enqueue_dma source(%dma_start3A_78 : memref<400x128xf32, #tpu.memory_space<vmem_shared>>) target(%dma_start3A_76 : memref<400x128xf32, #tpu.memory_space<hbm>>) target_semaphore(%run_scoped3A : memref<!tpu.dma_semaphore, #tpu.memory_space<semaphore_mem>>)
        %dma_wait3A = arith.constant 0 : i32
        %dma_wait3A_79 = tpu.memref_slice %arg6[%add3A_68, %dma_wait3A] : memref<24000x128xf32, #tpu.memory_space<hbm>> -> memref<400x128xf32, #tpu.memory_space<hbm>>
        %dma_wait3A_80 = arith.constant 0 : i32
        %dma_wait3A_81 = tpu.memref_slice %arg16[%mul3A_0, %dma_wait3A_80] : memref<4000x128xf32, #tpu.memory_space<vmem_shared>> -> memref<400x128xf32, #tpu.memory_space<vmem_shared>>
        tpu.wait_dma2 semaphore(%run_scoped3A : memref<!tpu.dma_semaphore, #tpu.memory_space<semaphore_mem>>) src(%dma_wait3A_81 : memref<400x128xf32, #tpu.memory_space<vmem_shared>>) dst(%dma_wait3A_79 : memref<400x128xf32, #tpu.memory_space<hbm>>)
        tpu.yield
      }) : () -> ()
      %mul3A_69 = arith.constant 3 : i32
      %mul3A_70 = arith.muli %arg0, %mul3A_69 : i32
      %add3A_71 = arith.constant 2 : i32
      %add3A_72 = arith.addi %mul3A_70, %add3A_71 : i32
      %mul3A_73 = arith.constant 4000 : i32
      %mul3A_74 = arith.muli %add3A_72, %mul3A_73 : i32
      %add3A_75 = arith.addi %mul3A_74, %mul3A_0 : i32
      "tpu.region"() ({
        %run_scoped3A = tpu.sem_alloc : memref<!tpu.dma_semaphore, #tpu.memory_space<semaphore_mem>>
        %dma_start3A = arith.constant 0 : i32
        %dma_start3A_76 = tpu.memref_slice %arg6[%add3A_75, %dma_start3A] : memref<24000x128xf32, #tpu.memory_space<hbm>> -> memref<400x128xf32, #tpu.memory_space<hbm>>
        %dma_start3A_77 = arith.constant 0 : i32
        %dma_start3A_78 = tpu.memref_slice %arg17[%mul3A_0, %dma_start3A_77] : memref<4000x128xf32, #tpu.memory_space<vmem_shared>> -> memref<400x128xf32, #tpu.memory_space<vmem_shared>>
        tpu.enqueue_dma source(%dma_start3A_78 : memref<400x128xf32, #tpu.memory_space<vmem_shared>>) target(%dma_start3A_76 : memref<400x128xf32, #tpu.memory_space<hbm>>) target_semaphore(%run_scoped3A : memref<!tpu.dma_semaphore, #tpu.memory_space<semaphore_mem>>)
        %dma_wait3A = arith.constant 0 : i32
        %dma_wait3A_79 = tpu.memref_slice %arg6[%add3A_75, %dma_wait3A] : memref<24000x128xf32, #tpu.memory_space<hbm>> -> memref<400x128xf32, #tpu.memory_space<hbm>>
        %dma_wait3A_80 = arith.constant 0 : i32
        %dma_wait3A_81 = tpu.memref_slice %arg17[%mul3A_0, %dma_wait3A_80] : memref<4000x128xf32, #tpu.memory_space<vmem_shared>> -> memref<400x128xf32, #tpu.memory_space<vmem_shared>>
        tpu.wait_dma2 semaphore(%run_scoped3A : memref<!tpu.dma_semaphore, #tpu.memory_space<semaphore_mem>>) src(%dma_wait3A_81 : memref<400x128xf32, #tpu.memory_space<vmem_shared>>) dst(%dma_wait3A_79 : memref<400x128xf32, #tpu.memory_space<hbm>>)
        tpu.yield
      }) : () -> ()
    } else {
    }
    return
  }
}

module attributes {stable_mosaic.version = 14 : i64} {
  func.func @_matmul_kernel(%arg0: i32, %arg1: memref<1x4000x128xf32, #tpu.memory_space<vmem>>, %arg2: memref<1x4000x128xf32, #tpu.memory_space<vmem>>, %arg3: memref<1x128x128xf32, #tpu.memory_space<vmem>>, %arg4: memref<1x4000x128xf32, #tpu.memory_space<vmem>>) attributes {dimension_semantics = [#tpu.dimension_semantics<arbitrary>], iteration_bounds = array<i64: 6>, scalar_prefetch = 0 : i64, scratch_operands = 0 : i64, tpu.core_type = #tpu.core_type<tc>, window_params = [{transform_indices = @transform_0, window_bounds = array<i64: 1, 4000, 128>}, {transform_indices = @transform_1, window_bounds = array<i64: 1, 4000, 128>}, {transform_indices = @transform_2, window_bounds = array<i64: 1, 128, 128>}, {transform_indices = @transform_3, window_bounds = array<i64: 1, 4000, 128>}]} {
    %get3A = arith.constant 0 : index
    %get3A_0 = arith.constant 0 : index
    %get3A_1 = arith.constant 0 : index
    %get3A_2 = vector.load %arg2[%get3A, %get3A_0, %get3A_1] : memref<1x4000x128xf32, #tpu.memory_space<vmem>>, vector<1x4000x1xf32>
    %get3A_3 = vector.shape_cast %get3A_2 : vector<1x4000x1xf32> to vector<4000xf32>
    %max3A = arith.constant 1.000000e+00 : f32
    %max3A_4 = vector.broadcast %max3A : f32 to vector<4000xf32>
    %max3A_5 = arith.maximumf %get3A_3, %max3A_4 : vector<4000xf32>
    %rsqrt3A = math.rsqrt %max3A_5 : vector<4000xf32>
    %get3A_6 = arith.constant 0 : index
    %get3A_7 = arith.constant 0 : index
    %get3A_8 = arith.constant 0 : index
    %get3A_9 = vector.load %arg1[%get3A_6, %get3A_7, %get3A_8] : memref<1x4000x128xf32, #tpu.memory_space<vmem>>, vector<1x4000x128xf32>
    %get3A_10 = vector.shape_cast %get3A_9 : vector<1x4000x128xf32> to vector<4000x128xf32>
    %broadcast_in_dim3A = vector.shape_cast %rsqrt3A : vector<4000xf32> to vector<4000x1xf32>
    %mul3A = vector.broadcast %broadcast_in_dim3A : vector<4000x1xf32> to vector<4000x128xf32>
    %mul3A_11 = arith.mulf %get3A_10, %mul3A : vector<4000x128xf32>
    %get3A_12 = arith.constant 0 : index
    %get3A_13 = arith.constant 0 : index
    %get3A_14 = arith.constant 0 : index
    %get3A_15 = vector.load %arg3[%get3A_12, %get3A_13, %get3A_14] : memref<1x128x128xf32, #tpu.memory_space<vmem>>, vector<1x128x128xf32>
    %get3A_16 = vector.shape_cast %get3A_15 : vector<1x128x128xf32> to vector<128x128xf32>
    %dot_general3A = arith.constant dense<0.000000e+00> : vector<4000x128xf32>
    %dot_general3A_17 = tpu.matmul %mul3A_11, %get3A_16, %dot_general3A {dimension_numbers = #tpu.dot_dimension_numbers<[1], [0], [0], [1], [0, 0, 1, 1], [], []>, transpose_lhs_hint = false} : vector<4000x128xf32>, vector<128x128xf32>, vector<4000x128xf32> -> vector<4000x128xf32>
    %swap3A = arith.constant 0 : index
    %swap3A_18 = arith.constant 0 : index
    %swap3A_19 = arith.constant 0 : index
    %swap3A_20 = vector.load %arg4[%swap3A, %swap3A_18, %swap3A_19] : memref<1x4000x128xf32, #tpu.memory_space<vmem>>, vector<1x4000x128xf32>
    %swap3A_21 = vector.shape_cast %swap3A_20 : vector<1x4000x128xf32> to vector<4000x128xf32>
    %swap3A_22 = vector.shape_cast %dot_general3A_17 : vector<4000x128xf32> to vector<1x4000x128xf32>
    tpu.vector_store %arg4[%swap3A, %swap3A_18, %swap3A_19], %swap3A_22 {strides = array<i32>} : memref<1x4000x128xf32, #tpu.memory_space<vmem>>, vector<1x4000x128xf32>,
    return
  }
  func.func @transform_0(%arg0: i32) -> (i32, i32, i32) {
    %c0_i32 = arith.constant 0 : i32
    %c0_i32_0 = arith.constant 0 : i32
    %c0_i32_1 = arith.constant 0 : i32
    return %arg0, %c0_i32, %c0_i32_0 : i32, i32, i32
  }
  func.func @transform_1(%arg0: i32) -> (i32, i32, i32) {
    %mul3A = arith.constant 2 : i32
    %mul3A_0 = arith.muli %mul3A, %arg0 : i32
    %c0_i32 = arith.constant 0 : i32
    %c0_i32_1 = arith.constant 0 : i32
    %c0_i32_2 = arith.constant 0 : i32
    return %mul3A_0, %c0_i32, %c0_i32_1 : i32, i32, i32
  }
  func.func @transform_2(%arg0: i32) -> (i32, i32, i32) {
    %c0_i32 = arith.constant 0 : i32
    %c0_i32_0 = arith.constant 0 : i32
    %c0_i32_1 = arith.constant 0 : i32
    return %arg0, %c0_i32, %c0_i32_0 : i32, i32, i32
  }
  func.func @transform_3(%arg0: i32) -> (i32, i32, i32) {
    %c0_i32 = arith.constant 0 : i32
    %c0_i32_0 = arith.constant 0 : i32
    %c0_i32_1 = arith.constant 0 : i32
    return %arg0, %c0_i32, %c0_i32_0 : i32, i32, i32
  }
}

module attributes {stable_mosaic.version = 14 : i64} {
  func.func @_combine_kernel(%arg0: i32, %arg1: memref<1x3x4000x128xf32, #tpu.memory_space<vmem>>, %arg2: memref<1x3x4000x128xf32, #tpu.memory_space<vmem>>, %arg3: memref<1x3x128xf32, #tpu.memory_space<vmem>>, %arg4: memref<1x4000x128xf32, #tpu.memory_space<vmem>>) attributes {dimension_semantics = [#tpu.dimension_semantics<arbitrary>], iteration_bounds = array<i64: 3>, scalar_prefetch = 0 : i64, scratch_operands = 0 : i64, tpu.core_type = #tpu.core_type<tc>, window_params = [{transform_indices = @transform_0, window_bounds = array<i64: 1, 3, 4000, 128>}, {transform_indices = @transform_1, window_bounds = array<i64: 1, 3, 4000, 128>}, {transform_indices = @transform_2, window_bounds = array<i64: 1, 3, 128>}, {transform_indices = @transform_3, window_bounds = array<i64: 1, 4000, 128>}]} {
    %eq3A = arith.constant 0 : i32
    %eq3A_0 = arith.cmpi eq, %arg0, %eq3A : i32
    %eq3A_1 = arith.constant 1 : i32
    %eq3A_2 = arith.cmpi eq, %arg0, %eq3A_1 : i32
    %jit3A = arith.constant 0.333333343 : f32
    %jit3A_3 = arith.constant 5.000000e-01 : f32
    %select_n3A = arith.select %eq3A_2, %jit3A, %jit3A_3 : f32
    %jit3A_4 = arith.constant 1.000000e+00 : f32
    %select_n3A_5 = arith.select %eq3A_0, %jit3A_4, %select_n3A : f32
    %broadcast_in_dim3A = arith.constant 0.000000e+00 : f32
    %broadcast_in_dim3A_6 = vector.broadcast %broadcast_in_dim3A : f32 to vector<4000x128xf32>
    %get3A = arith.constant 0 : index
    %get3A_7 = arith.constant 0 : index
    %get3A_8 = arith.constant 0 : index
    %get3A_9 = arith.constant 0 : index
    %get3A_10 = vector.load %arg2[%get3A, %get3A_7, %get3A_8, %get3A_9] : memref<1x3x4000x128xf32, #tpu.memory_space<vmem>>, vector<1x1x4000x1xf32>
    %get3A_11 = vector.shape_cast %get3A_10 : vector<1x1x4000x1xf32> to vector<4000xf32>
    %max3A = arith.constant 1.000000e+00 : f32
    %max3A_12 = vector.broadcast %max3A : f32 to vector<4000xf32>
    %max3A_13 = arith.maximumf %get3A_11, %max3A_12 : vector<4000xf32>
    %rsqrt3A = math.rsqrt %max3A_13 : vector<4000xf32>
    %get3A_14 = arith.constant 0 : index
    %get3A_15 = arith.constant 0 : index
    %get3A_16 = arith.constant 0 : index
    %get3A_17 = arith.constant 0 : index
    %get3A_18 = vector.load %arg1[%get3A_14, %get3A_15, %get3A_16, %get3A_17] : memref<1x3x4000x128xf32, #tpu.memory_space<vmem>>, vector<1x1x4000x128xf32>
    %get3A_19 = vector.shape_cast %get3A_18 : vector<1x1x4000x128xf32> to vector<4000x128xf32>
    %broadcast_in_dim3A_20 = vector.shape_cast %rsqrt3A : vector<4000xf32> to vector<4000x1xf32>
    %mul3A = vector.broadcast %broadcast_in_dim3A_20 : vector<4000x1xf32> to vector<4000x128xf32>
    %mul3A_21 = arith.mulf %get3A_19, %mul3A : vector<4000x128xf32>
    %add3A = arith.addf %broadcast_in_dim3A_6, %mul3A_21 : vector<4000x128xf32>
    %get3A_22 = arith.constant 0 : index
    %get3A_23 = arith.constant 1 : index
    %get3A_24 = arith.constant 0 : index
    %get3A_25 = arith.constant 0 : index
    %get3A_26 = vector.load %arg2[%get3A_22, %get3A_23, %get3A_24, %get3A_25] : memref<1x3x4000x128xf32, #tpu.memory_space<vmem>>, vector<1x1x4000x1xf32>
    %get3A_27 = vector.shape_cast %get3A_26 : vector<1x1x4000x1xf32> to vector<4000xf32>
    %max3A_28 = arith.constant 1.000000e+00 : f32
    %max3A_29 = vector.broadcast %max3A_28 : f32 to vector<4000xf32>
    %max3A_30 = arith.maximumf %get3A_27, %max3A_29 : vector<4000xf32>
    %rsqrt3A_31 = math.rsqrt %max3A_30 : vector<4000xf32>
    %get3A_32 = arith.constant 0 : index
    %get3A_33 = arith.constant 1 : index
    %get3A_34 = arith.constant 0 : index
    %get3A_35 = arith.constant 0 : index
    %get3A_36 = vector.load %arg1[%get3A_32, %get3A_33, %get3A_34, %get3A_35] : memref<1x3x4000x128xf32, #tpu.memory_space<vmem>>, vector<1x1x4000x128xf32>
    %get3A_37 = vector.shape_cast %get3A_36 : vector<1x1x4000x128xf32> to vector<4000x128xf32>
    %broadcast_in_dim3A_38 = vector.shape_cast %rsqrt3A_31 : vector<4000xf32> to vector<4000x1xf32>
    %mul3A_39 = vector.broadcast %broadcast_in_dim3A_38 : vector<4000x1xf32> to vector<4000x128xf32>
    %mul3A_40 = arith.mulf %get3A_37, %mul3A_39 : vector<4000x128xf32>
    %add3A_41 = arith.addf %add3A, %mul3A_40 : vector<4000x128xf32>
    %get3A_42 = arith.constant 0 : index
    %get3A_43 = arith.constant 2 : index
    %get3A_44 = arith.constant 0 : index
    %get3A_45 = arith.constant 0 : index
    %get3A_46 = vector.load %arg2[%get3A_42, %get3A_43, %get3A_44, %get3A_45] : memref<1x3x4000x128xf32, #tpu.memory_space<vmem>>, vector<1x1x4000x1xf32>
    %get3A_47 = vector.shape_cast %get3A_46 : vector<1x1x4000x1xf32> to vector<4000xf32>
    %max3A_48 = arith.constant 1.000000e+00 : f32
    %max3A_49 = vector.broadcast %max3A_48 : f32 to vector<4000xf32>
    %max3A_50 = arith.maximumf %get3A_47, %max3A_49 : vector<4000xf32>
    %rsqrt3A_51 = math.rsqrt %max3A_50 : vector<4000xf32>
    %get3A_52 = arith.constant 0 : index
    %get3A_53 = arith.constant 2 : index
    %get3A_54 = arith.constant 0 : index
    %get3A_55 = arith.constant 0 : index
    %get3A_56 = vector.load %arg1[%get3A_52, %get3A_53, %get3A_54, %get3A_55] : memref<1x3x4000x128xf32, #tpu.memory_space<vmem>>, vector<1x1x4000x128xf32>
    %get3A_57 = vector.shape_cast %get3A_56 : vector<1x1x4000x128xf32> to vector<4000x128xf32>
    %broadcast_in_dim3A_58 = vector.shape_cast %rsqrt3A_51 : vector<4000xf32> to vector<4000x1xf32>
    %mul3A_59 = vector.broadcast %broadcast_in_dim3A_58 : vector<4000x1xf32> to vector<4000x128xf32>
    %mul3A_60 = arith.mulf %get3A_57, %mul3A_59 : vector<4000x128xf32>
    %add3A_61 = arith.addf %add3A_41, %mul3A_60 : vector<4000x128xf32>
    %get3A_62 = arith.constant 0 : index
    %get3A_63 = arith.constant 0 : index
    %get3A_64 = arith.constant 0 : index
    %get3A_65 = vector.load %arg3[%get3A_62, %get3A_63, %get3A_64] : memref<1x3x128xf32, #tpu.memory_space<vmem>>, vector<1x1x128xf32>
    %get3A_66 = vector.shape_cast %get3A_65 : vector<1x1x128xf32> to vector<128xf32>
    %get3A_67 = arith.constant 0 : index
    %get3A_68 = arith.constant 1 : index
    %get3A_69 = arith.constant 0 : index
    %get3A_70 = vector.load %arg3[%get3A_67, %get3A_68, %get3A_69] : memref<1x3x128xf32, #tpu.memory_space<vmem>>, vector<1x1x128xf32>
    %get3A_71 = vector.shape_cast %get3A_70 : vector<1x1x128xf32> to vector<128xf32>
    %add3A_72 = arith.addf %get3A_66, %get3A_71 : vector<128xf32>
    %get3A_73 = arith.constant 0 : index
    %get3A_74 = arith.constant 2 : index
    %get3A_75 = arith.constant 0 : index
    %get3A_76 = vector.load %arg3[%get3A_73, %get3A_74, %get3A_75] : memref<1x3x128xf32, #tpu.memory_space<vmem>>, vector<1x1x128xf32>
    %get3A_77 = vector.shape_cast %get3A_76 : vector<1x1x128xf32> to vector<128xf32>
    %add3A_78 = arith.addf %add3A_72, %get3A_77 : vector<128xf32>
    %mul3A_79 = vector.broadcast %select_n3A_5 : f32 to vector<128xf32>
    %mul3A_80 = arith.mulf %add3A_78, %mul3A_79 : vector<128xf32>
    %mul3A_81 = vector.broadcast %select_n3A_5 : f32 to vector<4000x128xf32>
    %mul3A_82 = arith.mulf %add3A_61, %mul3A_81 : vector<4000x128xf32>
    %broadcast_in_dim3A_83 = vector.shape_cast %mul3A_80 : vector<128xf32> to vector<1x128xf32>
    %add3A_84 = vector.broadcast %broadcast_in_dim3A_83 : vector<1x128xf32> to vector<4000x128xf32>
    %add3A_85 = arith.addf %mul3A_82, %add3A_84 : vector<4000x128xf32>
    %max3A_86 = arith.constant 0.000000e+00 : f32
    %max3A_87 = vector.broadcast %max3A_86 : f32 to vector<4000x128xf32>
    %max3A_88 = arith.maximumf %add3A_85, %max3A_87 : vector<4000x128xf32>
    %swap3A = arith.constant 0 : index
    %swap3A_89 = arith.constant 0 : index
    %swap3A_90 = arith.constant 0 : index
    %swap3A_91 = vector.load %arg4[%swap3A, %swap3A_89, %swap3A_90] : memref<1x4000x128xf32, #tpu.memory_space<vmem>>, vector<1x4000x128xf32>
    %swap3A_92 = vector.shape_cast %swap3A_91 : vector<1x4000x128xf32> to vector<4000x128xf32>
    %swap3A_93 = vector.shape_cast %max3A_88 : vector<4000x128xf32> to vector<1x4000x128xf32>
    tpu.vector_store %arg4[%swap3A, %swap3A_89, %swap3A_90], %swap3A_93 {strides = array<i32>} : memref<1x4000x128xf32, #tpu.memory_space<vmem>>, vector<1x4000x128xf32>,
    return
  }
  func.func @transform_0(%arg0: i32) -> (i32, i32, i32, i32) {
    %c0_i32 = arith.constant 0 : i32
    %c0_i32_0 = arith.constant 0 : i32
    %c0_i32_1 = arith.constant 0 : i32
    %c0_i32_2 = arith.constant 0 : i32
    return %arg0, %c0_i32, %c0_i32_0, %c0_i32_1 : i32, i32, i32, i32
  }
  func.func @transform_1(%arg0: i32) -> (i32, i32, i32, i32) {
    %c0_i32 = arith.constant 0 : i32
    %c0_i32_0 = arith.constant 0 : i32
    %c0_i32_1 = arith.constant 0 : i32
    %c0_i32_2 = arith.constant 0 : i32
    return %arg0, %c0_i32, %c0_i32_0, %c0_i32_1 : i32, i32, i32, i32
  }
  func.func @transform_2(%arg0: i32) -> (i32, i32, i32) {
    %c0_i32 = arith.constant 0 : i32
    %c0_i32_0 = arith.constant 0 : i32
    %c0_i32_1 = arith.constant 0 : i32
    return %arg0, %c0_i32, %c0_i32_0 : i32, i32, i32
  }
  func.func @transform_3(%arg0: i32) -> (i32, i32, i32) {
    %c0_i32 = arith.constant 0 : i32
    %c0_i32_0 = arith.constant 0 : i32
    %c0_i32_1 = arith.constant 0 : i32
    return %arg0, %c0_i32, %c0_i32_0 : i32, i32, i32
  }
}

module attributes {stable_mosaic.version = 14 : i64} {
  func.func @_lstm_kernel(%arg0: i32, %arg1: memref<600x128xf32, #tpu.memory_space<vmem>>, %arg2: memref<256x1024xf32, #tpu.memory_space<vmem>>, %arg3: memref<256x1024xf32, #tpu.memory_space<vmem>>, %arg4: memref<1x1024xf32, #tpu.memory_space<vmem>>, %arg5: memref<600x128xf32, #tpu.memory_space<vmem>>, %arg6: memref<600x1024xf32, #tpu.memory_space<vmem>>, %arg7: memref<600x128xf32, #tpu.memory_space<vmem>>, %arg8: memref<2x256xf32, #tpu.memory_space<vmem>>) attributes {dimension_semantics = [#tpu.dimension_semantics<arbitrary>], iteration_bounds = array<i64: 21>, scalar_prefetch = 0 : i64, scratch_operands = 3 : i64, tpu.core_type = #tpu.core_type<tc>, window_params = [{transform_indices = @transform_0, window_bounds = array<i64: 600, 128>}, {pipeline_mode = #tpu.pipeline_mode<synchronous>, transform_indices = @transform_1, window_bounds = array<i64: 256, 1024>}, {pipeline_mode = #tpu.pipeline_mode<synchronous>, transform_indices = @transform_2, window_bounds = array<i64: 256, 1024>}, {pipeline_mode = #tpu.pipeline_mode<synchronous>, transform_indices = @transform_3, window_bounds = array<i64: 1, 1024>}, {transform_indices = @transform_4, window_bounds = array<i64: 600, 128>}]} {
    %eq3A = arith.constant 0 : i32
    %eq3A_0 = arith.cmpi eq, %arg0, %eq3A : i32
    %convert_element_type3A = arith.extui %eq3A_0 : i1 to i32
    %cond3A = arith.constant 0 : i32
    %cond3A_1 = arith.cmpi ne, %convert_element_type3A, %cond3A : i32
    scf.if %cond3A_1 {
      %broadcast_in_dim3A = arith.constant 0.000000e+00 : f32
      %broadcast_in_dim3A_43 = vector.broadcast %broadcast_in_dim3A : f32 to vector<2x256xf32>
      %swap3A_44 = arith.constant 0 : index
      %swap3A_45 = arith.constant 0 : index
      %swap3A_46 = vector.load %arg8[%swap3A_44, %swap3A_45] : memref<2x256xf32, #tpu.memory_space<vmem>>, vector<2x256xf32>
      tpu.vector_store %arg8[%swap3A_44, %swap3A_45], %broadcast_in_dim3A_43 {strides = array<i32>} : memref<2x256xf32, #tpu.memory_space<vmem>>, vector<2x256xf32>,
      %broadcast_in_dim3A_47 = arith.constant 0.000000e+00 : f32
      %broadcast_in_dim3A_48 = vector.broadcast %broadcast_in_dim3A_47 : f32 to vector<600x128xf32>
      %swap3A_49 = arith.constant 0 : index
      %swap3A_50 = arith.constant 0 : index
      %swap3A_51 = vector.load %arg7[%swap3A_49, %swap3A_50] : memref<600x128xf32, #tpu.memory_space<vmem>>, vector<600x128xf32>
      tpu.vector_store %arg7[%swap3A_49, %swap3A_50], %broadcast_in_dim3A_48 {strides = array<i32>} : memref<600x128xf32, #tpu.memory_space<vmem>>, vector<600x128xf32>,
    } else {
    }
    %eq3A_2 = arith.constant 1 : i32
    %eq3A_3 = arith.cmpi eq, %arg0, %eq3A_2 : i32
    %convert_element_type3A_4 = arith.extui %eq3A_3 : i1 to i32
    %cond3A_5 = arith.constant 0 : i32
    %cond3A_6 = arith.cmpi ne, %convert_element_type3A_4, %cond3A_5 : i32
    scf.if %cond3A_6 {
      %broadcast_in_dim3A = arith.constant 0.000000e+00 : f32
      %broadcast_in_dim3A_43 = vector.broadcast %broadcast_in_dim3A : f32 to vector<2x128xf32>
      %swap3A_44 = arith.constant 0 : index
      %swap3A_45 = arith.constant 128 : index
      %swap3A_46 = vector.load %arg8[%swap3A_44, %swap3A_45] : memref<2x256xf32, #tpu.memory_space<vmem>>, vector<2x128xf32>
      tpu.vector_store %arg8[%swap3A_44, %swap3A_45], %broadcast_in_dim3A_43 {strides = array<i32>} : memref<2x256xf32, #tpu.memory_space<vmem>>, vector<2x128xf32>,
    } else {
    }
    %get3A = arith.constant 0 : index
    %get3A_7 = arith.constant 0 : index
    %get3A_8 = vector.load %arg1[%get3A, %get3A_7] : memref<600x128xf32, #tpu.memory_space<vmem>>, vector<600x128xf32>
    %get3A_9 = arith.constant 0 : index
    %get3A_10 = arith.constant 0 : index
    %get3A_11 = vector.load %arg7[%get3A_9, %get3A_10] : memref<600x128xf32, #tpu.memory_space<vmem>>, vector<600x128xf32>
    %concatenate3A = tpu.concatenate %get3A_8, %get3A_11 in 1 : vector<600x128xf32>, vector<600x128xf32> -> vector<600x256xf32>
    %get3A_12 = arith.constant 0 : index
    %get3A_13 = arith.constant 0 : index
    %get3A_14 = vector.load %arg2[%get3A_12, %get3A_13] : memref<256x1024xf32, #tpu.memory_space<vmem>>, vector<256x1024xf32>
    %dot_general3A = arith.constant dense<0.000000e+00> : vector<600x1024xf32>
    %dot_general3A_15 = tpu.matmul %concatenate3A, %get3A_14, %dot_general3A {dimension_numbers = #tpu.dot_dimension_numbers<[1], [0], [0], [1], [0, 0, 1, 1], [], []>, transpose_lhs_hint = false} : vector<600x256xf32>, vector<256x1024xf32>, vector<600x1024xf32> -> vector<600x1024xf32>
    %get3A_16 = arith.constant 0 : index
    %get3A_17 = arith.constant 0 : index
    %get3A_18 = vector.load %arg4[%get3A_16, %get3A_17] : memref<1x1024xf32, #tpu.memory_space<vmem>>, vector<1x1024xf32>
    %add3A = vector.broadcast %get3A_18 : vector<1x1024xf32> to vector<600x1024xf32>
    %add3A_19 = arith.addf %dot_general3A_15, %add3A : vector<600x1024xf32>
    %swap3A = arith.constant 0 : index
    %swap3A_20 = arith.constant 0 : index
    %swap3A_21 = vector.load %arg6[%swap3A, %swap3A_20] : memref<600x1024xf32, #tpu.memory_space<vmem>>, vector<600x1024xf32>
    tpu.vector_store %arg6[%swap3A, %swap3A_20], %add3A_19 {strides = array<i32>} : memref<600x1024xf32, #tpu.memory_space<vmem>>, vector<600x1024xf32>,
    %get3A_22 = arith.constant 0 : index
    %get3A_23 = arith.constant 0 : index
    %get3A_24 = vector.load %arg3[%get3A_22, %get3A_23] : memref<256x1024xf32, #tpu.memory_space<vmem>>, vector<256x1024xf32>
    %convert_element_type3A_25 = arith.truncf %get3A_24 : vector<256x1024xf32> to vector<256x1024xbf16>
    %get3A_26 = arith.constant 0 : index
    %get3A_27 = arith.constant 0 : index
    %get3A_28 = vector.load %arg8[%get3A_26, %get3A_27] : memref<2x256xf32, #tpu.memory_space<vmem>>, vector<1x256xf32>
    %get3A_29 = arith.constant 1 : index
    %get3A_30 = arith.constant 0 : index
    %get3A_31 = vector.load %arg8[%get3A_29, %get3A_30] : memref<2x256xf32, #tpu.memory_space<vmem>>, vector<1x256xf32>
    %scan3A = arith.constant 0 : i32
    %scan3A_32 = arith.constant 75 : i32
    %scan3A_33 = arith.addi %scan3A, %scan3A_32 : i32
    %scan3A_34 = arith.constant 1 : i32
    %scan3A_35:2 = scf.for %scan3A_43 = %scan3A to %scan3A_33 step %scan3A_34 iter_args(%scan3A_44 = %get3A_28, %scan3A_45 = %get3A_31) -> (vector<1x256xf32>, vector<1x256xf32>)  : i32 {
      %mul3A = arith.constant 8 : i32
      %mul3A_46 = arith.muli %scan3A_43, %mul3A : i32
      %multiple_of3A = tpu.assume_multiple %mul3A_46, 8 : i32
      %get3A_47 = arith.index_cast %multiple_of3A : i32 to index
      %get3A_48 = arith.constant 0 : index
      %get3A_49 = vector.load %arg6[%get3A_47, %get3A_48] : memref<600x1024xf32, #tpu.memory_space<vmem>>, vector<8x1024xf32>
      %slice3A = vector.extract_strided_slice %get3A_49 {offsets = [0, 0], sizes = [1, 1024], strides = [1, 1]} : vector<8x1024xf32> to vector<1x1024xf32>
      %convert_element_type3A_50 = arith.truncf %scan3A_44 : vector<1x256xf32> to vector<1x256xbf16>
      %dot_general3A_51 = arith.constant dense<0.000000e+00> : vector<1x1024xf32>
      %dot_general3A_52 = tpu.matmul %convert_element_type3A_50, %convert_element_type3A_25, %dot_general3A_51 {dimension_numbers = #tpu.dot_dimension_numbers<[1], [0], [0], [1], [0, 0, 1, 1], [], []>, transpose_lhs_hint = false} : vector<1x256xbf16>, vector<256x1024xbf16>, vector<1x1024xf32> -> vector<1x1024xf32>
      %add3A_53 = arith.addf %slice3A, %dot_general3A_52 : vector<1x1024xf32>
      %slice3A_54 = vector.extract_strided_slice %add3A_53 {offsets = [0, 0], sizes = [1, 256], strides = [1, 1]} : vector<1x1024xf32> to vector<1x256xf32>
      %logistic3A = arith.negf %slice3A_54 : vector<1x256xf32>
      %logistic3A_55 = math.exp %logistic3A : vector<1x256xf32>
      %logistic3A_56 = arith.constant 1.000000e+00 : f32
      %logistic3A_57 = vector.broadcast %logistic3A_56 : f32 to vector<1x256xf32>
      %logistic3A_58 = arith.addf %logistic3A_57, %logistic3A_55 : vector<1x256xf32>
      %logistic3A_59 = arith.divf %logistic3A_57, %logistic3A_58 : vector<1x256xf32>
      %slice3A_60 = vector.extract_strided_slice %add3A_53 {offsets = [0, 256], sizes = [1, 256], strides = [1, 1]} : vector<1x1024xf32> to vector<1x256xf32>
      %logistic3A_61 = arith.negf %slice3A_60 : vector<1x256xf32>
      %logistic3A_62 = math.exp %logistic3A_61 : vector<1x256xf32>
      %logistic3A_63 = arith.constant 1.000000e+00 : f32
      %logistic3A_64 = vector.broadcast %logistic3A_63 : f32 to vector<1x256xf32>
      %logistic3A_65 = arith.addf %logistic3A_64, %logistic3A_62 : vector<1x256xf32>
      %logistic3A_66 = arith.divf %logistic3A_64, %logistic3A_65 : vector<1x256xf32>
      %slice3A_67 = vector.extract_strided_slice %add3A_53 {offsets = [0, 512], sizes = [1, 256], strides = [1, 1]} : vector<1x1024xf32> to vector<1x256xf32>
      %tanh3A = math.tanh %slice3A_67 : vector<1x256xf32>
      %slice3A_68 = vector.extract_strided_slice %add3A_53 {offsets = [0, 768], sizes = [1, 256], strides = [1, 1]} : vector<1x1024xf32> to vector<1x256xf32>
      %logistic3A_69 = arith.negf %slice3A_68 : vector<1x256xf32>
      %logistic3A_70 = math.exp %logistic3A_69 : vector<1x256xf32>
      %logistic3A_71 = arith.constant 1.000000e+00 : f32
      %logistic3A_72 = vector.broadcast %logistic3A_71 : f32 to vector<1x256xf32>
      %logistic3A_73 = arith.addf %logistic3A_72, %logistic3A_70 : vector<1x256xf32>
      %logistic3A_74 = arith.divf %logistic3A_72, %logistic3A_73 : vector<1x256xf32>
      %mul3A_75 = arith.mulf %logistic3A_66, %scan3A_45 : vector<1x256xf32>
      %mul3A_76 = arith.mulf %logistic3A_59, %tanh3A : vector<1x256xf32>
      %add3A_77 = arith.addf %mul3A_75, %mul3A_76 : vector<1x256xf32>
      %tanh3A_78 = math.tanh %add3A_77 : vector<1x256xf32>
      %mul3A_79 = arith.mulf %logistic3A_74, %tanh3A_78 : vector<1x256xf32>
      %slice3A_80 = vector.extract_strided_slice %mul3A_79 {offsets = [0, 0], sizes = [1, 128], strides = [1, 1]} : vector<1x256xf32> to vector<1x128xf32>
      %slice3A_81 = vector.extract_strided_slice %mul3A_79 {offsets = [0, 128], sizes = [1, 128], strides = [1, 1]} : vector<1x256xf32> to vector<1x128xf32>
      %slice3A_82 = vector.extract_strided_slice %get3A_49 {offsets = [1, 0], sizes = [1, 1024], strides = [1, 1]} : vector<8x1024xf32> to vector<1x1024xf32>
      %convert_element_type3A_83 = arith.truncf %mul3A_79 : vector<1x256xf32> to vector<1x256xbf16>
      %dot_general3A_84 = arith.constant dense<0.000000e+00> : vector<1x1024xf32>
      %dot_general3A_85 = tpu.matmul %convert_element_type3A_83, %convert_element_type3A_25, %dot_general3A_84 {dimension_numbers = #tpu.dot_dimension_numbers<[1], [0], [0], [1], [0, 0, 1, 1], [], []>, transpose_lhs_hint = false} : vector<1x256xbf16>, vector<256x1024xbf16>, vector<1x1024xf32> -> vector<1x1024xf32>
      %add3A_86 = arith.addf %slice3A_82, %dot_general3A_85 : vector<1x1024xf32>
      %slice3A_87 = vector.extract_strided_slice %add3A_86 {offsets = [0, 0], sizes = [1, 256], strides = [1, 1]} : vector<1x1024xf32> to vector<1x256xf32>
      %logistic3A_88 = arith.negf %slice3A_87 : vector<1x256xf32>
      %logistic3A_89 = math.exp %logistic3A_88 : vector<1x256xf32>
      %logistic3A_90 = arith.constant 1.000000e+00 : f32
      %logistic3A_91 = vector.broadcast %logistic3A_90 : f32 to vector<1x256xf32>
      %logistic3A_92 = arith.addf %logistic3A_91, %logistic3A_89 : vector<1x256xf32>
      %logistic3A_93 = arith.divf %logistic3A_91, %logistic3A_92 : vector<1x256xf32>
      %slice3A_94 = vector.extract_strided_slice %add3A_86 {offsets = [0, 256], sizes = [1, 256], strides = [1, 1]} : vector<1x1024xf32> to vector<1x256xf32>
      %logistic3A_95 = arith.negf %slice3A_94 : vector<1x256xf32>
      %logistic3A_96 = math.exp %logistic3A_95 : vector<1x256xf32>
      %logistic3A_97 = arith.constant 1.000000e+00 : f32
      %logistic3A_98 = vector.broadcast %logistic3A_97 : f32 to vector<1x256xf32>
      %logistic3A_99 = arith.addf %logistic3A_98, %logistic3A_96 : vector<1x256xf32>
      %logistic3A_100 = arith.divf %logistic3A_98, %logistic3A_99 : vector<1x256xf32>
      %slice3A_101 = vector.extract_strided_slice %add3A_86 {offsets = [0, 512], sizes = [1, 256], strides = [1, 1]} : vector<1x1024xf32> to vector<1x256xf32>
      %tanh3A_102 = math.tanh %slice3A_101 : vector<1x256xf32>
      %slice3A_103 = vector.extract_strided_slice %add3A_86 {offsets = [0, 768], sizes = [1, 256], strides = [1, 1]} : vector<1x1024xf32> to vector<1x256xf32>
      %logistic3A_104 = arith.negf %slice3A_103 : vector<1x256xf32>
      %logistic3A_105 = math.exp %logistic3A_104 : vector<1x256xf32>
      %logistic3A_106 = arith.constant 1.000000e+00 : f32
      %logistic3A_107 = vector.broadcast %logistic3A_106 : f32 to vector<1x256xf32>
      %logistic3A_108 = arith.addf %logistic3A_107, %logistic3A_105 : vector<1x256xf32>
      %logistic3A_109 = arith.divf %logistic3A_107, %logistic3A_108 : vector<1x256xf32>
      %mul3A_110 = arith.mulf %logistic3A_100, %add3A_77 : vector<1x256xf32>
      %mul3A_111 = arith.mulf %logistic3A_93, %tanh3A_102 : vector<1x256xf32>
      %add3A_112 = arith.addf %mul3A_110, %mul3A_111 : vector<1x256xf32>
      %tanh3A_113 = math.tanh %add3A_112 : vector<1x256xf32>
      %mul3A_114 = arith.mulf %logistic3A_109, %tanh3A_113 : vector<1x256xf32>
      %slice3A_115 = vector.extract_strided_slice %mul3A_114 {offsets = [0, 0], sizes = [1, 128], strides = [1, 1]} : vector<1x256xf32> to vector<1x128xf32>
      %slice3A_116 = vector.extract_strided_slice %mul3A_114 {offsets = [0, 128], sizes = [1, 128], strides = [1, 1]} : vector<1x256xf32> to vector<1x128xf32>
      %slice3A_117 = vector.extract_strided_slice %get3A_49 {offsets = [2, 0], sizes = [1, 1024], strides = [1, 1]} : vector<8x1024xf32> to vector<1x1024xf32>
      %convert_element_type3A_118 = arith.truncf %mul3A_114 : vector<1x256xf32> to vector<1x256xbf16>
      %dot_general3A_119 = arith.constant dense<0.000000e+00> : vector<1x1024xf32>
      %dot_general3A_120 = tpu.matmul %convert_element_type3A_118, %convert_element_type3A_25, %dot_general3A_119 {dimension_numbers = #tpu.dot_dimension_numbers<[1], [0], [0], [1], [0, 0, 1, 1], [], []>, transpose_lhs_hint = false} : vector<1x256xbf16>, vector<256x1024xbf16>, vector<1x1024xf32> -> vector<1x1024xf32>
      %add3A_121 = arith.addf %slice3A_117, %dot_general3A_120 : vector<1x1024xf32>
      %slice3A_122 = vector.extract_strided_slice %add3A_121 {offsets = [0, 0], sizes = [1, 256], strides = [1, 1]} : vector<1x1024xf32> to vector<1x256xf32>
      %logistic3A_123 = arith.negf %slice3A_122 : vector<1x256xf32>
      %logistic3A_124 = math.exp %logistic3A_123 : vector<1x256xf32>
      %logistic3A_125 = arith.constant 1.000000e+00 : f32
      %logistic3A_126 = vector.broadcast %logistic3A_125 : f32 to vector<1x256xf32>
      %logistic3A_127 = arith.addf %logistic3A_126, %logistic3A_124 : vector<1x256xf32>
      %logistic3A_128 = arith.divf %logistic3A_126, %logistic3A_127 : vector<1x256xf32>
      %slice3A_129 = vector.extract_strided_slice %add3A_121 {offsets = [0, 256], sizes = [1, 256], strides = [1, 1]} : vector<1x1024xf32> to vector<1x256xf32>
      %logistic3A_130 = arith.negf %slice3A_129 : vector<1x256xf32>
      %logistic3A_131 = math.exp %logistic3A_130 : vector<1x256xf32>
      %logistic3A_132 = arith.constant 1.000000e+00 : f32
      %logistic3A_133 = vector.broadcast %logistic3A_132 : f32 to vector<1x256xf32>
      %logistic3A_134 = arith.addf %logistic3A_133, %logistic3A_131 : vector<1x256xf32>
      %logistic3A_135 = arith.divf %logistic3A_133, %logistic3A_134 : vector<1x256xf32>
      %slice3A_136 = vector.extract_strided_slice %add3A_121 {offsets = [0, 512], sizes = [1, 256], strides = [1, 1]} : vector<1x1024xf32> to vector<1x256xf32>
      %tanh3A_137 = math.tanh %slice3A_136 : vector<1x256xf32>
      %slice3A_138 = vector.extract_strided_slice %add3A_121 {offsets = [0, 768], sizes = [1, 256], strides = [1, 1]} : vector<1x1024xf32> to vector<1x256xf32>
      %logistic3A_139 = arith.negf %slice3A_138 : vector<1x256xf32>
      %logistic3A_140 = math.exp %logistic3A_139 : vector<1x256xf32>
      %logistic3A_141 = arith.constant 1.000000e+00 : f32
      %logistic3A_142 = vector.broadcast %logistic3A_141 : f32 to vector<1x256xf32>
      %logistic3A_143 = arith.addf %logistic3A_142, %logistic3A_140 : vector<1x256xf32>
      %logistic3A_144 = arith.divf %logistic3A_142, %logistic3A_143 : vector<1x256xf32>
      %mul3A_145 = arith.mulf %logistic3A_135, %add3A_112 : vector<1x256xf32>
      %mul3A_146 = arith.mulf %logistic3A_128, %tanh3A_137 : vector<1x256xf32>
      %add3A_147 = arith.addf %mul3A_145, %mul3A_146 : vector<1x256xf32>
      %tanh3A_148 = math.tanh %add3A_147 : vector<1x256xf32>
      %mul3A_149 = arith.mulf %logistic3A_144, %tanh3A_148 : vector<1x256xf32>
      %slice3A_150 = vector.extract_strided_slice %mul3A_149 {offsets = [0, 0], sizes = [1, 128], strides = [1, 1]} : vector<1x256xf32> to vector<1x128xf32>
      %slice3A_151 = vector.extract_strided_slice %mul3A_149 {offsets = [0, 128], sizes = [1, 128], strides = [1, 1]} : vector<1x256xf32> to vector<1x128xf32>
      %slice3A_152 = vector.extract_strided_slice %get3A_49 {offsets = [3, 0], sizes = [1, 1024], strides = [1, 1]} : vector<8x1024xf32> to vector<1x1024xf32>
      %convert_element_type3A_153 = arith.truncf %mul3A_149 : vector<1x256xf32> to vector<1x256xbf16>
      %dot_general3A_154 = arith.constant dense<0.000000e+00> : vector<1x1024xf32>
      %dot_general3A_155 = tpu.matmul %convert_element_type3A_153, %convert_element_type3A_25, %dot_general3A_154 {dimension_numbers = #tpu.dot_dimension_numbers<[1], [0], [0], [1], [0, 0, 1, 1], [], []>, transpose_lhs_hint = false} : vector<1x256xbf16>, vector<256x1024xbf16>, vector<1x1024xf32> -> vector<1x1024xf32>
      %add3A_156 = arith.addf %slice3A_152, %dot_general3A_155 : vector<1x1024xf32>
      %slice3A_157 = vector.extract_strided_slice %add3A_156 {offsets = [0, 0], sizes = [1, 256], strides = [1, 1]} : vector<1x1024xf32> to vector<1x256xf32>
      %logistic3A_158 = arith.negf %slice3A_157 : vector<1x256xf32>
      %logistic3A_159 = math.exp %logistic3A_158 : vector<1x256xf32>
      %logistic3A_160 = arith.constant 1.000000e+00 : f32
      %logistic3A_161 = vector.broadcast %logistic3A_160 : f32 to vector<1x256xf32>
      %logistic3A_162 = arith.addf %logistic3A_161, %logistic3A_159 : vector<1x256xf32>
      %logistic3A_163 = arith.divf %logistic3A_161, %logistic3A_162 : vector<1x256xf32>
      %slice3A_164 = vector.extract_strided_slice %add3A_156 {offsets = [0, 256], sizes = [1, 256], strides = [1, 1]} : vector<1x1024xf32> to vector<1x256xf32>
      %logistic3A_165 = arith.negf %slice3A_164 : vector<1x256xf32>
      %logistic3A_166 = math.exp %logistic3A_165 : vector<1x256xf32>
      %logistic3A_167 = arith.constant 1.000000e+00 : f32
      %logistic3A_168 = vector.broadcast %logistic3A_167 : f32 to vector<1x256xf32>
      %logistic3A_169 = arith.addf %logistic3A_168, %logistic3A_166 : vector<1x256xf32>
      %logistic3A_170 = arith.divf %logistic3A_168, %logistic3A_169 : vector<1x256xf32>
      %slice3A_171 = vector.extract_strided_slice %add3A_156 {offsets = [0, 512], sizes = [1, 256], strides = [1, 1]} : vector<1x1024xf32> to vector<1x256xf32>
      %tanh3A_172 = math.tanh %slice3A_171 : vector<1x256xf32>
      %slice3A_173 = vector.extract_strided_slice %add3A_156 {offsets = [0, 768], sizes = [1, 256], strides = [1, 1]} : vector<1x1024xf32> to vector<1x256xf32>
      %logistic3A_174 = arith.negf %slice3A_173 : vector<1x256xf32>
      %logistic3A_175 = math.exp %logistic3A_174 : vector<1x256xf32>
      %logistic3A_176 = arith.constant 1.000000e+00 : f32
      %logistic3A_177 = vector.broadcast %logistic3A_176 : f32 to vector<1x256xf32>
      %logistic3A_178 = arith.addf %logistic3A_177, %logistic3A_175 : vector<1x256xf32>
      %logistic3A_179 = arith.divf %logistic3A_177, %logistic3A_178 : vector<1x256xf32>
      %mul3A_180 = arith.mulf %logistic3A_170, %add3A_147 : vector<1x256xf32>
      %mul3A_181 = arith.mulf %logistic3A_163, %tanh3A_172 : vector<1x256xf32>
      %add3A_182 = arith.addf %mul3A_180, %mul3A_181 : vector<1x256xf32>
      %tanh3A_183 = math.tanh %add3A_182 : vector<1x256xf32>
      %mul3A_184 = arith.mulf %logistic3A_179, %tanh3A_183 : vector<1x256xf32>
      %slice3A_185 = vector.extract_strided_slice %mul3A_184 {offsets = [0, 0], sizes = [1, 128], strides = [1, 1]} : vector<1x256xf32> to vector<1x128xf32>
      %slice3A_186 = vector.extract_strided_slice %mul3A_184 {offsets = [0, 128], sizes = [1, 128], strides = [1, 1]} : vector<1x256xf32> to vector<1x128xf32>
      %slice3A_187 = vector.extract_strided_slice %get3A_49 {offsets = [4, 0], sizes = [1, 1024], strides = [1, 1]} : vector<8x1024xf32> to vector<1x1024xf32>
      %convert_element_type3A_188 = arith.truncf %mul3A_184 : vector<1x256xf32> to vector<1x256xbf16>
      %dot_general3A_189 = arith.constant dense<0.000000e+00> : vector<1x1024xf32>
      %dot_general3A_190 = tpu.matmul %convert_element_type3A_188, %convert_element_type3A_25, %dot_general3A_189 {dimension_numbers = #tpu.dot_dimension_numbers<[1], [0], [0], [1], [0, 0, 1, 1], [], []>, transpose_lhs_hint = false} : vector<1x256xbf16>, vector<256x1024xbf16>, vector<1x1024xf32> -> vector<1x1024xf32>
      %add3A_191 = arith.addf %slice3A_187, %dot_general3A_190 : vector<1x1024xf32>
      %slice3A_192 = vector.extract_strided_slice %add3A_191 {offsets = [0, 0], sizes = [1, 256], strides = [1, 1]} : vector<1x1024xf32> to vector<1x256xf32>
      %logistic3A_193 = arith.negf %slice3A_192 : vector<1x256xf32>
      %logistic3A_194 = math.exp %logistic3A_193 : vector<1x256xf32>
      %logistic3A_195 = arith.constant 1.000000e+00 : f32
      %logistic3A_196 = vector.broadcast %logistic3A_195 : f32 to vector<1x256xf32>
      %logistic3A_197 = arith.addf %logistic3A_196, %logistic3A_194 : vector<1x256xf32>
      %logistic3A_198 = arith.divf %logistic3A_196, %logistic3A_197 : vector<1x256xf32>
      %slice3A_199 = vector.extract_strided_slice %add3A_191 {offsets = [0, 256], sizes = [1, 256], strides = [1, 1]} : vector<1x1024xf32> to vector<1x256xf32>
      %logistic3A_200 = arith.negf %slice3A_199 : vector<1x256xf32>
      %logistic3A_201 = math.exp %logistic3A_200 : vector<1x256xf32>
      %logistic3A_202 = arith.constant 1.000000e+00 : f32
      %logistic3A_203 = vector.broadcast %logistic3A_202 : f32 to vector<1x256xf32>
      %logistic3A_204 = arith.addf %logistic3A_203, %logistic3A_201 : vector<1x256xf32>
      %logistic3A_205 = arith.divf %logistic3A_203, %logistic3A_204 : vector<1x256xf32>
      %slice3A_206 = vector.extract_strided_slice %add3A_191 {offsets = [0, 512], sizes = [1, 256], strides = [1, 1]} : vector<1x1024xf32> to vector<1x256xf32>
      %tanh3A_207 = math.tanh %slice3A_206 : vector<1x256xf32>
      %slice3A_208 = vector.extract_strided_slice %add3A_191 {offsets = [0, 768], sizes = [1, 256], strides = [1, 1]} : vector<1x1024xf32> to vector<1x256xf32>
      %logistic3A_209 = arith.negf %slice3A_208 : vector<1x256xf32>
      %logistic3A_210 = math.exp %logistic3A_209 : vector<1x256xf32>
      %logistic3A_211 = arith.constant 1.000000e+00 : f32
      %logistic3A_212 = vector.broadcast %logistic3A_211 : f32 to vector<1x256xf32>
      %logistic3A_213 = arith.addf %logistic3A_212, %logistic3A_210 : vector<1x256xf32>
      %logistic3A_214 = arith.divf %logistic3A_212, %logistic3A_213 : vector<1x256xf32>
      %mul3A_215 = arith.mulf %logistic3A_205, %add3A_182 : vector<1x256xf32>
      %mul3A_216 = arith.mulf %logistic3A_198, %tanh3A_207 : vector<1x256xf32>
      %add3A_217 = arith.addf %mul3A_215, %mul3A_216 : vector<1x256xf32>
      %tanh3A_218 = math.tanh %add3A_217 : vector<1x256xf32>
      %mul3A_219 = arith.mulf %logistic3A_214, %tanh3A_218 : vector<1x256xf32>
      %slice3A_220 = vector.extract_strided_slice %mul3A_219 {offsets = [0, 0], sizes = [1, 128], strides = [1, 1]} : vector<1x256xf32> to vector<1x128xf32>
      %slice3A_221 = vector.extract_strided_slice %mul3A_219 {offsets = [0, 128], sizes = [1, 128], strides = [1, 1]} : vector<1x256xf32> to vector<1x128xf32>
      %slice3A_222 = vector.extract_strided_slice %get3A_49 {offsets = [5, 0], sizes = [1, 1024], strides = [1, 1]} : vector<8x1024xf32> to vector<1x1024xf32>
      %convert_element_type3A_223 = arith.truncf %mul3A_219 : vector<1x256xf32> to vector<1x256xbf16>
      %dot_general3A_224 = arith.constant dense<0.000000e+00> : vector<1x1024xf32>
      %dot_general3A_225 = tpu.matmul %convert_element_type3A_223, %convert_element_type3A_25, %dot_general3A_224 {dimension_numbers = #tpu.dot_dimension_numbers<[1], [0], [0], [1], [0, 0, 1, 1], [], []>, transpose_lhs_hint = false} : vector<1x256xbf16>, vector<256x1024xbf16>, vector<1x1024xf32> -> vector<1x1024xf32>
      %add3A_226 = arith.addf %slice3A_222, %dot_general3A_225 : vector<1x1024xf32>
      %slice3A_227 = vector.extract_strided_slice %add3A_226 {offsets = [0, 0], sizes = [1, 256], strides = [1, 1]} : vector<1x1024xf32> to vector<1x256xf32>
      %logistic3A_228 = arith.negf %slice3A_227 : vector<1x256xf32>
      %logistic3A_229 = math.exp %logistic3A_228 : vector<1x256xf32>
      %logistic3A_230 = arith.constant 1.000000e+00 : f32
      %logistic3A_231 = vector.broadcast %logistic3A_230 : f32 to vector<1x256xf32>
      %logistic3A_232 = arith.addf %logistic3A_231, %logistic3A_229 : vector<1x256xf32>
      %logistic3A_233 = arith.divf %logistic3A_231, %logistic3A_232 : vector<1x256xf32>
      %slice3A_234 = vector.extract_strided_slice %add3A_226 {offsets = [0, 256], sizes = [1, 256], strides = [1, 1]} : vector<1x1024xf32> to vector<1x256xf32>
      %logistic3A_235 = arith.negf %slice3A_234 : vector<1x256xf32>
      %logistic3A_236 = math.exp %logistic3A_235 : vector<1x256xf32>
      %logistic3A_237 = arith.constant 1.000000e+00 : f32
      %logistic3A_238 = vector.broadcast %logistic3A_237 : f32 to vector<1x256xf32>
      %logistic3A_239 = arith.addf %logistic3A_238, %logistic3A_236 : vector<1x256xf32>
      %logistic3A_240 = arith.divf %logistic3A_238, %logistic3A_239 : vector<1x256xf32>
      %slice3A_241 = vector.extract_strided_slice %add3A_226 {offsets = [0, 512], sizes = [1, 256], strides = [1, 1]} : vector<1x1024xf32> to vector<1x256xf32>
      %tanh3A_242 = math.tanh %slice3A_241 : vector<1x256xf32>
      %slice3A_243 = vector.extract_strided_slice %add3A_226 {offsets = [0, 768], sizes = [1, 256], strides = [1, 1]} : vector<1x1024xf32> to vector<1x256xf32>
      %logistic3A_244 = arith.negf %slice3A_243 : vector<1x256xf32>
      %logistic3A_245 = math.exp %logistic3A_244 : vector<1x256xf32>
      %logistic3A_246 = arith.constant 1.000000e+00 : f32
      %logistic3A_247 = vector.broadcast %logistic3A_246 : f32 to vector<1x256xf32>
      %logistic3A_248 = arith.addf %logistic3A_247, %logistic3A_245 : vector<1x256xf32>
      %logistic3A_249 = arith.divf %logistic3A_247, %logistic3A_248 : vector<1x256xf32>
      %mul3A_250 = arith.mulf %logistic3A_240, %add3A_217 : vector<1x256xf32>
      %mul3A_251 = arith.mulf %logistic3A_233, %tanh3A_242 : vector<1x256xf32>
      %add3A_252 = arith.addf %mul3A_250, %mul3A_251 : vector<1x256xf32>
      %tanh3A_253 = math.tanh %add3A_252 : vector<1x256xf32>
      %mul3A_254 = arith.mulf %logistic3A_249, %tanh3A_253 : vector<1x256xf32>
      %slice3A_255 = vector.extract_strided_slice %mul3A_254 {offsets = [0, 0], sizes = [1, 128], strides = [1, 1]} : vector<1x256xf32> to vector<1x128xf32>
      %slice3A_256 = vector.extract_strided_slice %mul3A_254 {offsets = [0, 128], sizes = [1, 128], strides = [1, 1]} : vector<1x256xf32> to vector<1x128xf32>
      %slice3A_257 = vector.extract_strided_slice %get3A_49 {offsets = [6, 0], sizes = [1, 1024], strides = [1, 1]} : vector<8x1024xf32> to vector<1x1024xf32>
      %convert_element_type3A_258 = arith.truncf %mul3A_254 : vector<1x256xf32> to vector<1x256xbf16>
      %dot_general3A_259 = arith.constant dense<0.000000e+00> : vector<1x1024xf32>
      %dot_general3A_260 = tpu.matmul %convert_element_type3A_258, %convert_element_type3A_25, %dot_general3A_259 {dimension_numbers = #tpu.dot_dimension_numbers<[1], [0], [0], [1], [0, 0, 1, 1], [], []>, transpose_lhs_hint = false} : vector<1x256xbf16>, vector<256x1024xbf16>, vector<1x1024xf32> -> vector<1x1024xf32>
      %add3A_261 = arith.addf %slice3A_257, %dot_general3A_260 : vector<1x1024xf32>
      %slice3A_262 = vector.extract_strided_slice %add3A_261 {offsets = [0, 0], sizes = [1, 256], strides = [1, 1]} : vector<1x1024xf32> to vector<1x256xf32>
      %logistic3A_263 = arith.negf %slice3A_262 : vector<1x256xf32>
      %logistic3A_264 = math.exp %logistic3A_263 : vector<1x256xf32>
      %logistic3A_265 = arith.constant 1.000000e+00 : f32
      %logistic3A_266 = vector.broadcast %logistic3A_265 : f32 to vector<1x256xf32>
      %logistic3A_267 = arith.addf %logistic3A_266, %logistic3A_264 : vector<1x256xf32>
      %logistic3A_268 = arith.divf %logistic3A_266, %logistic3A_267 : vector<1x256xf32>
      %slice3A_269 = vector.extract_strided_slice %add3A_261 {offsets = [0, 256], sizes = [1, 256], strides = [1, 1]} : vector<1x1024xf32> to vector<1x256xf32>
      %logistic3A_270 = arith.negf %slice3A_269 : vector<1x256xf32>
      %logistic3A_271 = math.exp %logistic3A_270 : vector<1x256xf32>
      %logistic3A_272 = arith.constant 1.000000e+00 : f32
      %logistic3A_273 = vector.broadcast %logistic3A_272 : f32 to vector<1x256xf32>
      %logistic3A_274 = arith.addf %logistic3A_273, %logistic3A_271 : vector<1x256xf32>
      %logistic3A_275 = arith.divf %logistic3A_273, %logistic3A_274 : vector<1x256xf32>
      %slice3A_276 = vector.extract_strided_slice %add3A_261 {offsets = [0, 512], sizes = [1, 256], strides = [1, 1]} : vector<1x1024xf32> to vector<1x256xf32>
      %tanh3A_277 = math.tanh %slice3A_276 : vector<1x256xf32>
      %slice3A_278 = vector.extract_strided_slice %add3A_261 {offsets = [0, 768], sizes = [1, 256], strides = [1, 1]} : vector<1x1024xf32> to vector<1x256xf32>
      %logistic3A_279 = arith.negf %slice3A_278 : vector<1x256xf32>
      %logistic3A_280 = math.exp %logistic3A_279 : vector<1x256xf32>
      %logistic3A_281 = arith.constant 1.000000e+00 : f32
      %logistic3A_282 = vector.broadcast %logistic3A_281 : f32 to vector<1x256xf32>
      %logistic3A_283 = arith.addf %logistic3A_282, %logistic3A_280 : vector<1x256xf32>
      %logistic3A_284 = arith.divf %logistic3A_282, %logistic3A_283 : vector<1x256xf32>
      %mul3A_285 = arith.mulf %logistic3A_275, %add3A_252 : vector<1x256xf32>
      %mul3A_286 = arith.mulf %logistic3A_268, %tanh3A_277 : vector<1x256xf32>
      %add3A_287 = arith.addf %mul3A_285, %mul3A_286 : vector<1x256xf32>
      %tanh3A_288 = math.tanh %add3A_287 : vector<1x256xf32>
      %mul3A_289 = arith.mulf %logistic3A_284, %tanh3A_288 : vector<1x256xf32>
      %slice3A_290 = vector.extract_strided_slice %mul3A_289 {offsets = [0, 0], sizes = [1, 128], strides = [1, 1]} : vector<1x256xf32> to vector<1x128xf32>
      %slice3A_291 = vector.extract_strided_slice %mul3A_289 {offsets = [0, 128], sizes = [1, 128], strides = [1, 1]} : vector<1x256xf32> to vector<1x128xf32>
      %slice3A_292 = vector.extract_strided_slice %get3A_49 {offsets = [7, 0], sizes = [1, 1024], strides = [1, 1]} : vector<8x1024xf32> to vector<1x1024xf32>
      %convert_element_type3A_293 = arith.truncf %mul3A_289 : vector<1x256xf32> to vector<1x256xbf16>
      %dot_general3A_294 = arith.constant dense<0.000000e+00> : vector<1x1024xf32>
      %dot_general3A_295 = tpu.matmul %convert_element_type3A_293, %convert_element_type3A_25, %dot_general3A_294 {dimension_numbers = #tpu.dot_dimension_numbers<[1], [0], [0], [1], [0, 0, 1, 1], [], []>, transpose_lhs_hint = false} : vector<1x256xbf16>, vector<256x1024xbf16>, vector<1x1024xf32> -> vector<1x1024xf32>
      %add3A_296 = arith.addf %slice3A_292, %dot_general3A_295 : vector<1x1024xf32>
      %slice3A_297 = vector.extract_strided_slice %add3A_296 {offsets = [0, 0], sizes = [1, 256], strides = [1, 1]} : vector<1x1024xf32> to vector<1x256xf32>
      %logistic3A_298 = arith.negf %slice3A_297 : vector<1x256xf32>
      %logistic3A_299 = math.exp %logistic3A_298 : vector<1x256xf32>
      %logistic3A_300 = arith.constant 1.000000e+00 : f32
      %logistic3A_301 = vector.broadcast %logistic3A_300 : f32 to vector<1x256xf32>
      %logistic3A_302 = arith.addf %logistic3A_301, %logistic3A_299 : vector<1x256xf32>
      %logistic3A_303 = arith.divf %logistic3A_301, %logistic3A_302 : vector<1x256xf32>
      %slice3A_304 = vector.extract_strided_slice %add3A_296 {offsets = [0, 256], sizes = [1, 256], strides = [1, 1]} : vector<1x1024xf32> to vector<1x256xf32>
      %logistic3A_305 = arith.negf %slice3A_304 : vector<1x256xf32>
      %logistic3A_306 = math.exp %logistic3A_305 : vector<1x256xf32>
      %logistic3A_307 = arith.constant 1.000000e+00 : f32
      %logistic3A_308 = vector.broadcast %logistic3A_307 : f32 to vector<1x256xf32>
      %logistic3A_309 = arith.addf %logistic3A_308, %logistic3A_306 : vector<1x256xf32>
      %logistic3A_310 = arith.divf %logistic3A_308, %logistic3A_309 : vector<1x256xf32>
      %slice3A_311 = vector.extract_strided_slice %add3A_296 {offsets = [0, 512], sizes = [1, 256], strides = [1, 1]} : vector<1x1024xf32> to vector<1x256xf32>
      %tanh3A_312 = math.tanh %slice3A_311 : vector<1x256xf32>
      %slice3A_313 = vector.extract_strided_slice %add3A_296 {offsets = [0, 768], sizes = [1, 256], strides = [1, 1]} : vector<1x1024xf32> to vector<1x256xf32>
      %logistic3A_314 = arith.negf %slice3A_313 : vector<1x256xf32>
      %logistic3A_315 = math.exp %logistic3A_314 : vector<1x256xf32>
      %logistic3A_316 = arith.constant 1.000000e+00 : f32
      %logistic3A_317 = vector.broadcast %logistic3A_316 : f32 to vector<1x256xf32>
      %logistic3A_318 = arith.addf %logistic3A_317, %logistic3A_315 : vector<1x256xf32>
      %logistic3A_319 = arith.divf %logistic3A_317, %logistic3A_318 : vector<1x256xf32>
      %mul3A_320 = arith.mulf %logistic3A_310, %add3A_287 : vector<1x256xf32>
      %mul3A_321 = arith.mulf %logistic3A_303, %tanh3A_312 : vector<1x256xf32>
      %add3A_322 = arith.addf %mul3A_320, %mul3A_321 : vector<1x256xf32>
      %tanh3A_323 = math.tanh %add3A_322 : vector<1x256xf32>
      %mul3A_324 = arith.mulf %logistic3A_319, %tanh3A_323 : vector<1x256xf32>
      %slice3A_325 = vector.extract_strided_slice %mul3A_324 {offsets = [0, 0], sizes = [1, 128], strides = [1, 1]} : vector<1x256xf32> to vector<1x128xf32>
      %slice3A_326 = vector.extract_strided_slice %mul3A_324 {offsets = [0, 128], sizes = [1, 128], strides = [1, 1]} : vector<1x256xf32> to vector<1x128xf32>
      %concatenate3A_327 = tpu.concatenate %slice3A_80, %slice3A_115, %slice3A_150, %slice3A_185, %slice3A_220, %slice3A_255, %slice3A_290, %slice3A_325 in 0 : vector<1x128xf32>, vector<1x128xf32>, vector<1x128xf32>, vector<1x128xf32>, vector<1x128xf32>, vector<1x128xf32>, vector<1x128xf32>, vector<1x128xf32> -> vector<8x128xf32>
      %swap3A_328 = arith.index_cast %multiple_of3A : i32 to index
      %swap3A_329 = arith.constant 0 : index
      %swap3A_330 = vector.load %arg7[%swap3A_328, %swap3A_329] : memref<600x128xf32, #tpu.memory_space<vmem>>, vector<8x128xf32>
      tpu.vector_store %arg7[%swap3A_328, %swap3A_329], %concatenate3A_327 {strides = array<i32>} : memref<600x128xf32, #tpu.memory_space<vmem>>, vector<8x128xf32>,
      %concatenate3A_331 = tpu.concatenate %slice3A_81, %slice3A_116, %slice3A_151, %slice3A_186, %slice3A_221, %slice3A_256, %slice3A_291, %slice3A_326 in 0 : vector<1x128xf32>, vector<1x128xf32>, vector<1x128xf32>, vector<1x128xf32>, vector<1x128xf32>, vector<1x128xf32>, vector<1x128xf32>, vector<1x128xf32> -> vector<8x128xf32>
      %max3A = arith.constant 0.000000e+00 : f32
      %max3A_332 = vector.broadcast %max3A : f32 to vector<8x128xf32>
      %max3A_333 = arith.maximumf %concatenate3A_331, %max3A_332 : vector<8x128xf32>
      %swap3A_334 = arith.index_cast %multiple_of3A : i32 to index
      %swap3A_335 = arith.constant 0 : index
      %swap3A_336 = vector.load %arg5[%swap3A_334, %swap3A_335] : memref<600x128xf32, #tpu.memory_space<vmem>>, vector<8x128xf32>
      tpu.vector_store %arg5[%swap3A_334, %swap3A_335], %max3A_333 {strides = array<i32>} : memref<600x128xf32, #tpu.memory_space<vmem>>, vector<8x128xf32>,
      scf.yield %mul3A_324, %add3A_322 : vector<1x256xf32>, vector<1x256xf32>
    }
    %scan3A_36 = arith.constant 75 : i32
    %swap3A_37 = arith.constant 0 : index
    %swap3A_38 = arith.constant 0 : index
    %swap3A_39 = vector.load %arg8[%swap3A_37, %swap3A_38] : memref<2x256xf32, #tpu.memory_space<vmem>>, vector<1x256xf32>
    tpu.vector_store %arg8[%swap3A_37, %swap3A_38], %scan3A_35#0 {strides = array<i32>} : memref<2x256xf32, #tpu.memory_space<vmem>>, vector<1x256xf32>,
    %swap3A_40 = arith.constant 1 : index
    %swap3A_41 = arith.constant 0 : index
    %swap3A_42 = vector.load %arg8[%swap3A_40, %swap3A_41] : memref<2x256xf32, #tpu.memory_space<vmem>>, vector<1x256xf32>
    tpu.vector_store %arg8[%swap3A_40, %swap3A_41], %scan3A_35#1 {strides = array<i32>} : memref<2x256xf32, #tpu.memory_space<vmem>>, vector<1x256xf32>,
    return
  }
  func.func @transform_0(%arg0: i32) -> (i32, i32) {
    %min3A = arith.constant 19 : i32
    %min3A_0 = arith.minsi %arg0, %min3A : i32
    %c0_i32 = arith.constant 0 : i32
    %c0_i32_1 = arith.constant 0 : i32
    return %min3A_0, %c0_i32 : i32, i32
  }
  func.func @transform_1(%arg0: i32) -> (i32, i32) {
    %c0_i32 = arith.constant 0 : i32
    %c0_i32_0 = arith.constant 0 : i32
    %c0_i32_1 = arith.constant 0 : i32
    return %c0_i32, %c0_i32_0 : i32, i32
  }
  func.func @transform_2(%arg0: i32) -> (i32, i32) {
    %c0_i32 = arith.constant 0 : i32
    %c0_i32_0 = arith.constant 0 : i32
    %c0_i32_1 = arith.constant 0 : i32
    return %c0_i32, %c0_i32_0 : i32, i32
  }
  func.func @transform_3(%arg0: i32) -> (i32, i32) {
    %c0_i32 = arith.constant 0 : i32
    %c0_i32_0 = arith.constant 0 : i32
    %c0_i32_1 = arith.constant 0 : i32
    return %c0_i32, %c0_i32_0 : i32, i32
  }
  func.func @transform_4(%arg0: i32) -> (i32, i32) {
    %sub3A = arith.constant 1 : i32
    %sub3A_0 = arith.subi %arg0, %sub3A : i32
    %max3A = arith.constant 0 : i32
    %max3A_1 = arith.maxsi %sub3A_0, %max3A : i32
    %c0_i32 = arith.constant 0 : i32
    %c0_i32_2 = arith.constant 0 : i32
    return %max3A_1, %c0_i32 : i32, i32
  }
}

</mosaic_0001>

<sc_bundles>
// kernel: kernel.10.cloned.1.call-start
scs
__scs_entry_jumppad:
0x0: {  	(pc) =	sbr.rel $0x88, $3  }
0x1: {  	(tag) =	ssettag $0x0;
	lr =	simm.s32 $0x1  }
0x2: {  	[smem:$0x3F92] =	sst lr;
	_ =	strace $0xD0000000  }
0x3: {  	_ = 	snop  }
0x4: {  	_ = 	snop  }
0x5: {  	_ = 	snop  }
0x6: {  	_ = 	snop  }
0x7: {  	_ = 	snop  }
__scs_overlays_trampoline_lowered:
0x8: {  	[smem:$0x3FA1] =	sst s0  }
0x9: {  	[smem:$0x3FA2] =	sst s1  }
0xa: {  	[smem:$0x3FA3] =	sst s2  }
0xb: {  	[smem:$0x3FA4] =	sst s3  }
0xc: {  	[smem:$0x3FA5] =	sst s4  }
0xd: {  	[smem:$0x3FA6] =	sst s5  }
0xe: {  	[smem:$0x3FA7] =	sst s6  }
0xf: {  	[smem:$0x3FA8] =	sst s7  }
0x10: {  	[smem:$0x3FA9] =	sst s8  }
0x11: {  	[smem:$0x3FAA] =	sst s9;
	s0 =	simm.s32 @!p0 $0x0  }
0x12: {  	s1 =	sld [smem:$0x3F90];
	s0 =	simm.s32 @p0 $0x1  }
0x13: {  	[smem:$0x3FAB] =	sst s0;
	s0 =	simm.s32 @!p1 $0x0  }
0x14: {  	s2 =	sld [smem:$0x3F8F];
	s0 =	simm.s32 @p1 $0x1  }
0x15: {  	[smem:$0x3FAC] =	sst s0;
	s0 =	simm.s32 @!p2 $0x0  }
0x16: {  	s3 =	sld [smem:$0x3FDB];
	s0 =	simm.s32 @p2 $0x1  }
0x17: {  	s4 =	simm.s32 $0x1BF5;
	[smem:$0x3FAE] =	sst s0  }
0x18: {  	s0 =	sld [smem:$0x3F91];
	_ =	swait.ge [sflag:s4], $0x0  }
0x19: {  	s7 =	sld [smem:$0x3F92]  }
0x1a: {  	s8 =	sadd.s32 $0xFFFFE003, lr  }
0x1b: {  	s9 =	sadd.s32 $0xFFFFFEF7, lr;
	s5 =	simm.s32 $0xFFFFFFFF;
	p2 =	slt.u32 s8, $0xFFFFF086  }
0x1c: {  	p1 =	slt.u32 s9, $0xF7A;
	s5 =	simm.s32 @!p2 $0x0  }
0x1d: {  	s5 =	simm.s32 @p1 $0x1;
	p0 =	seq.s32 s7, s2  }
0x1e: {  	s7 =	smul.u32 @!p0 $0xF7A, s2;
	p2 =	seq.s32 @!p0 s5, $0x0  }
0x1f: {  	s9 =	smul.u32 $0xF7A, s1;
	s8 =	simm.s32 @!p0 $0x1BF5;
	p2 =	por !p2, p0  }
0x20: {  	[sflag:s8] =	ssyncset.s32 @!p0 $0xFFFFF086;
	s6 =	sadd.s32 @!p0 s3, s7;
	s7 =	simm.s32 @!p0 $0x108  }
0x21: {  	s3 =	sadd.s32 s3, s9;
	s6 =	sadd.s32 @!p0 $0x88, s6;
	s7 =	simm.s32 @p2 $0x1082  }
0x22: {  	[simem:s7], [sflag:s8] =	dma.local @!p0 [hbm:s6], $0xF7A  }
0x23: {  	s9 =	sor.u32 $0xD0000000, s2;
	s6 =	simm.s32 $0x108;
	_ =	swait.ge @!p0 [sflag:s8], $0x0  }
0x24: {  	s3 =	sadd.s32 $0x88, s3;
	s6 =	simm.s32 @!p1 $0x1082;
	[sflag:s4] =	ssyncset.s32 $0xFFFFF086  }
0x25: {  	[simem:s6], [sflag:s4] =	dma.local [hbm:s3], $0xF7A  }
0x26: {  	[smem:$0x3F92] =	sst s1;
	(tag) =	ssettag s2;
	_ =	strace s9  }
0x27: {  	s1 =	sld [smem:$0x3FA2]  }
0x28: {  	s2 =	sld [smem:$0x3FA3]  }
0x29: {  	s4 =	sld [smem:$0x3FA5]  }
0x2a: {  	p0 =	seq.s32 s5, $0x0;
	s5 =	sld [smem:$0x3FA6]  }
0x2b: {  	s6 =	sld [smem:$0x3FA7]  }
0x2c: {  	s7 =	sld [smem:$0x3FA8]  }
0x2d: {  	s3 =	simm.s32 $0x108;
	s8 =	sld [smem:$0x3FA9]  }
0x2e: {  	s3 =	simm.s32 @!p0 $0x1082;
	s9 =	sld [smem:$0x3FAA]  }
0x2f: {  	lr =	sadd.s32 s0, s3;
	s0 =	sld [smem:$0x3FA1]  }
0x30: {  	s3 =	sld [smem:$0x3FA4]  }
0x31: {  	[smem:$0x3FAD] =	sst s10  }
0x32: {  	s10 =	sld [smem:$0x3FAB];
	_ =	sdelay $0x3  }
0x33: {  	p0 =	seq.s32 s10, $0x1;
	s10 =	sld [smem:$0x3FAD];
	_ =	sdelay $0x3  }
0x34: {  	[smem:$0x3FAD] =	sst s10  }
0x35: {  	s10 =	sld [smem:$0x3FAC];
	_ =	sdelay $0x3  }
0x36: {  	p1 =	seq.s32 s10, $0x1;
	s10 =	sld [smem:$0x3FAD];
	_ =	sdelay $0x3  }
0x37: {  	[smem:$0x3FAD] =	sst s10  }
0x38: {  	s10 =	sld [smem:$0x3FAE]  }
0x39: {  	_ = 	snop;
	(pc) =	sbr.ind lr, $3  }
0x3a: {  	_ = 	snop  }
0x3b: {  	_ = 	snop  }
0x3c: {  	p2 =	seq.s32 s10, $0x1;
	s10 =	sld [smem:$0x3FAD]  }
0x3d: {  	_ =	shalt  }
0x3e: {  	_ =	shalt  }
0x3f: {  	_ =	shalt  }
0x40: {  	_ =	shalt  }
0x41: {  	_ =	shalt  }
0x42: {  	_ =	shalt  }
0x43: {  	_ =	shalt  }
0x44: {  	_ =	shalt  }
0x45: {  	_ =	shalt  }
0x46: {  	_ =	shalt  }
0x47: {  	_ =	shalt  }
0x48: {  	_ =	shalt  }
0x49: {  	_ =	shalt  }
0x4a: {  	_ =	shalt  }
0x4b: {  	_ =	shalt  }
0x4c: {  	_ =	shalt  }
0x4d: {  	_ =	shalt  }
0x4e: {  	_ =	shalt  }
0x4f: {  	_ =	shalt  }
0x50: {  	_ =	shalt  }
0x51: {  	_ =	shalt  }
0x52: {  	_ =	shalt  }
0x53: {  	_ =	shalt  }
0x54: {  	_ =	shalt  }
0x55: {  	_ =	shalt  }
0x56: {  	_ =	shalt  }
0x57: {  	_ =	shalt  }
0x58: {  	_ =	shalt  }
0x59: {  	_ =	shalt  }
0x5a: {  	_ =	shalt  }
0x5b: {  	_ =	shalt  }
0x5c: {  	_ =	shalt  }
0x5d: {  	_ =	shalt  }
0x5e: {  	_ =	shalt  }
0x5f: {  	_ =	shalt  }
0x60: {  	_ =	shalt  }
0x61: {  	_ =	shalt  }
0x62: {  	_ =	shalt  }
0x63: {  	_ =	shalt  }
0x64: {  	_ =	shalt  }
0x65: {  	_ =	shalt  }
0x66: {  	_ =	shalt  }
0x67: {  	_ =	shalt  }
0x68: {  	_ =	shalt  }
0x69: {  	_ =	shalt  }
0x6a: {  	_ =	shalt  }
0x6b: {  	_ =	shalt  }
0x6c: {  	_ =	shalt  }
0x6d: {  	_ =	shalt  }
0x6e: {  	_ =	shalt  }
0x6f: {  	_ =	shalt  }
0x70: {  	_ =	shalt  }
0x71: {  	_ =	shalt  }
0x72: {  	_ =	shalt  }
0x73: {  	_ =	shalt  }
0x74: {  	_ =	shalt  }
0x75: {  	_ =	shalt  }
0x76: {  	_ =	shalt  }
0x77: {  	_ =	shalt  }
0x78: {  	_ =	shalt  }
0x79: {  	_ =	shalt  }
0x7a: {  	_ =	shalt  }
0x7b: {  	_ =	shalt  }
0x7c: {  	_ =	shalt  }
0x7d: {  	_ =	shalt  }
0x7e: {  	_ =	shalt  }
0x7f: {  	_ =	shalt  }
0x80: {  	_ =	shalt  }
0x81: {  	_ =	shalt  }
0x82: {  	_ =	shalt  }
0x83: {  	_ =	shalt  }
0x84: {  	_ =	shalt  }
0x85: {  	_ =	shalt  }
0x86: {  	_ =	shalt  }
0x87: {  	_ =	shalt  }
.Lfunc_end0:
.L_simem_size_0:
called_computation.1_lowered:
.L_overlay_start_0:
0x88: {  	s2 =	sld [smem:$0x3FD9]  }
0x89: {  	s3 =	sld [smem:$0x3FFE];
	_ =	sdelay $0x1  }
0x8a: {  	s1 =	srdreg.scid  }
0x8b: {  	s0 =	sand.u32 $0x1, s1  }
0x8c: {  	s14 =	sshll.u32 s0, $0xA;
	s2 =	sadd.s32 s3, s2  }
0x8d: {  	s2 =	sadd.s32 s2, s14  }
0x8e: {  	[smem:$0x3FB9] =	sst s2  }
0x8f: {  	_ = 	snop  }
0x90: {  	s2 =	sld [smem:$0x3FD0];
	_ =	sdelay $0x2  }
0x91: {  	s15 =	simm.s32 $0xA;
	s4 =	simm.s32 $0x10  }
0x92: {  	[smem:s4], [sflag:s15] =	dma.local [hbm:s2], $0x1  }
0x93: {  	_ =	swait.eq [sflag:s15], $0x1  }
0x94: {  	[sflag:s15] =	ssyncset.done $0x0  }
0x95: {  	[sflag:s15] =	ssyncadd.s32 $0xFFFFFFFF  }
0x96: {  	s16 =	sld [smem:$0x10];
	(tm) =	ssettm $0x1  }
0x97: {  	s17 =	sld [smem:$0x3FFB];
	_ =	sdelay $0x3  }
0x98: {  	_ =	strace s17  }
0x99: {  	s3 =	sld [smem:$0x3FFC];
	_ =	sdelay $0x3  }
0x9a: {  	_ =	strace s3  }
0x9b: {  	s3 =	sld [smem:$0x3FFD];
	_ =	sdelay $0x3  }
0x9c: {  	_ =	strace s3  }
0x9d: {  	_ =	strace $0x8FFFFFFF  }
0x9e: {  	s18 =	sld [smem:$0x3FDB];
	_ =	sdelay $0x1  }
0x9f: {  	s19 =	simm.s32 $_scs_section_size  }
0xa0: {  	s5 =	simm.s32 $_size__tile_overlayer_lowered;
	s6 =	simm.s32 $_tile_overlayer_lowered  }
0xa1: {  	s22 =	simm.s32 $0x1BFF;
	s21 =	sshll.u32 s6, $0x1;
	s3 =	sadd.s32 s19, s18  }
0xa2: {  	s7 =	simm.s32 $0x0;
	s20 =	sshll.u32 s5, $0x1;
	s5 =	sadd.s32 s21, s3  }
0xa3: {  	[timem:s7], [sflag:s22] =	dma.local [hbm:s5], s20  }
0xa4: {  	_ =	swait.ge [sflag:s22], s20  }
0xa5: {  	s4 =	ssub.s32 $0x0, s20;
	[sflag:s22] =	ssyncset.done $0x0  }
0xa6: {  	[sflag:s22] =	ssyncadd.s32 s4;
	_ =	sdelay $0x1  }
0xa7: {  	s23 =	simm.s32 $0x1B8B  }
0xa8: {  	_ =	swait.ge [sflag:s23], $0x1  }
0xa9: {  	[sflag:s23] =	ssyncset.done $0x0  }
0xaa: {  	s25 =	simm.s32 $0x1B8E;
	s24 =	sld [smem:$0x3FFE];
	[sflag:s23] =	ssyncadd.s32 $0xFFFFFFFF  }
0xab: {  	s26 =	simm.s32 $execute0_lowered;
	[smem:$0x3FD2] =	sst s25  }
0xac: {  	s5 =	sshll.u32 s26, $0x1;
	_ =	strace $0x80000049;
	[dreg:$0x1] =	wrdreg $0xFFFFFFFF  }
0xad: {  	s28 =	simm.s32 $_size_execute0_lowered;
	s3 =	sadd.s32 s3, s5;
	[dreg:$0x0] =	wrdreg $0x0  }
0xae: {  	s5 =	sshll.u32 s28, $0x1;
	[dreg:$0x2] =	wrdreg s3  }
0xaf: {  	[dreg:$0x3] =	wrdreg s5  }
0xb0: {  	[dreg:$0x4] =	wrdreg $0xC0  }
0xb1: {  	_ =	task [dreg:s7], $0x5FFFF  }
0xb2: {  	[dreg:$0x1] =	wrdreg $0xFFFFFFFF  }
0xb3: {  	[dreg:$0x0] =	wrdreg $0x60  }
0xb4: {  	[dreg:$0x2] =	wrdreg s24  }
0xb5: {  	[dreg:$0x3] =	wrdreg s16  }
0xb6: {  	[dreg:$0x4] =	wrdreg $0x53000  }
0xb7: {  	[dreg:$0x5] =	wrdreg $0xD0000  }
0xb8: {  	[dreg:$0x6] =	wrdreg $0x14D000  }
0xb9: {  	[dreg:$0x7] =	wrdreg $0x9  }
0xba: {  	_ =	task.clear_ibuf [dreg:s7], $0x8FFFF;
	_ =	strace $0x90000049  }
0xbb: {  	s29 =	simm.s32 $0x9;
	_ =	strace $0x8000004B  }
0xbc: {  	_ =	swait.ge [sflag:s29], $0x1  }
0xbd: {  	[sflag:s29] =	ssyncadd.s32 $0xFFFFFFFF  }
0xbe: {  	_ =	strace $0x9000004B  }
0xbf: {  	_ =	sfence  }
0xc0: {  	s30 =	sld [smem:$0x0];
	_ =	sdelay $0x2  }
0xc1: {  	s31 =	sshll.u32 s1, $0xD;
	s1 =	sshrl.u32 s1, $0x2  }
0xc2: {  	s3 =	sand.u32 $0x4000, s31;
	s1 =	sadd.s32 s1, s30  }
0xc3: {  	s0 =	sor.u32 s3, s0;
	s1 =	sshll.u32 s1, $0x11  }
0xc4: {  	s0 =	sor.u32 s1, s0  }
0xc5: {  	s0 =	sadd.s32 $0x8F2B, s0  }
0xc6: {  	[sflag:s0] =	ssyncadd.remote.s32 $0x1  }
0xc7: {  	_ =	sfence.sel $0xFFFF  }
0xc8: {  	[dreg:$0x0] =	wrdreg $0xFFFFFFFF;
	(pc) =	sbr.abs _section_cstart, $3  }
0xc9: {  	[dreg:$0x1] =	wrdreg $0xFFFFFFFF  }
0xca: {  	_ =	task.clear_ibuf [dreg:s7], $0x2FFFF;
	_ =	strace $0x9FFFFFFF  }
0xcb: {  	(tm) =	ssettm $0x7FFFFFFF  }
tec
execute0_lowered:
.L_overlay_start_1:
0x0: {  	(tag) =	ssettag $0x1  }
0x1: {  	s0 =	rddreg [dreg:$0x0]  }
0x2: {  	s1 =	rddreg [dreg:$0x1]  }
0x3: {  	s3 =	rddreg [dreg:$0x2]  }
0x4: {  	s24 =	rddreg [dreg:$0x3]  }
0x5: {  	s28 =	rddreg [dreg:$0x4];
	s2 =	srdreg.scid  }
0x6: {  	s4 =	simm.s32 $0x0;
	s23 =	stileid.u32;
	s29 =	simm.s32 $0x100  }
0x7: {  	s30 =	simm.s32 $0x50;
	s31 =	simm.s32 $0x80;
	s6 =	smul.u32 $0x190, s23  }
0x8: {  	s2 =	sand.u32 $0x1, s2;
	[smem:$0x7FF] =	sst s4;
	s14 =	smul.u32 $0xFA0, s23  }
0x9: {  	s7 =	sadd.s32 $0xC2800, s0;
	s5 =	ssub.s32 $0x2, s2;
	s22 =	smul.u32 $0x2EE0, s2  }
0xa: {  	s9 =	sadd.s32 $0x12C000, s0;
	s2 =	smul.u32 $0x2EE00, s2;
	s8 =	sshrl.u32 s5, $0x1  }
0xb: {  	p0 =	sgt.u32 s23, $0x9;
	s5 =	ssub.s32 s5, s8;
	s25 =	sadd.s32 $0xFA0, s22  }
0xc: {  	s10 =	sadd.s32 s6, s22;
	s26 =	sadd.s32 $0x1F40, s22;
	s2 =	sadd.s32 s14, s2  }
0xd: {  	v0 =	vmov s22;
	s22 =	simm.s32 $0x0;
	s10 =	sshll.u32 s10, $0x4;
	s11 =	sadd.s32 s6, s25  }
0xe: {  	s6 =	sadd.s32 s6, s26;
	s16 =	sshrl.u32 s2, $0x3;
	s17 =	sadd.s32 $0x50, s2  }
0xf: {  	s12 =	sadd.s32 $0xFA00, s2;
	s14 =	sadd.s32 $0xFA50, s2;
	v1 =	vmov s25;
	s25 =	simm.s32 $0x3  }
0x10: {  	v2 =	vmov s26;
	s26 =	simm.s32 $0x4;
	s10 =	sadd.s32 s9, s10;
	s15 =	sshll.u32 s11, $0x4  }
0x11: {  	s6 =	sshll.u32 s6, $0x4;
	s8 =	sadd.s32 s16, s7;
	s18 =	sshrl.u32 s17, $0x3  }
0x12: {  	s19 =	sshrl.u32 s12, $0x3;
	s20 =	sshrl.u32 s14, $0x3;
	[dreg:$0x6] =	wrdreg s10  }
0x13: {  	s10 =	sadd.s32 s9, s15;
	s6 =	sadd.s32 s9, s6;
	s9 =	sadd.s32 s16, s1  }
0x14: {  	s11 =	sadd.s32 s18, s1;
	s12 =	sadd.s32 s19, s7;
	s13 =	sadd.s32 s19, s1  }
0x15: {  	s15 =	sadd.s32 $0x1F400, s2;
	s14 =	sadd.s32 s20, s7;
	[dreg:$0x7] =	wrdreg s10  }
0x16: {  	s16 =	sadd.s32 s20, s1;
	s2 =	sadd.s32 $0x1F450, s2;
	[dreg:$0x8] =	wrdreg s6  }
0x17: {  	s10 =	sadd.s32 s18, s7;
	_ =	strace $0x8000004A;
	[dreg:$0x9] =	wrdreg s8  }
0x18: {  	s21 =	sshrl.u32 s15, $0x3;
	s2 =	sshrl.u32 s2, $0x3;
	[dreg:$0xa] =	wrdreg s9  }
0x19: {  	s15 =	smul.u32 $0xC800, s23;
	s17 =	sadd.s32 s21, s7;
	[dreg:$0xb] =	wrdreg s10  }
0x1a: {  	s18 =	sadd.s32 s21, s1;
	s19 =	sadd.s32 s2, s7;
	[dreg:$0xc] =	wrdreg s11  }
0x1b: {  	s21 =	sadd.s32 $0xCE400, s0;
	s0 =	sadd.s32 $0x5600, s0;
	[dreg:$0xd] =	wrdreg s12  }
0x1c: {  	s20 =	sadd.s32 s2, s1;
	[dreg:$0xe] =	wrdreg s0;
	s2 =	sadd.s32 s15, s3  }
0x1d: {  	s6 =	simm.s32 $0x2A00;
	s7 =	sadd.s32 s15, s24;
	[dreg:$0xf] =	wrdreg s2  }
0x1e: {  	s23 =	simm.s32 $0x1;
	s15 =	sadd.s32 s15, s28;
	[dreg:$0x10] =	wrdreg s7  }
0x1f: {  	s1 =	simm.s32 $0x2980;
	s24 =	smax.u32 s5, $0x1;
	[dreg:$0x11] =	wrdreg s15  }
0x20: {  	s28 =	simm.s32 $0x5;
	s5 =	simm.s32 $0x2A80;
	[dreg:$0x12] =	wrdreg s24  }
0x21: {  	s15 =	simm.s32 $0x180;
	s7 =	simm.s32 $0x2B00;
	s24 =	simm.s32 $0x2  }
.LBB2_1:
0x22: {  	s0 =	stileid.u32  }
0x23: {  	[dreg:$0x13] =	wrdreg s22;
	s0 =	sshll.u32 @!p0 s0, $0x6  }
0x24: {  	s22 =	sor.u32 @!p0 $0x1C05, s0;
	s0 =	rddreg [dreg:$0xf]  }
0x25: {  	s2 =	rddreg [dreg:$0xe];
	s0 =	sshrl.u32 @!p0 s0, $0x3  }
0x26: {  	[dreg:$0x15] =	wrdreg s0  }
0x27: {  	[spmem:s0], [sflag:s22] =	dma.local @!p0 [hbm:s2], $0x1900  }
0x28: {  	s0 =	simm.s32 @!p0 $0x5  }
0x29: {  	_ =	swait.ge @!p0 [sflag:s0], $0x1900  }
0x2a: {  	s12 =	rddreg [dreg:$0x10]  }
0x2b: {  	[sflag:s0] =	ssyncset.done @!p0 $0x0;
	s12 =	sshrl.u32 @!p0 s12, $0x3  }
0x2c: {  	[sflag:s0] =	ssyncadd.s32 @!p0 $0xFFFFE700;
	[dreg:$0x16] =	wrdreg s12  }
0x2d: {  	[spmem:s12], [sflag:s22] =	dma.local @!p0 [hbm:s2], $0x1900  }
0x2e: {  	_ =	swait.ge @!p0 [sflag:s0], $0x1900  }
0x2f: {  	s12 =	rddreg [dreg:$0x11]  }
0x30: {  	[dreg:$0x14] =	wrdreg s22;
	[sflag:s0] =	ssyncset.done @!p0 $0x0;
	s12 =	sshrl.u32 @!p0 s12, $0x3  }
0x31: {  	[sflag:s0] =	ssyncadd.s32 @!p0 $0xFFFFE700;
	[dreg:$0x17] =	wrdreg s12  }
0x32: {  	[spmem:s12], [sflag:s22] =	dma.local @!p0 [hbm:s2], $0x1900  }
0x33: {  	_ =	swait.ge @!p0 [sflag:s0], $0x1900  }
0x34: {  	[sflag:s0] =	ssyncset.done @!p0 $0x0  }
0x35: {  	[sflag:s0] =	ssyncadd.s32 @!p0 $0xFFFFE700  }
0x36: {  	s22 =	sadd.s32 $0x0, s9;
	[bflag:$0x0] =	sbarrier.arrive $0xFFFF  }
0x37: {  	[tilespmem:s4], [sflag:$0x5] =	stream.linear.gather [hbm4b:s22+s4], $0x50, $0x38;
	[tilespmem:$0x1CA00] =	vst v63  }
0x38: {  	_ =	swait.ge [sflag:s28], $0x50  }
0x39: {  	[sflag:s28] =	ssyncset.done $0x0  }
0x3a: {  	s2 =	sadd.s32 $0x0, s8;
	[sflag:s28] =	ssyncadd.s32 $0xFFFFFFB0  }
0x3b: {  	[tilespmem:s29], [sflag:$0x5] =	stream.linear.gather [hbm4b:s2+s4], $0x50, $0x38;
	[tilespmem:$0x1CA00] =	vst v63  }
0x3c: {  	_ =	swait.ge [sflag:s28], $0x50  }
0x3d: {  	[sflag:s28] =	ssyncset.done $0x0  }
0x3e: {  	[sflag:s28] =	ssyncadd.s32 $0xFFFFFFB0  }
0x3f: {  	v3 =	vld [tilespmem:$0x40]  }
0x40: {  	v4 =	vld [tilespmem:$0x20]  }
0x41: {  	v6 =	vld [tilespmem:$0x0]  }
0x42: {  	v5 =	vld [tilespmem:$0x10]  }
0x43: {  	v7 =	vld [tilespmem:$0x30]  }
0x44: {  	v3 =	vadd.s32 v0, v3  }
0x45: {  	v4 =	vadd.s32 v0, v4;
	[tilespmem:$0xC0] =	vst v3  }
0x46: {  	v58 =	vadd.s32 v0, v6;
	[tilespmem:$0xA0] =	vst v4  }
0x47: {  	v3 =	vadd.s32 v0, v5;
	[tilespmem:$0x80] =	vst v58  }
0x48: {  	[tilespmem:$0x90] =	vst v3;
	v3 =	vadd.s32 v0, v7  }
0x49: {  	[tilespmem:$0xB0] =	vst v3  }
0x4a: {  	[tilespmem:s15], [sflag:$0x1] =	stream.indirect.gather [hbm4b:s21+s30], $0x80, s31, s30, $0xb8;
	[tilespmem:$0x1CA00] =	vst v63  }
0x4b: {  	s12 =	sadd.s32 $0x0, s11  }
0x4c: {  	[tilespmem:s1], [sflag:$0x5] =	stream.linear.gather [hbm4b:s12+s4], $0x50, $0x38;
	[tilespmem:$0x1CA00] =	vst v63  }
0x4d: {  	_ =	swait.ge [sflag:s28], $0x50  }
0x4e: {  	[sflag:s28] =	ssyncset.done $0x0  }
0x4f: {  	s22 =	sadd.s32 $0x0, s10;
	[sflag:s28] =	ssyncadd.s32 $0xFFFFFFB0  }
0x50: {  	[tilespmem:s5], [sflag:$0x5] =	stream.linear.gather [hbm4b:s22+s4], $0x50, $0x38;
	[tilespmem:$0x1CA00] =	vst v63  }
0x51: {  	_ =	swait.ge [sflag:s28], $0x50  }
0x52: {  	[sflag:s28] =	ssyncset.done $0x0  }
0x53: {  	[sflag:s28] =	ssyncadd.s32 $0xFFFFFFB0  }
0x54: {  	v3 =	vld [tilespmem:$0x29C0]  }
0x55: {  	v59 =	vld [tilespmem:$0x2980]  }
0x56: {  	v61 =	vld [tilespmem:$0x2990]  }
0x57: {  	v60 =	vld [tilespmem:$0x29B0]  }
0x58: {  	v62 =	vld [tilespmem:$0x29A0]  }
0x59: {  	v3 =	vadd.s32 v0, v3  }
0x5a: {  	v4 =	vadd.s32 v0, v59;
	[tilespmem:$0x2A40] =	vst v3  }
0x5b: {  	v63 =	vadd.s32 v0, v61;
	[tilespmem:$0x2A00] =	vst v4  }
0x5c: {  	v3 =	vadd.s32 v0, v60;
	[tilespmem:$0x2A10] =	vst v63  }
0x5d: {  	[tilespmem:$0x2A30] =	vst v3;
	v3 =	vadd.s32 v0, v62  }
0x5e: {  	[tilespmem:$0x2A20] =	vst v3  }
0x5f: {  	[tilespmem:s7], [sflag:$0x2] =	stream.indirect.gather [hbm4b:s21+s30], $0x80, s6, s30, $0xb8;
	[tilespmem:$0x1CA00] =	vst v63  }
0x60: {  	_ =	swait.ge [sflag:s23], $0x2800  }
0x61: {  	s0 =	simm.s32 $0x14;
	[sflag:s23] =	ssyncset.done $0x0  }
0x62: {  	s12 =	smov.u32 s11;
	s11 =	smov.u32 s10;
	[sflag:s23] =	ssyncadd.s32 $0xFFFFD800  }
0x63: {  	[spmem:s3] =	stream.indirect.scatter.add.f32 [tilespmem:s15], [sflag:$0x3], $0x80, s29, s30, $0xb8;
	[tilespmem:$0x1CA00] =	vst v63  }
0x64: {  	s10 =	smov.u32 s9;
	s9 =	smov.u32 s8;
	_ =	swait.ge [sflag:s24], $0x2800  }
.LBB2_2:
0x65: {  	p1 =	sne.s32 s0, $0x1E0  }
0x66: {  	[sflag:s24] =	ssyncset.done $0x0;
	s2 =	smov.u32 s0;
	s0 =	sadd.s32 $0x14, s0  }
0x67: {  	[sflag:s24] =	ssyncadd.s32 $0xFFFFD800  }
0x68: {  	[spmem:s3] =	stream.indirect.scatter.add.f32 [tilespmem:s7], [sflag:$0x4], $0x80, s5, s30, $0xb8;
	[tilespmem:$0x1CA00] =	vst v63  }
0x69: {  	_ =	swait.ge [sflag:s25], $0x2800  }
0x6a: {  	[sflag:s25] =	ssyncset.done $0x0  }
0x6b: {  	[sflag:s25] =	ssyncadd.s32 $0xFFFFD800  }
0x6c: {  	_ =	swait.ge [sflag:s26], $0x2800  }
0x6d: {  	s8 =	smov.u32 s3;
	[sflag:s26] =	ssyncset.done $0x0  }
0x6e: {  	s22 =	simm.s32 $0x0;
	s3 =	sadd.s32 s2, s10;
	[sflag:s26] =	ssyncadd.s32 $0xFFFFD800  }
0x6f: {  	[tilespmem:s22], [sflag:$0x5] =	stream.linear.gather [hbm4b:s3+s22], $0x50, $0x38;
	[tilespmem:$0x1CA00] =	vst v63  }
0x70: {  	_ =	swait.ge [sflag:s28], $0x50  }
0x71: {  	[sflag:s28] =	ssyncset.done $0x0  }
0x72: {  	s3 =	sadd.s32 s2, s9;
	[sflag:s28] =	ssyncadd.s32 $0xFFFFFFB0  }
0x73: {  	[tilespmem:s29], [sflag:$0x5] =	stream.linear.gather [hbm4b:s3+s22], $0x50, $0x38;
	[tilespmem:$0x1CA00] =	vst v63  }
0x74: {  	_ =	swait.ge [sflag:s28], $0x50  }
0x75: {  	[sflag:s28] =	ssyncset.done $0x0  }
0x76: {  	[sflag:s28] =	ssyncadd.s32 $0xFFFFFFB0  }
0x77: {  	v3 =	vld [tilespmem:$0x40]  }
0x78: {  	v4 =	vld [tilespmem:$0x20]  }
0x79: {  	v5 =	vld [tilespmem:$0x10]  }
0x7a: {  	v6 =	vld [tilespmem:$0x0]  }
0x7b: {  	v7 =	vld [tilespmem:$0x30]  }
0x7c: {  	v3 =	vadd.s32 v0, v3  }
0x7d: {  	v4 =	vadd.s32 v0, v4;
	[tilespmem:$0xC0] =	vst v3  }
0x7e: {  	v3 =	vadd.s32 v0, v5;
	[tilespmem:$0xA0] =	vst v4  }
0x7f: {  	v4 =	vadd.s32 v0, v6;
	[tilespmem:$0x90] =	vst v3  }
0x80: {  	[tilespmem:$0x80] =	vst v4;
	v3 =	vadd.s32 v0, v7  }
0x81: {  	[tilespmem:$0xB0] =	vst v3  }
0x82: {  	[tilespmem:s15], [sflag:$0x1] =	stream.indirect.gather [hbm4b:s21+s30], $0x80, s31, s30, $0xb8;
	[tilespmem:$0x1CA00] =	vst v63  }
0x83: {  	s3 =	sadd.s32 s2, s12  }
0x84: {  	[tilespmem:s1], [sflag:$0x5] =	stream.linear.gather [hbm4b:s3+s22], $0x50, $0x38;
	[tilespmem:$0x1CA00] =	vst v63  }
0x85: {  	s3 =	smov.u32 s8  }
0x86: {  	_ =	swait.ge [sflag:s28], $0x50  }
0x87: {  	[sflag:s28] =	ssyncset.done $0x0  }
0x88: {  	s2 =	sadd.s32 s2, s11;
	[sflag:s28] =	ssyncadd.s32 $0xFFFFFFB0  }
0x89: {  	[tilespmem:s5], [sflag:$0x5] =	stream.linear.gather [hbm4b:s2+s22], $0x50, $0x38;
	[tilespmem:$0x1CA00] =	vst v63  }
0x8a: {  	_ =	swait.ge [sflag:s28], $0x50  }
0x8b: {  	[sflag:s28] =	ssyncset.done $0x0  }
0x8c: {  	[sflag:s28] =	ssyncadd.s32 $0xFFFFFFB0  }
0x8d: {  	v3 =	vld [tilespmem:$0x29C0]  }
0x8e: {  	v4 =	vld [tilespmem:$0x2980]  }
0x8f: {  	v5 =	vld [tilespmem:$0x29B0]  }
0x90: {  	v6 =	vld [tilespmem:$0x2990]  }
0x91: {  	v7 =	vld [tilespmem:$0x29A0]  }
0x92: {  	v3 =	vadd.s32 v0, v3  }
0x93: {  	v4 =	vadd.s32 v0, v4;
	[tilespmem:$0x2A40] =	vst v3  }
0x94: {  	[tilespmem:$0x2A00] =	vst v4;
	v3 =	vadd.s32 v0, v5  }
0x95: {  	v4 =	vadd.s32 v0, v6;
	[tilespmem:$0x2A30] =	vst v3  }
0x96: {  	[tilespmem:$0x2A10] =	vst v4;
	v3 =	vadd.s32 v0, v7  }
0x97: {  	[tilespmem:$0x2A20] =	vst v3  }
0x98: {  	[tilespmem:s7], [sflag:$0x2] =	stream.indirect.gather [hbm4b:s21+s30], $0x80, s6, s30, $0xb8;
	[tilespmem:$0x1CA00] =	vst v63  }
.Ltmp0:
0x99: {  	_ =	swait.ge [sflag:s23], $0x2800;
	(pc) =	sbr.rel @p1 .LBB2_2-.Ltmp0, $4  }
0x9a: {  	[sflag:s23] =	ssyncset.done $0x0  }
0x9b: {  	[sflag:s23] =	ssyncadd.s32 $0xFFFFD800  }
0x9c: {  	[spmem:s8] =	stream.indirect.scatter.add.f32 [tilespmem:s15], [sflag:$0x3], $0x80, s29, s30, $0xb8;
	[tilespmem:$0x1CA00] =	vst v63  }
0x9d: {  	_ =	swait.ge [sflag:s24], $0x2800  }
0x9e: {  	[sflag:s24] =	ssyncset.done $0x0  }
0x9f: {  	[sflag:s24] =	ssyncadd.s32 $0xFFFFD800  }
0xa0: {  	[spmem:s3] =	stream.indirect.scatter.add.f32 [tilespmem:s7], [sflag:$0x4], $0x80, s5, s30, $0xb8;
	[tilespmem:$0x1CA00] =	vst v63  }
0xa1: {  	_ =	swait.ge [sflag:s25], $0x2800  }
0xa2: {  	[sflag:s25] =	ssyncset.done $0x0  }
0xa3: {  	[sflag:s25] =	ssyncadd.s32 $0xFFFFD800  }
0xa4: {  	_ =	swait.ge [sflag:s26], $0x2800  }
0xa5: {  	[sflag:s26] =	ssyncset.done $0x0  }
0xa6: {  	s0 =	sadd.s32 $0x0, s13;
	[sflag:s26] =	ssyncadd.s32 $0xFFFFD800  }
0xa7: {  	[tilespmem:s22], [sflag:$0x5] =	stream.linear.gather [hbm4b:s0+s22], $0x50, $0x38;
	[tilespmem:$0x1CA00] =	vst v63  }
0xa8: {  	_ =	swait.ge [sflag:s28], $0x50  }
0xa9: {  	[sflag:s28] =	ssyncset.done $0x0;
	s12 =	rddreg [dreg:$0xd]  }
0xaa: {  	[sflag:s28] =	ssyncadd.s32 $0xFFFFFFB0;
	s9 =	sadd.s32 $0x0, s12  }
0xab: {  	[tilespmem:s29], [sflag:$0x5] =	stream.linear.gather [hbm4b:s9+s22], $0x50, $0x38;
	[tilespmem:$0x1CA00] =	vst v63  }
0xac: {  	_ =	swait.ge [sflag:s28], $0x50  }
0xad: {  	[sflag:s28] =	ssyncset.done $0x0  }
0xae: {  	[sflag:s28] =	ssyncadd.s32 $0xFFFFFFB0  }
0xaf: {  	v3 =	vld [tilespmem:$0x40]  }
0xb0: {  	v4 =	vld [tilespmem:$0x20]  }
0xb1: {  	v6 =	vld [tilespmem:$0x0]  }
0xb2: {  	v5 =	vld [tilespmem:$0x10]  }
0xb3: {  	v7 =	vld [tilespmem:$0x30]  }
0xb4: {  	v3 =	vadd.s32 v1, v3  }
0xb5: {  	v4 =	vadd.s32 v1, v4;
	[tilespmem:$0xC0] =	vst v3  }
0xb6: {  	v58 =	vadd.s32 v1, v6;
	[tilespmem:$0xA0] =	vst v4  }
0xb7: {  	v3 =	vadd.s32 v1, v5;
	[tilespmem:$0x80] =	vst v58  }
0xb8: {  	[tilespmem:$0x90] =	vst v3;
	v3 =	vadd.s32 v1, v7  }
0xb9: {  	[tilespmem:$0xB0] =	vst v3  }
0xba: {  	[tilespmem:s15], [sflag:$0x1] =	stream.indirect.gather [hbm4b:s21+s30], $0x80, s31, s30, $0xb8;
	[tilespmem:$0x1CA00] =	vst v63  }
0xbb: {  	s10 =	sadd.s32 $0x0, s16  }
0xbc: {  	[tilespmem:s1], [sflag:$0x5] =	stream.linear.gather [hbm4b:s10+s22], $0x50, $0x38;
	[tilespmem:$0x1CA00] =	vst v63  }
0xbd: {  	_ =	swait.ge [sflag:s28], $0x50  }
0xbe: {  	[sflag:s28] =	ssyncset.done $0x0  }
0xbf: {  	s11 =	sadd.s32 $0x0, s14;
	[sflag:s28] =	ssyncadd.s32 $0xFFFFFFB0  }
0xc0: {  	[tilespmem:s5], [sflag:$0x5] =	stream.linear.gather [hbm4b:s11+s22], $0x50, $0x38;
	[tilespmem:$0x1CA00] =	vst v63  }
0xc1: {  	_ =	swait.ge [sflag:s28], $0x50  }
0xc2: {  	[sflag:s28] =	ssyncset.done $0x0  }
0xc3: {  	[sflag:s28] =	ssyncadd.s32 $0xFFFFFFB0  }
0xc4: {  	v3 =	vld [tilespmem:$0x29C0]  }
0xc5: {  	v59 =	vld [tilespmem:$0x29B0]  }
0xc6: {  	v61 =	vld [tilespmem:$0x2980]  }
0xc7: {  	v60 =	vld [tilespmem:$0x2990]  }
0xc8: {  	v62 =	vld [tilespmem:$0x29A0]  }
0xc9: {  	v3 =	vadd.s32 v1, v3  }
0xca: {  	v4 =	vadd.s32 v1, v59;
	[tilespmem:$0x2A40] =	vst v3  }
0xcb: {  	v63 =	vadd.s32 v1, v61;
	[tilespmem:$0x2A30] =	vst v4  }
0xcc: {  	v3 =	vadd.s32 v1, v60;
	[tilespmem:$0x2A00] =	vst v63  }
0xcd: {  	[tilespmem:$0x2A10] =	vst v3;
	v3 =	vadd.s32 v1, v62  }
0xce: {  	[tilespmem:$0x2A20] =	vst v3  }
0xcf: {  	[tilespmem:s7], [sflag:$0x2] =	stream.indirect.gather [hbm4b:s21+s30], $0x80, s6, s30, $0xb8;
	[tilespmem:$0x1CA00] =	vst v63  }
0xd0: {  	_ =	swait.ge [sflag:s23], $0x2800  }
0xd1: {  	[sflag:s23] =	ssyncset.done $0x0  }
0xd2: {  	[sflag:s23] =	ssyncadd.s32 $0xFFFFD800  }
0xd3: {  	s3 =	rddreg [dreg:$0x3]  }
0xd4: {  	[spmem:s3] =	stream.indirect.scatter.add.f32 [tilespmem:s15], [sflag:$0x3], $0x80, s29, s30, $0xb8;
	[tilespmem:$0x1CA00] =	vst v63  }
0xd5: {  	s0 =	simm.s32 $0x14;
	_ =	swait.ge [sflag:s24], $0x2800  }
.LBB2_4:
0xd6: {  	[sflag:s24] =	ssyncset.done $0x0  }
0xd7: {  	[sflag:s24] =	ssyncadd.s32 $0xFFFFD800  }
0xd8: {  	[spmem:s3] =	stream.indirect.scatter.add.f32 [tilespmem:s7], [sflag:$0x4], $0x80, s5, s30, $0xb8;
	[tilespmem:$0x1CA00] =	vst v63  }
0xd9: {  	_ =	swait.ge [sflag:s25], $0x2800  }
0xda: {  	[sflag:s25] =	ssyncset.done $0x0  }
0xdb: {  	[sflag:s25] =	ssyncadd.s32 $0xFFFFD800  }
0xdc: {  	_ =	swait.ge [sflag:s26], $0x2800  }
0xdd: {  	s2 =	smov.u32 s0;
	[sflag:s26] =	ssyncset.done $0x0  }
0xde: {  	s9 =	sadd.s32 s2, s13;
	[sflag:s26] =	ssyncadd.s32 $0xFFFFD800  }
0xdf: {  	[tilespmem:s22], [sflag:$0x5] =	stream.linear.gather [hbm4b:s9+s22], $0x50, $0x38;
	[tilespmem:$0x1CA00] =	vst v63  }
0xe0: {  	_ =	swait.ge [sflag:s28], $0x50  }
0xe1: {  	[sflag:s28] =	ssyncset.done $0x0  }
0xe2: {  	s10 =	sadd.s32 s2, s12;
	[sflag:s28] =	ssyncadd.s32 $0xFFFFFFB0  }
0xe3: {  	[tilespmem:s29], [sflag:$0x5] =	stream.linear.gather [hbm4b:s10+s22], $0x50, $0x38;
	[tilespmem:$0x1CA00] =	vst v63  }
0xe4: {  	_ =	swait.ge [sflag:s28], $0x50  }
0xe5: {  	[sflag:s28] =	ssyncset.done $0x0  }
0xe6: {  	[sflag:s28] =	ssyncadd.s32 $0xFFFFFFB0  }
0xe7: {  	v3 =	vld [tilespmem:$0x40]  }
0xe8: {  	v4 =	vld [tilespmem:$0x20]  }
0xe9: {  	v6 =	vld [tilespmem:$0x0]  }
0xea: {  	v5 =	vld [tilespmem:$0x10]  }
0xeb: {  	v7 =	vld [tilespmem:$0x30]  }
0xec: {  	v3 =	vadd.s32 v1, v3  }
0xed: {  	v4 =	vadd.s32 v1, v4;
	[tilespmem:$0xC0] =	vst v3  }
0xee: {  	v58 =	vadd.s32 v1, v6;
	[tilespmem:$0xA0] =	vst v4  }
0xef: {  	v3 =	vadd.s32 v1, v5;
	[tilespmem:$0x80] =	vst v58  }
0xf0: {  	[tilespmem:$0x90] =	vst v3;
	v3 =	vadd.s32 v1, v7  }
0xf1: {  	[tilespmem:$0xB0] =	vst v3  }
0xf2: {  	[tilespmem:s15], [sflag:$0x1] =	stream.indirect.gather [hbm4b:s21+s30], $0x80, s31, s30, $0xb8;
	[tilespmem:$0x1CA00] =	vst v63  }
0xf3: {  	s11 =	sadd.s32 s2, s16  }
0xf4: {  	[tilespmem:s1], [sflag:$0x5] =	stream.linear.gather [hbm4b:s11+s22], $0x50, $0x38;
	[tilespmem:$0x1CA00] =	vst v63  }
0xf5: {  	s3 =	rddreg [dreg:$0x3];
	_ =	swait.ge [sflag:s28], $0x50  }
0xf6: {  	[sflag:s28] =	ssyncset.done $0x0  }
0xf7: {  	s2 =	sadd.s32 s2, s14;
	[sflag:s28] =	ssyncadd.s32 $0xFFFFFFB0  }
0xf8: {  	[tilespmem:s5], [sflag:$0x5] =	stream.linear.gather [hbm4b:s2+s22], $0x50, $0x38;
	[tilespmem:$0x1CA00] =	vst v63  }
0xf9: {  	_ =	swait.ge [sflag:s28], $0x50  }
0xfa: {  	[sflag:s28] =	ssyncset.done $0x0  }
0xfb: {  	[sflag:s28] =	ssyncadd.s32 $0xFFFFFFB0  }
0xfc: {  	v3 =	vld [tilespmem:$0x29C0]  }
0xfd: {  	v59 =	vld [tilespmem:$0x29B0]  }
0xfe: {  	v61 =	vld [tilespmem:$0x2980]  }
0xff: {  	v60 =	vld [tilespmem:$0x2990]  }
0x100: {  	v62 =	vld [tilespmem:$0x29A0]  }
0x101: {  	v3 =	vadd.s32 v1, v3  }
0x102: {  	v4 =	vadd.s32 v1, v59;
	[tilespmem:$0x2A40] =	vst v3  }
0x103: {  	v63 =	vadd.s32 v1, v61;
	[tilespmem:$0x2A30] =	vst v4  }
0x104: {  	v3 =	vadd.s32 v1, v60;
	[tilespmem:$0x2A00] =	vst v63  }
0x105: {  	[tilespmem:$0x2A10] =	vst v3;
	v3 =	vadd.s32 v1, v62  }
0x106: {  	p1 =	sne.s32 s0, $0x1E0;
	[tilespmem:$0x2A20] =	vst v3  }
0x107: {  	[tilespmem:s7], [sflag:$0x2] =	stream.indirect.gather [hbm4b:s21+s30], $0x80, s6, s30, $0xb8;
	[tilespmem:$0x1CA00] =	vst v63  }
.Ltmp1:
0x108: {  	_ =	swait.ge [sflag:s23], $0x2800;
	(pc) =	sbr.rel @p1 .LBB2_4-.Ltmp1, $4  }
0x109: {  	[sflag:s23] =	ssyncset.done $0x0  }
0x10a: {  	[sflag:s23] =	ssyncadd.s32 $0xFFFFD800  }
0x10b: {  	[spmem:s3] =	stream.indirect.scatter.add.f32 [tilespmem:s15], [sflag:$0x3], $0x80, s29, s30, $0xb8;
	[tilespmem:$0x1CA00] =	vst v63  }
0x10c: {  	s0 =	sadd.s32 $0x14, s0;
	_ =	swait.ge [sflag:s24], $0x2800  }
0x10d: {  	[sflag:s24] =	ssyncset.done $0x0  }
0x10e: {  	[sflag:s24] =	ssyncadd.s32 $0xFFFFD800  }
0x10f: {  	[spmem:s3] =	stream.indirect.scatter.add.f32 [tilespmem:s7], [sflag:$0x4], $0x80, s5, s30, $0xb8;
	[tilespmem:$0x1CA00] =	vst v63  }
0x110: {  	_ =	swait.ge [sflag:s25], $0x2800  }
0x111: {  	[sflag:s25] =	ssyncset.done $0x0  }
0x112: {  	[sflag:s25] =	ssyncadd.s32 $0xFFFFD800  }
0x113: {  	_ =	swait.ge [sflag:s26], $0x2800  }
0x114: {  	[sflag:s26] =	ssyncset.done $0x0  }
0x115: {  	s0 =	sadd.s32 $0x0, s18;
	[sflag:s26] =	ssyncadd.s32 $0xFFFFD800  }
0x116: {  	[tilespmem:s4], [sflag:$0x5] =	stream.linear.gather [hbm4b:s0+s4], $0x50, $0x38;
	[tilespmem:$0x1CA00] =	vst v63  }
0x117: {  	_ =	swait.ge [sflag:s28], $0x50  }
0x118: {  	[sflag:s28] =	ssyncset.done $0x0  }
0x119: {  	s11 =	sadd.s32 $0x0, s17;
	[sflag:s28] =	ssyncadd.s32 $0xFFFFFFB0  }
0x11a: {  	[tilespmem:s29], [sflag:$0x5] =	stream.linear.gather [hbm4b:s11+s4], $0x50, $0x38;
	[tilespmem:$0x1CA00] =	vst v63  }
0x11b: {  	_ =	swait.ge [sflag:s28], $0x50  }
0x11c: {  	[sflag:s28] =	ssyncset.done $0x0  }
0x11d: {  	[sflag:s28] =	ssyncadd.s32 $0xFFFFFFB0  }
0x11e: {  	v3 =	vld [tilespmem:$0x40]  }
0x11f: {  	v4 =	vld [tilespmem:$0x20]  }
0x120: {  	v6 =	vld [tilespmem:$0x0]  }
0x121: {  	v5 =	vld [tilespmem:$0x10]  }
0x122: {  	v7 =	vld [tilespmem:$0x30]  }
0x123: {  	v3 =	vadd.s32 v2, v3  }
0x124: {  	v4 =	vadd.s32 v2, v4;
	[tilespmem:$0xC0] =	vst v3  }
0x125: {  	v58 =	vadd.s32 v2, v6;
	[tilespmem:$0xA0] =	vst v4  }
0x126: {  	v3 =	vadd.s32 v2, v5;
	[tilespmem:$0x80] =	vst v58  }
0x127: {  	[tilespmem:$0x90] =	vst v3;
	v3 =	vadd.s32 v2, v7  }
0x128: {  	[tilespmem:$0xB0] =	vst v3  }
0x129: {  	[tilespmem:s15], [sflag:$0x1] =	stream.indirect.gather [hbm4b:s21+s30], $0x80, s31, s30, $0xb8;
	[tilespmem:$0x1CA00] =	vst v63  }
0x12a: {  	s12 =	sadd.s32 $0x0, s20  }
0x12b: {  	[tilespmem:s1], [sflag:$0x5] =	stream.linear.gather [hbm4b:s12+s4], $0x50, $0x38;
	[tilespmem:$0x1CA00] =	vst v63  }
0x12c: {  	_ =	swait.ge [sflag:s28], $0x50  }
0x12d: {  	[sflag:s28] =	ssyncset.done $0x0  }
0x12e: {  	s22 =	sadd.s32 $0x0, s19;
	[sflag:s28] =	ssyncadd.s32 $0xFFFFFFB0  }
0x12f: {  	[tilespmem:s5], [sflag:$0x5] =	stream.linear.gather [hbm4b:s22+s4], $0x50, $0x38;
	[tilespmem:$0x1CA00] =	vst v63  }
0x130: {  	_ =	swait.ge [sflag:s28], $0x50  }
0x131: {  	[sflag:s28] =	ssyncset.done $0x0  }
0x132: {  	[sflag:s28] =	ssyncadd.s32 $0xFFFFFFB0  }
0x133: {  	v3 =	vld [tilespmem:$0x29C0]  }
0x134: {  	v59 =	vld [tilespmem:$0x29B0]  }
0x135: {  	v61 =	vld [tilespmem:$0x2980]  }
0x136: {  	v60 =	vld [tilespmem:$0x2990]  }
0x137: {  	v62 =	vld [tilespmem:$0x29A0]  }
0x138: {  	v3 =	vadd.s32 v2, v3  }
0x139: {  	v4 =	vadd.s32 v2, v59;
	[tilespmem:$0x2A40] =	vst v3  }
0x13a: {  	v63 =	vadd.s32 v2, v61;
	[tilespmem:$0x2A30] =	vst v4  }
0x13b: {  	v3 =	vadd.s32 v2, v60;
	[tilespmem:$0x2A00] =	vst v63  }
0x13c: {  	[tilespmem:$0x2A10] =	vst v3;
	v3 =	vadd.s32 v2, v62  }
0x13d: {  	[tilespmem:$0x2A20] =	vst v3  }
0x13e: {  	[tilespmem:s7], [sflag:$0x2] =	stream.indirect.gather [hbm4b:s21+s30], $0x80, s6, s30, $0xb8;
	[tilespmem:$0x1CA00] =	vst v63  }
0x13f: {  	_ =	swait.ge [sflag:s23], $0x2800  }
0x140: {  	[sflag:s23] =	ssyncset.done $0x0  }
0x141: {  	[sflag:s23] =	ssyncadd.s32 $0xFFFFD800  }
0x142: {  	s22 =	rddreg [dreg:$0x4]  }
0x143: {  	[spmem:s22] =	stream.indirect.scatter.add.f32 [tilespmem:s15], [sflag:$0x3], $0x80, s29, s30, $0xb8;
	[tilespmem:$0x1CA00] =	vst v63  }
0x144: {  	_ =	swait.ge [sflag:s24], $0x2800  }
0x145: {  	s9 =	rddreg [dreg:$0xa]  }
0x146: {  	s10 =	rddreg [dreg:$0xb]  }
0x147: {  	s0 =	simm.s32 $0x14;
	s11 =	rddreg [dreg:$0xc]  }
.LBB2_6:
0x148: {  	p1 =	sne.s32 s0, $0x1E0  }
0x149: {  	[sflag:s24] =	ssyncset.done $0x0;
	s2 =	smov.u32 s0;
	s0 =	sadd.s32 $0x14, s0  }
0x14a: {  	[sflag:s24] =	ssyncadd.s32 $0xFFFFD800  }
0x14b: {  	[spmem:s22] =	stream.indirect.scatter.add.f32 [tilespmem:s7], [sflag:$0x4], $0x80, s5, s30, $0xb8;
	[tilespmem:$0x1CA00] =	vst v63  }
0x14c: {  	_ =	swait.ge [sflag:s25], $0x2800  }
0x14d: {  	[sflag:s25] =	ssyncset.done $0x0  }
0x14e: {  	[sflag:s25] =	ssyncadd.s32 $0xFFFFD800  }
0x14f: {  	_ =	swait.ge [sflag:s26], $0x2800  }
0x150: {  	[sflag:s26] =	ssyncset.done $0x0  }
0x151: {  	s3 =	sadd.s32 s2, s18;
	[sflag:s26] =	ssyncadd.s32 $0xFFFFD800  }
0x152: {  	[tilespmem:s4], [sflag:$0x5] =	stream.linear.gather [hbm4b:s3+s4], $0x50, $0x38;
	[tilespmem:$0x1CA00] =	vst v63  }
0x153: {  	_ =	swait.ge [sflag:s28], $0x50  }
0x154: {  	[sflag:s28] =	ssyncset.done $0x0  }
0x155: {  	s3 =	sadd.s32 s2, s17;
	[sflag:s28] =	ssyncadd.s32 $0xFFFFFFB0  }
0x156: {  	[tilespmem:s29], [sflag:$0x5] =	stream.linear.gather [hbm4b:s3+s4], $0x50, $0x38;
	[tilespmem:$0x1CA00] =	vst v63  }
0x157: {  	_ =	swait.ge [sflag:s28], $0x50  }
0x158: {  	[sflag:s28] =	ssyncset.done $0x0  }
0x159: {  	[sflag:s28] =	ssyncadd.s32 $0xFFFFFFB0  }
0x15a: {  	v3 =	vld [tilespmem:$0x40]  }
0x15b: {  	v4 =	vld [tilespmem:$0x20]  }
0x15c: {  	v5 =	vld [tilespmem:$0x10]  }
0x15d: {  	v6 =	vld [tilespmem:$0x0]  }
0x15e: {  	v7 =	vld [tilespmem:$0x30]  }
0x15f: {  	v3 =	vadd.s32 v2, v3  }
0x160: {  	v4 =	vadd.s32 v2, v4;
	[tilespmem:$0xC0] =	vst v3  }
0x161: {  	v3 =	vadd.s32 v2, v5;
	[tilespmem:$0xA0] =	vst v4  }
0x162: {  	v4 =	vadd.s32 v2, v6;
	[tilespmem:$0x90] =	vst v3  }
0x163: {  	[tilespmem:$0x80] =	vst v4;
	v3 =	vadd.s32 v2, v7  }
0x164: {  	[tilespmem:$0xB0] =	vst v3  }
0x165: {  	[tilespmem:s15], [sflag:$0x1] =	stream.indirect.gather [hbm4b:s21+s30], $0x80, s31, s30, $0xb8;
	[tilespmem:$0x1CA00] =	vst v63  }
0x166: {  	s3 =	sadd.s32 s2, s20  }
0x167: {  	[tilespmem:s1], [sflag:$0x5] =	stream.linear.gather [hbm4b:s3+s4], $0x50, $0x38;
	[tilespmem:$0x1CA00] =	vst v63  }
0x168: {  	_ =	swait.ge [sflag:s28], $0x50  }
0x169: {  	[sflag:s28] =	ssyncset.done $0x0  }
0x16a: {  	s2 =	sadd.s32 s2, s19;
	[sflag:s28] =	ssyncadd.s32 $0xFFFFFFB0  }
0x16b: {  	[tilespmem:s5], [sflag:$0x5] =	stream.linear.gather [hbm4b:s2+s4], $0x50, $0x38;
	[tilespmem:$0x1CA00] =	vst v63  }
0x16c: {  	_ =	swait.ge [sflag:s28], $0x50  }
0x16d: {  	[sflag:s28] =	ssyncset.done $0x0  }
0x16e: {  	[sflag:s28] =	ssyncadd.s32 $0xFFFFFFB0  }
0x16f: {  	v3 =	vld [tilespmem:$0x29C0]  }
0x170: {  	v4 =	vld [tilespmem:$0x29B0]  }
0x171: {  	v5 =	vld [tilespmem:$0x2990]  }
0x172: {  	v6 =	vld [tilespmem:$0x2980]  }
0x173: {  	v7 =	vld [tilespmem:$0x29A0]  }
0x174: {  	v3 =	vadd.s32 v2, v3  }
0x175: {  	v4 =	vadd.s32 v2, v4;
	[tilespmem:$0x2A40] =	vst v3  }
0x176: {  	v3 =	vadd.s32 v2, v5;
	[tilespmem:$0x2A30] =	vst v4  }
0x177: {  	v4 =	vadd.s32 v2, v6;
	[tilespmem:$0x2A10] =	vst v3  }
0x178: {  	[tilespmem:$0x2A00] =	vst v4;
	v3 =	vadd.s32 v2, v7  }
0x179: {  	[tilespmem:$0x2A20] =	vst v3  }
0x17a: {  	[tilespmem:s7], [sflag:$0x2] =	stream.indirect.gather [hbm4b:s21+s30], $0x80, s6, s30, $0xb8;
	[tilespmem:$0x1CA00] =	vst v63  }
.Ltmp2:
0x17b: {  	_ =	swait.ge [sflag:s23], $0x2800;
	(pc) =	sbr.rel @p1 .LBB2_6-.Ltmp2, $4  }
0x17c: {  	[sflag:s23] =	ssyncset.done $0x0  }
0x17d: {  	[sflag:s23] =	ssyncadd.s32 $0xFFFFD800  }
0x17e: {  	[spmem:s22] =	stream.indirect.scatter.add.f32 [tilespmem:s15], [sflag:$0x3], $0x80, s29, s30, $0xb8;
	[tilespmem:$0x1CA00] =	vst v63  }
0x17f: {  	_ =	swait.ge [sflag:s24], $0x2800  }
0x180: {  	[sflag:s24] =	ssyncset.done $0x0  }
0x181: {  	[sflag:s24] =	ssyncadd.s32 $0xFFFFD800  }
0x182: {  	[spmem:s22] =	stream.indirect.scatter.add.f32 [tilespmem:s7], [sflag:$0x4], $0x80, s5, s30, $0xb8;
	[tilespmem:$0x1CA00] =	vst v63  }
0x183: {  	_ =	swait.ge [sflag:s25], $0x2800  }
0x184: {  	[sflag:s25] =	ssyncset.done $0x0  }
0x185: {  	[sflag:s25] =	ssyncadd.s32 $0xFFFFD800  }
0x186: {  	_ =	swait.ge [sflag:s26], $0x2800  }
0x187: {  	[sflag:s26] =	ssyncset.done $0x0  }
0x188: {  	[sflag:s26] =	ssyncadd.s32 $0xFFFFD800  }
0x189: {  	[bflag:$0x0] =	sbarrier.arrive $0xFFFF  }
0x18a: {  	s0 =	rddreg [dreg:$0x6]  }
0x18b: {  	s3 =	rddreg [dreg:$0x14]  }
0x18c: {  	s2 =	rddreg [dreg:$0x15]  }
0x18d: {  	[hbm:s0], [sflag:s3] =	dma.local @!p0 [spmem:s2], $0x1900  }
0x18e: {  	s0 =	simm.s32 @!p0 $0x5  }
0x18f: {  	_ =	swait.ge @!p0 [sflag:s0], $0x1900  }
0x190: {  	[sflag:s0] =	ssyncset.done @!p0 $0x0;
	s2 =	rddreg [dreg:$0x7]  }
0x191: {  	s22 =	rddreg [dreg:$0x16];
	[sflag:s0] =	ssyncadd.s32 @!p0 $0xFFFFE700  }
0x192: {  	[hbm:s2], [sflag:s3] =	dma.local @!p0 [spmem:s22], $0x1900  }
0x193: {  	_ =	swait.ge @!p0 [sflag:s0], $0x1900  }
0x194: {  	[sflag:s0] =	ssyncset.done @!p0 $0x0;
	s2 =	rddreg [dreg:$0x8]  }
0x195: {  	s22 =	rddreg [dreg:$0x17];
	[sflag:s0] =	ssyncadd.s32 @!p0 $0xFFFFE700  }
0x196: {  	[hbm:s2], [sflag:s3] =	dma.local @!p0 [spmem:s22], $0x1900  }
0x197: {  	_ =	swait.ge @!p0 [sflag:s0], $0x1900  }
0x198: {  	s3 =	rddreg [dreg:$0x13]  }
0x199: {  	s12 =	rddreg [dreg:$0x12];
	s22 =	sadd.s32 $0x1, s3  }
0x19a: {  	p1 =	sne.s32 s22, s12  }
.Ltmp3:
0x19b: {  	_ = 	snop;
	(pc) =	sbr.rel @p1 .LBB2_1-.Ltmp3, $3  }
0x19c: {  	_ =	sdelay $0x1  }
0x19d: {  	[sflag:s0] =	ssyncset.done @!p0 $0x0  }
0x19e: {  	[sflag:s0] =	ssyncadd.s32 @!p0 $0xFFFFE700;
	s3 =	smov.u32 s8;
	s8 =	rddreg [dreg:$0x9]  }
0x19f: {  	_ =	sfence.sel $0x180000  }
0x1a0: {  	[bflag:$0x0] =	sbarrier.arrive $0xFFFF  }
0x1a1: {  	_ =	strace $0x9000004A  }
0x1a2: {  	s0 =	stileid.u32;
	[bflag:$0x2] =	sbarrier.arrive $0xFFFF  }
0x1a3: {  	p0 =	sne.s32 s0, $0x0;
	s0 =	rddreg [dreg:$0x5]  }
0x1a4: {  	s0 =	sadd.s32 @!p0 $0x100000, s0  }
0x1a5: {  	[sflag:s0] =	ssyncadd.tile.s32 @!p0 $0x1;
	_ =	shalt  }
.Lfunc_end2:
_tile_overlayer_lowered:
.L_overlay_start_2:
0x1a6: {  	(tag) =	ssettag $0x2  }
0x1a7: {  	s0 =	rddreg [dreg:$0x0];
	s2 =	stileid.u32  }
0x1a8: {  	s1 =	rddreg [dreg:$0x1];
	p0 =	sne.s32 s2, $0x0  }
0x1a9: {  	s3 =	rddreg [dreg:$0x2];
	[bflag:$0x3] =	sbarrier.arrive $0xFFFF;
	s2 =	simm.s32 @!p0 $0x1C05  }
0x1aa: {  	[timem:s3], [sflag:s2] =	dma.local @!p0 [hbm:s0], s1  }
0x1ab: {  	s0 =	simm.s32 @!p0 $0x5  }
0x1ac: {  	_ =	swait.ge @!p0 [sflag:s0], s1  }
0x1ad: {  	s1 =	ssub.s32 @!p0 $0x0, s1;
	[sflag:s0] =	ssyncset.done @!p0 $0x0  }
0x1ae: {  	[sflag:s0] =	ssyncadd.s32 @!p0 s1  }
0x1af: {  	[bflag:$0x3] =	sbarrier.arrive $0xFFFF  }
0x1b0: {  	_ =	shalt  }

// kernel: kernel.7.cloned.1.call-start
scs
__scs_entry_jumppad:
0x0: {  	(pc) =	sbr.rel $0x88, $3  }
0x1: {  	(tag) =	ssettag $0x0;
	lr =	simm.s32 $0x1  }
0x2: {  	[smem:$0x3F92] =	sst lr;
	_ =	strace $0xD0000000  }
0x3: {  	_ = 	snop  }
0x4: {  	_ = 	snop  }
0x5: {  	_ = 	snop  }
0x6: {  	_ = 	snop  }
0x7: {  	_ = 	snop  }
__scs_overlays_trampoline_lowered:
0x8: {  	[smem:$0x3FA1] =	sst s0  }
0x9: {  	[smem:$0x3FA2] =	sst s1  }
0xa: {  	[smem:$0x3FA3] =	sst s2  }
0xb: {  	[smem:$0x3FA4] =	sst s3  }
0xc: {  	[smem:$0x3FA5] =	sst s4  }
0xd: {  	[smem:$0x3FA6] =	sst s5  }
0xe: {  	[smem:$0x3FA7] =	sst s6  }
0xf: {  	[smem:$0x3FA8] =	sst s7  }
0x10: {  	[smem:$0x3FA9] =	sst s8  }
0x11: {  	[smem:$0x3FAA] =	sst s9;
	s0 =	simm.s32 @!p0 $0x0  }
0x12: {  	s1 =	sld [smem:$0x3F90];
	s0 =	simm.s32 @p0 $0x1  }
0x13: {  	[smem:$0x3FAB] =	sst s0;
	s0 =	simm.s32 @!p1 $0x0  }
0x14: {  	s2 =	sld [smem:$0x3F8F];
	s0 =	simm.s32 @p1 $0x1  }
0x15: {  	[smem:$0x3FAC] =	sst s0;
	s0 =	simm.s32 @!p2 $0x0  }
0x16: {  	s3 =	sld [smem:$0x3FDB];
	s0 =	simm.s32 @p2 $0x1  }
0x17: {  	s4 =	simm.s32 $0x1BF5;
	[smem:$0x3FAE] =	sst s0  }
0x18: {  	s0 =	sld [smem:$0x3F91];
	_ =	swait.ge [sflag:s4], $0x0  }
0x19: {  	s7 =	sld [smem:$0x3F92]  }
0x1a: {  	s8 =	sadd.s32 $0xFFFFE003, lr  }
0x1b: {  	s9 =	sadd.s32 $0xFFFFFEF7, lr;
	s5 =	simm.s32 $0xFFFFFFFF;
	p2 =	slt.u32 s8, $0xFFFFF086  }
0x1c: {  	p1 =	slt.u32 s9, $0xF7A;
	s5 =	simm.s32 @!p2 $0x0  }
0x1d: {  	s5 =	simm.s32 @p1 $0x1;
	p0 =	seq.s32 s7, s2  }
0x1e: {  	s7 =	smul.u32 @!p0 $0xF7A, s2;
	p2 =	seq.s32 @!p0 s5, $0x0  }
0x1f: {  	s9 =	smul.u32 $0xF7A, s1;
	s8 =	simm.s32 @!p0 $0x1BF5;
	p2 =	por !p2, p0  }
0x20: {  	[sflag:s8] =	ssyncset.s32 @!p0 $0xFFFFF086;
	s6 =	sadd.s32 @!p0 s3, s7;
	s7 =	simm.s32 @!p0 $0x108  }
0x21: {  	s3 =	sadd.s32 s3, s9;
	s6 =	sadd.s32 @!p0 $0x88, s6;
	s7 =	simm.s32 @p2 $0x1082  }
0x22: {  	[simem:s7], [sflag:s8] =	dma.local @!p0 [hbm:s6], $0xF7A  }
0x23: {  	s9 =	sor.u32 $0xD0000000, s2;
	s6 =	simm.s32 $0x108;
	_ =	swait.ge @!p0 [sflag:s8], $0x0  }
0x24: {  	s3 =	sadd.s32 $0x88, s3;
	s6 =	simm.s32 @!p1 $0x1082;
	[sflag:s4] =	ssyncset.s32 $0xFFFFF086  }
0x25: {  	[simem:s6], [sflag:s4] =	dma.local [hbm:s3], $0xF7A  }
0x26: {  	[smem:$0x3F92] =	sst s1;
	(tag) =	ssettag s2;
	_ =	strace s9  }
0x27: {  	s1 =	sld [smem:$0x3FA2]  }
0x28: {  	s2 =	sld [smem:$0x3FA3]  }
0x29: {  	s4 =	sld [smem:$0x3FA5]  }
0x2a: {  	p0 =	seq.s32 s5, $0x0;
	s5 =	sld [smem:$0x3FA6]  }
0x2b: {  	s6 =	sld [smem:$0x3FA7]  }
0x2c: {  	s7 =	sld [smem:$0x3FA8]  }
0x2d: {  	s3 =	simm.s32 $0x108;
	s8 =	sld [smem:$0x3FA9]  }
0x2e: {  	s3 =	simm.s32 @!p0 $0x1082;
	s9 =	sld [smem:$0x3FAA]  }
0x2f: {  	lr =	sadd.s32 s0, s3;
	s0 =	sld [smem:$0x3FA1]  }
0x30: {  	s3 =	sld [smem:$0x3FA4]  }
0x31: {  	[smem:$0x3FAD] =	sst s10  }
0x32: {  	s10 =	sld [smem:$0x3FAB];
	_ =	sdelay $0x3  }
0x33: {  	p0 =	seq.s32 s10, $0x1;
	s10 =	sld [smem:$0x3FAD];
	_ =	sdelay $0x3  }
0x34: {  	[smem:$0x3FAD] =	sst s10  }
0x35: {  	s10 =	sld [smem:$0x3FAC];
	_ =	sdelay $0x3  }
0x36: {  	p1 =	seq.s32 s10, $0x1;
	s10 =	sld [smem:$0x3FAD];
	_ =	sdelay $0x3  }
0x37: {  	[smem:$0x3FAD] =	sst s10  }
0x38: {  	s10 =	sld [smem:$0x3FAE]  }
0x39: {  	_ = 	snop;
	(pc) =	sbr.ind lr, $3  }
0x3a: {  	_ = 	snop  }
0x3b: {  	_ = 	snop  }
0x3c: {  	p2 =	seq.s32 s10, $0x1;
	s10 =	sld [smem:$0x3FAD]  }
0x3d: {  	_ =	shalt  }
0x3e: {  	_ =	shalt  }
0x3f: {  	_ =	shalt  }
0x40: {  	_ =	shalt  }
0x41: {  	_ =	shalt  }
0x42: {  	_ =	shalt  }
0x43: {  	_ =	shalt  }
0x44: {  	_ =	shalt  }
0x45: {  	_ =	shalt  }
0x46: {  	_ =	shalt  }
0x47: {  	_ =	shalt  }
0x48: {  	_ =	shalt  }
0x49: {  	_ =	shalt  }
0x4a: {  	_ =	shalt  }
0x4b: {  	_ =	shalt  }
0x4c: {  	_ =	shalt  }
0x4d: {  	_ =	shalt  }
0x4e: {  	_ =	shalt  }
0x4f: {  	_ =	shalt  }
0x50: {  	_ =	shalt  }
0x51: {  	_ =	shalt  }
0x52: {  	_ =	shalt  }
0x53: {  	_ =	shalt  }
0x54: {  	_ =	shalt  }
0x55: {  	_ =	shalt  }
0x56: {  	_ =	shalt  }
0x57: {  	_ =	shalt  }
0x58: {  	_ =	shalt  }
0x59: {  	_ =	shalt  }
0x5a: {  	_ =	shalt  }
0x5b: {  	_ =	shalt  }
0x5c: {  	_ =	shalt  }
0x5d: {  	_ =	shalt  }
0x5e: {  	_ =	shalt  }
0x5f: {  	_ =	shalt  }
0x60: {  	_ =	shalt  }
0x61: {  	_ =	shalt  }
0x62: {  	_ =	shalt  }
0x63: {  	_ =	shalt  }
0x64: {  	_ =	shalt  }
0x65: {  	_ =	shalt  }
0x66: {  	_ =	shalt  }
0x67: {  	_ =	shalt  }
0x68: {  	_ =	shalt  }
0x69: {  	_ =	shalt  }
0x6a: {  	_ =	shalt  }
0x6b: {  	_ =	shalt  }
0x6c: {  	_ =	shalt  }
0x6d: {  	_ =	shalt  }
0x6e: {  	_ =	shalt  }
0x6f: {  	_ =	shalt  }
0x70: {  	_ =	shalt  }
0x71: {  	_ =	shalt  }
0x72: {  	_ =	shalt  }
0x73: {  	_ =	shalt  }
0x74: {  	_ =	shalt  }
0x75: {  	_ =	shalt  }
0x76: {  	_ =	shalt  }
0x77: {  	_ =	shalt  }
0x78: {  	_ =	shalt  }
0x79: {  	_ =	shalt  }
0x7a: {  	_ =	shalt  }
0x7b: {  	_ =	shalt  }
0x7c: {  	_ =	shalt  }
0x7d: {  	_ =	shalt  }
0x7e: {  	_ =	shalt  }
0x7f: {  	_ =	shalt  }
0x80: {  	_ =	shalt  }
0x81: {  	_ =	shalt  }
0x82: {  	_ =	shalt  }
0x83: {  	_ =	shalt  }
0x84: {  	_ =	shalt  }
0x85: {  	_ =	shalt  }
0x86: {  	_ =	shalt  }
0x87: {  	_ =	shalt  }
.Lfunc_end0:
.L_simem_size_0:
called_computation_lowered:
.L_overlay_start_0:
0x88: {  	s2 =	sld [smem:$0x3FD9]  }
0x89: {  	s3 =	sld [smem:$0x3FFE];
	_ =	sdelay $0x1  }
0x8a: {  	s1 =	srdreg.scid  }
0x8b: {  	s0 =	sand.u32 $0x1, s1  }
0x8c: {  	s14 =	sshll.u32 s0, $0xA;
	s2 =	sadd.s32 s3, s2  }
0x8d: {  	s2 =	sadd.s32 s2, s14  }
0x8e: {  	[smem:$0x3FB9] =	sst s2  }
0x8f: {  	_ = 	snop  }
0x90: {  	s2 =	sld [smem:$0x3FD0];
	_ =	sdelay $0x2  }
0x91: {  	s15 =	simm.s32 $0xA;
	s4 =	simm.s32 $0x10  }
0x92: {  	[smem:s4], [sflag:s15] =	dma.local [hbm:s2], $0x1  }
0x93: {  	_ =	swait.eq [sflag:s15], $0x1  }
0x94: {  	[sflag:s15] =	ssyncset.done $0x0  }
0x95: {  	s16 =	sld [smem:$0x11];
	[sflag:s15] =	ssyncadd.s32 $0xFFFFFFFF  }
0x96: {  	s17 =	sld [smem:$0x13];
	(tm) =	ssettm $0x1  }
0x97: {  	s18 =	sld [smem:$0x3FFB];
	_ =	sdelay $0x3  }
0x98: {  	_ =	strace s18  }
0x99: {  	s4 =	sld [smem:$0x3FFC];
	_ =	sdelay $0x3  }
0x9a: {  	_ =	strace s4  }
0x9b: {  	s4 =	sld [smem:$0x3FFD];
	_ =	sdelay $0x3  }
0x9c: {  	_ =	strace s4  }
0x9d: {  	_ =	strace $0x8FFFFFFF  }
0x9e: {  	s19 =	sld [smem:$0x3FDB];
	_ =	sdelay $0x1  }
0x9f: {  	s5 =	simm.s32 $_scs_section_size  }
0xa0: {  	s6 =	simm.s32 $_size__tile_overlayer_lowered;
	s7 =	simm.s32 $_tile_overlayer_lowered  }
0xa1: {  	s22 =	simm.s32 $0x1BFF;
	s21 =	sshll.u32 s7, $0x1;
	s4 =	sadd.s32 s5, s19  }
0xa2: {  	s8 =	simm.s32 $0x0;
	s20 =	sshll.u32 s6, $0x1;
	s6 =	sadd.s32 s21, s4  }
0xa3: {  	[timem:s8], [sflag:s22] =	dma.local [hbm:s6], s20  }
0xa4: {  	_ =	swait.ge [sflag:s22], s20  }
0xa5: {  	s5 =	ssub.s32 $0x0, s20;
	[sflag:s22] =	ssyncset.done $0x0  }
0xa6: {  	[sflag:s22] =	ssyncadd.s32 s5;
	_ =	sdelay $0x1  }
0xa7: {  	s23 =	simm.s32 $0x1B8B  }
0xa8: {  	_ =	swait.ge [sflag:s23], $0x1  }
0xa9: {  	[sflag:s23] =	ssyncset.done $0x0  }
0xaa: {  	s25 =	simm.s32 $0x1B8E;
	s24 =	sld [smem:$0x3FFE];
	[sflag:s23] =	ssyncadd.s32 $0xFFFFFFFF  }
0xab: {  	s26 =	simm.s32 $execute0_lowered;
	[smem:$0x3FD2] =	sst s25  }
0xac: {  	s6 =	sshll.u32 s26, $0x1;
	_ =	strace $0x80000046;
	[dreg:$0x1] =	wrdreg $0xFFFFFFFF  }
0xad: {  	s28 =	simm.s32 $_size_execute0_lowered;
	s4 =	sadd.s32 s4, s6;
	[dreg:$0x0] =	wrdreg $0x0  }
0xae: {  	s6 =	sshll.u32 s28, $0x1;
	[dreg:$0x2] =	wrdreg s4  }
0xaf: {  	[dreg:$0x3] =	wrdreg s6  }
0xb0: {  	[dreg:$0x4] =	wrdreg $0xC0  }
0xb1: {  	_ =	task [dreg:s8], $0x5FFFF  }
0xb2: {  	[dreg:$0x1] =	wrdreg $0xFFFFFFFF  }
0xb3: {  	[dreg:$0x0] =	wrdreg $0x60  }
0xb4: {  	[dreg:$0x2] =	wrdreg s17  }
0xb5: {  	[dreg:$0x3] =	wrdreg s16  }
0xb6: {  	[dreg:$0x4] =	wrdreg s24  }
0xb7: {  	[dreg:$0x5] =	wrdreg $0x29000  }
0xb8: {  	[dreg:$0x6] =	wrdreg $0xA6000  }
0xb9: {  	[dreg:$0x7] =	wrdreg $0x123000  }
0xba: {  	[dreg:$0x8] =	wrdreg $0x9  }
0xbb: {  	_ =	task.clear_ibuf [dreg:s8], $0x9FFFF;
	_ =	strace $0x90000046  }
0xbc: {  	s29 =	simm.s32 $0x9;
	_ =	strace $0x80000048  }
0xbd: {  	_ =	swait.ge [sflag:s29], $0x1  }
0xbe: {  	[sflag:s29] =	ssyncadd.s32 $0xFFFFFFFF  }
0xbf: {  	_ =	strace $0x90000048  }
0xc0: {  	_ =	sfence  }
0xc1: {  	s30 =	sld [smem:$0x0];
	_ =	sdelay $0x2  }
0xc2: {  	s31 =	sshll.u32 s1, $0xD;
	s1 =	sshrl.u32 s1, $0x2  }
0xc3: {  	s3 =	sand.u32 $0x4000, s31;
	s1 =	sadd.s32 s1, s30  }
0xc4: {  	s0 =	sor.u32 s3, s0;
	s1 =	sshll.u32 s1, $0x11  }
0xc5: {  	s0 =	sor.u32 s1, s0  }
0xc6: {  	s0 =	sadd.s32 $0x8F2B, s0  }
0xc7: {  	[sflag:s0] =	ssyncadd.remote.s32 $0x1  }
0xc8: {  	_ =	sfence.sel $0xFFFF  }
0xc9: {  	[dreg:$0x0] =	wrdreg $0xFFFFFFFF;
	(pc) =	sbr.abs _section_cstart, $3  }
0xca: {  	[dreg:$0x1] =	wrdreg $0xFFFFFFFF  }
0xcb: {  	_ =	task.clear_ibuf [dreg:s8], $0x2FFFF;
	_ =	strace $0x9FFFFFFF  }
0xcc: {  	(tm) =	ssettm $0x7FFFFFFF  }
0xcd: {  	_ =	shalt  }
tec
execute0_lowered:
.L_overlay_start_1:
0x0: {  	(tag) =	ssettag $0x1  }
0x1: {  	s0 =	rddreg [dreg:$0x0]  }
0x2: {  	s1 =	rddreg [dreg:$0x2]  }
0x3: {  	s3 =	rddreg [dreg:$0x3]  }
0x4: {  	s4 =	rddreg [dreg:$0x4];
	s7 =	stileid.u32  }
0x5: {  	s5 =	rddreg [dreg:$0x5];
	s8 =	smul.u32 $0x190, s7  }
0x6: {  	s2 =	srdreg.scid;
	s9 =	smul.u32 $0xC800, s7  }
0x7: {  	s6 =	simm.s32 $0x0;
	s2 =	sand.u32 $0x1, s2;
	s14 =	smul.u32 $0xFA0, s7  }
0x8: {  	s31 =	simm.s32 $0x100;
	[smem:$0x7FF] =	sst s6;
	s10 =	smul.u32 $0x6, s2  }
0x9: {  	s11 =	sadd.s32 $0x5600, s1;
	s1 =	sadd.s32 $0x7000, s1;
	s30 =	smul.u32 $0x5DC00, s2  }
0xa: {  	p0 =	sgt.u32 s7, $0x9;
	s12 =	ssub.s32 $0x2, s2;
	s2 =	smul.u32 $0x5DC0, s2  }
0xb: {  	_ =	strace $0x80000047;
	[dreg:$0x7] =	wrdreg s11;
	s10 =	sor.u32 $0x1, s10  }
0xc: {  	s13 =	sshrl.u32 s12, $0x1;
	s2 =	sadd.s32 s8, s2;
	s10 =	smul.u32 $0xFA0, s10  }
0xd: {  	s15 =	sadd.s32 s9, s3;
	s23 =	ssub.s32 s12, s13;
	s2 =	sshll.u32 s2, $0x4  }
0xe: {  	[dreg:$0x8] =	wrdreg s15;
	s24 =	sadd.s32 s1, s2;
	s8 =	sadd.s32 s8, s10  }
0xf: {  	[dreg:$0x9] =	wrdreg s24;
	s16 =	sshll.u32 s8, $0x4;
	s8 =	sadd.s32 s14, s30  }
0x10: {  	s1 =	sadd.s32 s1, s16;
	s17 =	sadd.s32 $0x50, s8;
	s18 =	sadd.s32 $0xFA00, s8  }
0x11: {  	s19 =	sshrl.u32 s8, $0x3;
	s20 =	sadd.s32 $0xFA50, s8;
	s21 =	sadd.s32 $0x1F400, s8  }
0x12: {  	s22 =	sadd.s32 $0x1F450, s8;
	s25 =	sadd.s32 $0x2EE00, s8;
	s26 =	sadd.s32 $0x2EE50, s8  }
0x13: {  	s28 =	sadd.s32 $0x3E800, s8;
	s29 =	sadd.s32 $0x3E850, s8;
	s30 =	sadd.s32 $0x4E200, s8  }
0x14: {  	s8 =	sadd.s32 $0x4E250, s8;
	[dreg:$0xa] =	wrdreg s1;
	s1 =	sshrl.u32 s17, $0x3  }
0x15: {  	s2 =	sshrl.u32 s18, $0x3;
	s11 =	sadd.s32 s19, s0;
	s10 =	sshrl.u32 s22, $0x3  }
0x16: {  	s8 =	sshrl.u32 s8, $0x3;
	s12 =	sadd.s32 s1, s0;
	s13 =	sadd.s32 s2, s0  }
0x17: {  	s1 =	sshrl.u32 s20, $0x3;
	s2 =	sshrl.u32 s21, $0x3;
	s16 =	sadd.s32 s10, s0  }
0x18: {  	s10 =	sshrl.u32 s28, $0x3;
	s22 =	sadd.s32 s8, s0;
	s8 =	sadd.s32 s9, s4  }
0x19: {  	s28 =	sadd.s32 $0x2EE00, s24;
	s14 =	sadd.s32 s1, s0;
	s15 =	sadd.s32 s2, s0  }
0x1a: {  	s1 =	sshrl.u32 s25, $0x3;
	s2 =	sshrl.u32 s26, $0x3;
	s19 =	sadd.s32 s10, s0  }
0x1b: {  	[dreg:$0xb] =	wrdreg s8;
	s10 =	sadd.s32 s9, s5;
	s25 =	smax.u32 s23, $0x1  }
0x1c: {  	s26 =	sadd.s32 $0x1F400, s24;
	[dreg:$0xf] =	wrdreg s28;
	s8 =	simm.s32 $0x1  }
0x1d: {  	s23 =	simm.s32 $0x0;
	s17 =	sadd.s32 s1, s0;
	[dreg:$0xc] =	wrdreg s10  }
0x1e: {  	s18 =	sadd.s32 s2, s0;
	s1 =	sshrl.u32 s29, $0x3;
	[dreg:$0xd] =	wrdreg s25  }
0x1f: {  	s2 =	sshrl.u32 s30, $0x3;
	[dreg:$0xe] =	wrdreg s26;
	s29 =	sadd.s32 $0x3E800, s24  }
0x20: {  	s30 =	sadd.s32 $0x4E200, s24;
	s10 =	simm.s32 $0x2;
	[dreg:$0x10] =	wrdreg s29  }
0x21: {  	s20 =	sadd.s32 s1, s0;
	s21 =	sadd.s32 s2, s0;
	[dreg:$0x11] =	wrdreg s30  }
0x22: {  	s0 =	simm.s32 $0x3;
	s1 =	simm.s32 $0x50;
	s2 =	simm.s32 $0x80  }
.LBB2_1:
0x23: {  	s7 =	rddreg [dreg:$0x1]  }
0x24: {  	[tilespmem:s31], [sflag:$0x3] =	stream.linear.gather [hbm4b:s7+s6], $0x2800, $0x38;
	[tilespmem:$0x1A000] =	vst v63  }
0x25: {  	s7 =	stileid.u32;
	_ =	swait.ge [sflag:s0], $0x2800  }
0x26: {  	s9 =	sshll.u32 @!p0 s7, $0x6;
	[sflag:s0] =	ssyncset.done $0x0;
	s7 =	rddreg [dreg:$0x8]  }
0x27: {  	s24 =	sor.u32 @!p0 $0x1C03, s9;
	s9 =	sshrl.u32 @!p0 s7, $0x3;
	s7 =	rddreg [dreg:$0x7]  }
0x28: {  	[sflag:s0] =	ssyncadd.s32 $0xFFFFD800;
	[dreg:$0x12] =	wrdreg s9  }
0x29: {  	[spmem:s9], [sflag:s24] =	dma.local @!p0 [hbm:s7], $0x1900  }
0x2a: {  	s9 =	simm.s32 @!p0 $0x3  }
0x2b: {  	_ =	swait.ge @!p0 [sflag:s9], $0x1900  }
0x2c: {  	s25 =	rddreg [dreg:$0xb]  }
0x2d: {  	[sflag:s9] =	ssyncset.done @!p0 $0x0;
	s25 =	sshrl.u32 @!p0 s25, $0x3  }
0x2e: {  	[sflag:s9] =	ssyncadd.s32 @!p0 $0xFFFFE700;
	[dreg:$0x13] =	wrdreg s25  }
0x2f: {  	[spmem:s25], [sflag:s24] =	dma.local @!p0 [hbm:s7], $0x1900  }
0x30: {  	_ =	swait.ge @!p0 [sflag:s9], $0x1900  }
0x31: {  	s25 =	rddreg [dreg:$0xc]  }
0x32: {  	[sflag:s9] =	ssyncset.done @!p0 $0x0;
	s25 =	sshrl.u32 @!p0 s25, $0x3  }
0x33: {  	[sflag:s9] =	ssyncadd.s32 @!p0 $0xFFFFE700;
	[dreg:$0x14] =	wrdreg s25  }
0x34: {  	[spmem:s25], [sflag:s24] =	dma.local @!p0 [hbm:s7], $0x1900  }
0x35: {  	_ =	swait.ge @!p0 [sflag:s9], $0x1900  }
0x36: {  	[sflag:s9] =	ssyncset.done @!p0 $0x0  }
0x37: {  	[sflag:s9] =	ssyncadd.s32 @!p0 $0xFFFFE700  }
0x38: {  	s28 =	sadd.s32 $0x0, s11;
	[bflag:$0x0] =	sbarrier.arrive $0xFFFF  }
0x39: {  	[tilespmem:s6], [sflag:$0x3] =	stream.linear.gather [hbm4b:s28+s6], $0x50, $0x38;
	[tilespmem:$0x1A000] =	vst v63  }
0x3a: {  	_ =	swait.ge [sflag:s0], $0x50  }
0x3b: {  	[sflag:s0] =	ssyncset.done $0x0  }
0x3c: {  	[sflag:s0] =	ssyncadd.s32 $0xFFFFFFB0  }
0x3d: {  	[spmem:s3] =	stream.indirect.scatter.add.f32 [tilespmem:s31], [sflag:$0x1], $0x80, s6, s1, $0xb8;
	[tilespmem:$0x1A000] =	vst v63  }
0x3e: {  	s29 =	sadd.s32 $0x0, s12  }
0x3f: {  	[tilespmem:s2], [sflag:$0x3] =	stream.linear.gather [hbm4b:s29+s6], $0x50, $0x38;
	[tilespmem:$0x1A000] =	vst v63  }
0x40: {  	_ =	swait.ge [sflag:s0], $0x50  }
0x41: {  	[sflag:s0] =	ssyncset.done $0x0  }
0x42: {  	[sflag:s0] =	ssyncadd.s32 $0xFFFFFFB0  }
0x43: {  	[spmem:s3] =	stream.indirect.scatter.add.f32 [tilespmem:s31], [sflag:$0x2], $0x80, s2, s1, $0xb8;
	[tilespmem:$0x1A000] =	vst v63  }
0x44: {  	_ =	swait.ge [sflag:s8], $0x2800  }
0x45: {  	[sflag:s8] =	ssyncset.done $0x0  }
0x46: {  	[sflag:s8] =	ssyncadd.s32 $0xFFFFD800  }
0x47: {  	s30 =	simm.s32 $0x28;
	_ =	swait.ge [sflag:s10], $0x2800  }
0x48: {  	s25 =	sadd.s32 $0x14, s11;
	s9 =	simm.s32 $0x14;
	[sflag:s10] =	ssyncset.done $0x0  }
.LBB2_2:
0x49: {  	s26 =	sadd.s32 s30, s11  }
0x4a: {  	s29 =	simm.s32 $0x0;
	[sflag:s10] =	ssyncadd.s32 $0xFFFFD800;
	s28 =	smov.u32 s30  }
0x4b: {  	[tilespmem:s29], [sflag:$0x3] =	stream.linear.gather [hbm4b:s25+s29], $0x50, $0x38;
	[tilespmem:$0x1A000] =	vst v63  }
0x4c: {  	p1 =	sne.s32 s30, $0x1E0;
	s30 =	sadd.s32 $0x14, s30;
	_ =	swait.ge [sflag:s0], $0x50  }
0x4d: {  	s25 =	smov.u32 s26;
	[sflag:s0] =	ssyncset.done $0x0  }
0x4e: {  	[sflag:s0] =	ssyncadd.s32 $0xFFFFFFB0  }
0x4f: {  	[spmem:s3] =	stream.indirect.scatter.add.f32 [tilespmem:s31], [sflag:$0x1], $0x80, s29, s1, $0xb8;
	[tilespmem:$0x1A000] =	vst v63  }
0x50: {  	s26 =	sadd.s32 s9, s12;
	s9 =	smov.u32 s28  }
0x51: {  	[tilespmem:s2], [sflag:$0x3] =	stream.linear.gather [hbm4b:s26+s29], $0x50, $0x38;
	[tilespmem:$0x1A000] =	vst v63  }
0x52: {  	_ =	swait.ge [sflag:s0], $0x50  }
0x53: {  	[sflag:s0] =	ssyncset.done $0x0  }
0x54: {  	[sflag:s0] =	ssyncadd.s32 $0xFFFFFFB0  }
0x55: {  	[spmem:s3] =	stream.indirect.scatter.add.f32 [tilespmem:s31], [sflag:$0x2], $0x80, s2, s1, $0xb8;
	[tilespmem:$0x1A000] =	vst v63  }
.Ltmp0:
0x56: {  	_ =	swait.ge [sflag:s8], $0x2800;
	(pc) =	sbr.rel @p1 .LBB2_2-.Ltmp0, $4  }
0x57: {  	[sflag:s8] =	ssyncset.done $0x0  }
0x58: {  	[sflag:s8] =	ssyncadd.s32 $0xFFFFD800  }
0x59: {  	_ =	swait.ge [sflag:s10], $0x2800  }
0x5a: {  	[sflag:s10] =	ssyncset.done $0x0  }
0x5b: {  	[sflag:s10] =	ssyncadd.s32 $0xFFFFD800  }
0x5c: {  	[tilespmem:s29], [sflag:$0x3] =	stream.linear.gather [hbm4b:s25+s29], $0x50, $0x38;
	[tilespmem:$0x1A000] =	vst v63  }
0x5d: {  	_ =	swait.ge [sflag:s0], $0x50  }
0x5e: {  	[sflag:s0] =	ssyncset.done $0x0  }
0x5f: {  	[sflag:s0] =	ssyncadd.s32 $0xFFFFFFB0  }
0x60: {  	[spmem:s3] =	stream.indirect.scatter.add.f32 [tilespmem:s31], [sflag:$0x1], $0x80, s29, s1, $0xb8;
	[tilespmem:$0x1A000] =	vst v63  }
0x61: {  	s9 =	sadd.s32 s9, s12  }
0x62: {  	[tilespmem:s2], [sflag:$0x3] =	stream.linear.gather [hbm4b:s9+s29], $0x50, $0x38;
	[tilespmem:$0x1A000] =	vst v63  }
0x63: {  	_ =	swait.ge [sflag:s0], $0x50  }
0x64: {  	[sflag:s0] =	ssyncset.done $0x0  }
0x65: {  	[sflag:s0] =	ssyncadd.s32 $0xFFFFFFB0  }
0x66: {  	[spmem:s3] =	stream.indirect.scatter.add.f32 [tilespmem:s31], [sflag:$0x2], $0x80, s2, s1, $0xb8;
	[tilespmem:$0x1A000] =	vst v63  }
0x67: {  	p2 =	por $0x1, $0x1;
	_ =	swait.ge [sflag:s8], $0x2800  }
.Ltmp1:
0x68: {  	[sflag:s8] =	ssyncset.done $0x0;
	(pc) =	sbr.rel @!p2 .LBB2_7-.Ltmp1, $4  }
0x69: {  	[sflag:s8] =	ssyncadd.s32 $0xFFFFD800  }
0x6a: {  	_ =	swait.ge [sflag:s10], $0x2800  }
0x6b: {  	s30 =	simm.s32 $0x14;
	p1 =	por $0x0, $0x0;
	[sflag:s10] =	ssyncset.done $0x0  }
0x6c: {  	p3 =	por $0x0, $0x0;
	s9 =	simm.s32 $0x0;
	[sflag:s10] =	ssyncadd.s32 $0xFFFFD800  }
0x6d: {  	s9 =	sadd.s32 $0x0, s13  }
0x6e: {  	[tilespmem:s29], [sflag:$0x3] =	stream.linear.gather [hbm4b:s9+s29], $0x50, $0x38;
	[tilespmem:$0x1A000] =	vst v63  }
0x6f: {  	_ =	swait.ge [sflag:s0], $0x50  }
0x70: {  	[sflag:s0] =	ssyncset.done $0x0  }
0x71: {  	[sflag:s0] =	ssyncadd.s32 $0xFFFFFFB0  }
0x72: {  	[spmem:s4] =	stream.indirect.scatter.add.f32 [tilespmem:s31], [sflag:$0x1], $0x80, s29, s1, $0xb8;
	[tilespmem:$0x1A000] =	vst v63  }
0x73: {  	s28 =	sadd.s32 $0x0, s14  }
0x74: {  	[tilespmem:s2], [sflag:$0x3] =	stream.linear.gather [hbm4b:s28+s29], $0x50, $0x38;
	[tilespmem:$0x1A000] =	vst v63  }
0x75: {  	_ =	swait.ge [sflag:s0], $0x50  }
0x76: {  	[sflag:s0] =	ssyncset.done $0x0  }
0x77: {  	p4 =	por $0x1, $0x1;
	[sflag:s0] =	ssyncadd.s32 $0xFFFFFFB0  }
0x78: {  	[spmem:s4] =	stream.indirect.scatter.add.f32 [tilespmem:s31], [sflag:$0x2], $0x80, s2, s1, $0xb8;
	[tilespmem:$0x1A000] =	vst v63  }
.Ltmp2:
0x79: {  	_ =	swait.ge [sflag:s8], $0x2800;
	(pc) =	sbr.rel @!p4 .LBB2_5-.Ltmp2, $4  }
0x7a: {  	[sflag:s8] =	ssyncset.done $0x0  }
0x7b: {  	[sflag:s8] =	ssyncadd.s32 $0xFFFFD800  }
0x7c: {  	s25 =	simm.s32 $0x28;
	_ =	swait.ge [sflag:s10], $0x2800  }
0x7d: {  	p3 =	por $0x1, $0x1;
	s9 =	simm.s32 $0x14;
	[sflag:s10] =	ssyncset.done $0x0  }
.LBB2_6:
0x7e: {  	s26 =	sadd.s32 s9, s13  }
0x7f: {  	[sflag:s10] =	ssyncadd.s32 $0xFFFFD800;
	s28 =	smov.u32 s25;
	s7 =	sadd.s32 $0x14, s25  }
0x80: {  	[tilespmem:s29], [sflag:$0x3] =	stream.linear.gather [hbm4b:s26+s29], $0x50, $0x38;
	[tilespmem:$0x1A000] =	vst v63  }
0x81: {  	p4 =	sne.s32 s25, $0x1E0;
	_ =	swait.ge [sflag:s0], $0x50  }
0x82: {  	[sflag:s0] =	ssyncset.done $0x0  }
0x83: {  	[sflag:s0] =	ssyncadd.s32 $0xFFFFFFB0  }
0x84: {  	[spmem:s4] =	stream.indirect.scatter.add.f32 [tilespmem:s31], [sflag:$0x1], $0x80, s29, s1, $0xb8;
	[tilespmem:$0x1A000] =	vst v63  }
0x85: {  	s25 =	sadd.s32 s9, s14;
	s9 =	smov.u32 s28  }
0x86: {  	[tilespmem:s2], [sflag:$0x3] =	stream.linear.gather [hbm4b:s25+s29], $0x50, $0x38;
	[tilespmem:$0x1A000] =	vst v63  }
0x87: {  	_ =	swait.ge [sflag:s0], $0x50  }
0x88: {  	[sflag:s0] =	ssyncset.done $0x0  }
0x89: {  	[sflag:s0] =	ssyncadd.s32 $0xFFFFFFB0  }
0x8a: {  	[spmem:s4] =	stream.indirect.scatter.add.f32 [tilespmem:s31], [sflag:$0x2], $0x80, s2, s1, $0xb8;
	[tilespmem:$0x1A000] =	vst v63  }
.Ltmp3:
0x8b: {  	_ =	swait.ge [sflag:s8], $0x2800;
	(pc) =	sbr.rel @p4 .LBB2_6-.Ltmp3, $4  }
0x8c: {  	[sflag:s8] =	ssyncset.done $0x0  }
0x8d: {  	[sflag:s8] =	ssyncadd.s32 $0xFFFFD800  }
0x8e: {  	_ =	swait.ge [sflag:s10], $0x2800  }
0x8f: {  	s25 =	smov.u32 s7;
	[sflag:s10] =	ssyncset.done $0x0  }
.LBB2_7:
0x90: {  	s7 =	sadd.s32 s9, s13;
	[sflag:s10] =	ssyncadd.s32 @p3 $0xFFFFD800  }
0x91: {  	[tilespmem:s29], [sflag:$0x3] =	stream.linear.gather [hbm4b:s7+s29], $0x50, $0x38;
	[tilespmem:$0x1A000] =	vst v63  }
0x92: {  	_ =	swait.ge [sflag:s0], $0x50  }
0x93: {  	[sflag:s0] =	ssyncset.done $0x0  }
0x94: {  	[sflag:s0] =	ssyncadd.s32 $0xFFFFFFB0  }
0x95: {  	[spmem:s4] =	stream.indirect.scatter.add.f32 [tilespmem:s31], [sflag:$0x1], $0x80, s29, s1, $0xb8;
	[tilespmem:$0x1A000] =	vst v63  }
0x96: {  	s28 =	sadd.s32 s9, s14  }
0x97: {  	[tilespmem:s2], [sflag:$0x3] =	stream.linear.gather [hbm4b:s28+s29], $0x50, $0x38;
	[tilespmem:$0x1A000] =	vst v63  }
0x98: {  	_ =	swait.ge [sflag:s0], $0x50  }
0x99: {  	[sflag:s0] =	ssyncset.done $0x0  }
0x9a: {  	[sflag:s0] =	ssyncadd.s32 $0xFFFFFFB0  }
0x9b: {  	[spmem:s4] =	stream.indirect.scatter.add.f32 [tilespmem:s31], [sflag:$0x2], $0x80, s2, s1, $0xb8;
	[tilespmem:$0x1A000] =	vst v63  }
0x9c: {  	_ =	swait.ge [sflag:s8], $0x2800  }
.Ltmp4:
0x9d: {  	[sflag:s8] =	ssyncset.done $0x0;
	(pc) =	sbr.rel @!p2 .LBB2_12-.Ltmp4, $4  }
0x9e: {  	[sflag:s8] =	ssyncadd.s32 $0xFFFFD800  }
0x9f: {  	_ =	swait.ge [sflag:s10], $0x2800  }
0xa0: {  	[sflag:s10] =	ssyncset.done $0x0  }
0xa1: {  	[sflag:s10] =	ssyncadd.s32 $0xFFFFD800  }
0xa2: {  	s7 =	sadd.s32 $0x0, s15  }
0xa3: {  	[tilespmem:s6], [sflag:$0x3] =	stream.linear.gather [hbm4b:s7+s6], $0x50, $0x38;
	[tilespmem:$0x1A000] =	vst v63  }
0xa4: {  	_ =	swait.ge [sflag:s0], $0x50  }
0xa5: {  	[sflag:s0] =	ssyncset.done $0x0  }
0xa6: {  	[sflag:s0] =	ssyncadd.s32 $0xFFFFFFB0  }
0xa7: {  	[spmem:s5] =	stream.indirect.scatter.add.f32 [tilespmem:s31], [sflag:$0x1], $0x80, s6, s1, $0xb8;
	[tilespmem:$0x1A000] =	vst v63  }
0xa8: {  	s29 =	sadd.s32 $0x0, s16  }
0xa9: {  	[tilespmem:s2], [sflag:$0x3] =	stream.linear.gather [hbm4b:s29+s6], $0x50, $0x38;
	[tilespmem:$0x1A000] =	vst v63  }
0xaa: {  	_ =	swait.ge [sflag:s0], $0x50  }
0xab: {  	[sflag:s0] =	ssyncset.done $0x0  }
0xac: {  	p2 =	por $0x1, $0x1;
	[sflag:s0] =	ssyncadd.s32 $0xFFFFFFB0  }
0xad: {  	[spmem:s5] =	stream.indirect.scatter.add.f32 [tilespmem:s31], [sflag:$0x2], $0x80, s2, s1, $0xb8;
	[tilespmem:$0x1A000] =	vst v63  }
.Ltmp5:
0xae: {  	_ =	swait.ge [sflag:s8], $0x2800;
	(pc) =	sbr.rel @!p2 .LBB2_9-.Ltmp5, $4  }
0xaf: {  	[sflag:s8] =	ssyncset.done $0x0  }
0xb0: {  	[sflag:s8] =	ssyncadd.s32 $0xFFFFD800  }
0xb1: {  	_ =	swait.ge [sflag:s10], $0x2800  }
0xb2: {  	s9 =	simm.s32 $0x28;
	p1 =	por $0x1, $0x1;
	[sflag:s10] =	ssyncset.done $0x0  }
.LBB2_10:
0xb3: {  	s7 =	sadd.s32 s30, s15  }
0xb4: {  	[sflag:s10] =	ssyncadd.s32 $0xFFFFD800;
	s25 =	smov.u32 s9;
	s26 =	sadd.s32 $0x14, s9  }
0xb5: {  	[tilespmem:s6], [sflag:$0x3] =	stream.linear.gather [hbm4b:s7+s6], $0x50, $0x38;
	[tilespmem:$0x1A000] =	vst v63  }
0xb6: {  	p2 =	sne.s32 s9, $0x1E0;
	_ =	swait.ge [sflag:s0], $0x50  }
0xb7: {  	[sflag:s0] =	ssyncset.done $0x0  }
0xb8: {  	[sflag:s0] =	ssyncadd.s32 $0xFFFFFFB0  }
0xb9: {  	[spmem:s5] =	stream.indirect.scatter.add.f32 [tilespmem:s31], [sflag:$0x1], $0x80, s6, s1, $0xb8;
	[tilespmem:$0x1A000] =	vst v63  }
0xba: {  	s7 =	sadd.s32 s30, s16;
	s30 =	smov.u32 s25  }
0xbb: {  	[tilespmem:s2], [sflag:$0x3] =	stream.linear.gather [hbm4b:s7+s6], $0x50, $0x38;
	[tilespmem:$0x1A000] =	vst v63  }
0xbc: {  	_ =	swait.ge [sflag:s0], $0x50  }
0xbd: {  	[sflag:s0] =	ssyncset.done $0x0  }
0xbe: {  	[sflag:s0] =	ssyncadd.s32 $0xFFFFFFB0  }
0xbf: {  	[spmem:s5] =	stream.indirect.scatter.add.f32 [tilespmem:s31], [sflag:$0x2], $0x80, s2, s1, $0xb8;
	[tilespmem:$0x1A000] =	vst v63  }
.Ltmp6:
0xc0: {  	_ =	swait.ge [sflag:s8], $0x2800;
	(pc) =	sbr.rel @p2 .LBB2_10-.Ltmp6, $4  }
0xc1: {  	[sflag:s8] =	ssyncset.done $0x0  }
0xc2: {  	[sflag:s8] =	ssyncadd.s32 $0xFFFFD800  }
0xc3: {  	_ =	swait.ge [sflag:s10], $0x2800  }
0xc4: {  	s9 =	smov.u32 s26;
	[sflag:s10] =	ssyncset.done $0x0  }
0xc5: {  	s29 =	smov.u32 s30  }
.LBB2_12:
0xc6: {  	s7 =	sadd.s32 s29, s15;
	[sflag:s10] =	ssyncadd.s32 @p1 $0xFFFFD800  }
0xc7: {  	[tilespmem:s6], [sflag:$0x3] =	stream.linear.gather [hbm4b:s7+s6], $0x50, $0x38;
	[tilespmem:$0x1A000] =	vst v63  }
0xc8: {  	_ =	swait.ge [sflag:s0], $0x50  }
0xc9: {  	[sflag:s0] =	ssyncset.done $0x0  }
0xca: {  	[sflag:s0] =	ssyncadd.s32 $0xFFFFFFB0  }
0xcb: {  	[spmem:s5] =	stream.indirect.scatter.add.f32 [tilespmem:s31], [sflag:$0x1], $0x80, s6, s1, $0xb8;
	[tilespmem:$0x1A000] =	vst v63  }
0xcc: {  	s25 =	sadd.s32 s29, s16  }
0xcd: {  	[tilespmem:s2], [sflag:$0x3] =	stream.linear.gather [hbm4b:s25+s6], $0x50, $0x38;
	[tilespmem:$0x1A000] =	vst v63  }
0xce: {  	_ =	swait.ge [sflag:s0], $0x50  }
0xcf: {  	[sflag:s0] =	ssyncset.done $0x0  }
0xd0: {  	[sflag:s0] =	ssyncadd.s32 $0xFFFFFFB0  }
0xd1: {  	[spmem:s5] =	stream.indirect.scatter.add.f32 [tilespmem:s31], [sflag:$0x2], $0x80, s2, s1, $0xb8;
	[tilespmem:$0x1A000] =	vst v63  }
0xd2: {  	_ =	swait.ge [sflag:s8], $0x2800  }
0xd3: {  	[sflag:s8] =	ssyncset.done $0x0  }
0xd4: {  	[sflag:s8] =	ssyncadd.s32 $0xFFFFD800  }
0xd5: {  	_ =	swait.ge [sflag:s10], $0x2800  }
0xd6: {  	[sflag:s10] =	ssyncset.done $0x0  }
0xd7: {  	[sflag:s10] =	ssyncadd.s32 $0xFFFFD800  }
0xd8: {  	[bflag:$0x0] =	sbarrier.arrive $0xFFFF  }
0xd9: {  	[bflag:$0x0] =	sbarrier.arrive @p0 $0xFFFF  }
0xda: {  	s7 =	rddreg [dreg:$0x9]  }
0xdb: {  	s25 =	rddreg [dreg:$0x12]  }
0xdc: {  	[hbm:s7], [sflag:s24] =	dma.local @!p0 [spmem:s25], $0x1900  }
0xdd: {  	s7 =	simm.s32 @!p0 $0x3  }
0xde: {  	_ =	swait.ge @!p0 [sflag:s7], $0x1900  }
0xdf: {  	[sflag:s7] =	ssyncset.done @!p0 $0x0;
	s9 =	rddreg [dreg:$0xa]  }
0xe0: {  	s26 =	rddreg [dreg:$0x13];
	[sflag:s7] =	ssyncadd.s32 @!p0 $0xFFFFE700  }
0xe1: {  	[hbm:s9], [sflag:s24] =	dma.local @!p0 [spmem:s26], $0x1900  }
0xe2: {  	_ =	swait.ge @!p0 [sflag:s7], $0x1900  }
0xe3: {  	[sflag:s7] =	ssyncset.done @!p0 $0x0;
	s9 =	rddreg [dreg:$0xe]  }
0xe4: {  	s28 =	rddreg [dreg:$0x14];
	[sflag:s7] =	ssyncadd.s32 @!p0 $0xFFFFE700  }
0xe5: {  	[hbm:s9], [sflag:s24] =	dma.local @!p0 [spmem:s28], $0x1900  }
0xe6: {  	_ =	swait.ge @!p0 [sflag:s7], $0x1900  }
0xe7: {  	[sflag:s7] =	ssyncset.done @!p0 $0x0  }
0xe8: {  	[sflag:s7] =	ssyncadd.s32 @!p0 $0xFFFFE700  }
0xe9: {  	[bflag:$0x0] =	sbarrier.arrive @!p0 $0xFFFF  }
0xea: {  	s9 =	rddreg [dreg:$0x7]  }
0xeb: {  	[spmem:s25], [sflag:s24] =	dma.local @!p0 [hbm:s9], $0x1900  }
0xec: {  	_ =	swait.ge @!p0 [sflag:s7], $0x1900  }
0xed: {  	[sflag:s7] =	ssyncset.done @!p0 $0x0  }
0xee: {  	[sflag:s7] =	ssyncadd.s32 @!p0 $0xFFFFE700  }
0xef: {  	[spmem:s26], [sflag:s24] =	dma.local @!p0 [hbm:s9], $0x1900  }
0xf0: {  	_ =	swait.ge @!p0 [sflag:s7], $0x1900  }
0xf1: {  	[sflag:s7] =	ssyncset.done @!p0 $0x0  }
0xf2: {  	[sflag:s7] =	ssyncadd.s32 @!p0 $0xFFFFE700  }
0xf3: {  	[spmem:s28], [sflag:s24] =	dma.local @!p0 [hbm:s9], $0x1900  }
0xf4: {  	_ =	swait.ge @!p0 [sflag:s7], $0x1900  }
0xf5: {  	[sflag:s7] =	ssyncset.done @!p0 $0x0  }
0xf6: {  	[sflag:s7] =	ssyncadd.s32 @!p0 $0xFFFFE700  }
0xf7: {  	s30 =	simm.s32 $0x0;
	s26 =	sadd.s32 $0x0, s17;
	[bflag:$0x0] =	sbarrier.arrive $0xFFFF  }
0xf8: {  	[tilespmem:s30], [sflag:$0x3] =	stream.linear.gather [hbm4b:s26+s30], $0x50, $0x38;
	[tilespmem:$0x1A000] =	vst v63  }
0xf9: {  	_ =	swait.ge [sflag:s0], $0x50  }
0xfa: {  	[sflag:s0] =	ssyncset.done $0x0  }
0xfb: {  	[sflag:s0] =	ssyncadd.s32 $0xFFFFFFB0  }
0xfc: {  	[spmem:s3] =	stream.indirect.scatter.add.f32 [tilespmem:s31], [sflag:$0x1], $0x80, s30, s1, $0xb8;
	[tilespmem:$0x1A000] =	vst v63  }
0xfd: {  	s28 =	sadd.s32 $0x0, s18  }
0xfe: {  	[tilespmem:s2], [sflag:$0x3] =	stream.linear.gather [hbm4b:s28+s30], $0x50, $0x38;
	[tilespmem:$0x1A000] =	vst v63  }
0xff: {  	_ =	swait.ge [sflag:s0], $0x50  }
0x100: {  	[sflag:s0] =	ssyncset.done $0x0  }
0x101: {  	[sflag:s0] =	ssyncadd.s32 $0xFFFFFFB0  }
0x102: {  	[spmem:s3] =	stream.indirect.scatter.add.f32 [tilespmem:s31], [sflag:$0x2], $0x80, s2, s1, $0xb8;
	[tilespmem:$0x1A000] =	vst v63  }
0x103: {  	_ =	swait.ge [sflag:s8], $0x2800  }
0x104: {  	[sflag:s8] =	ssyncset.done $0x0  }
0x105: {  	[sflag:s8] =	ssyncadd.s32 $0xFFFFD800  }
0x106: {  	s29 =	simm.s32 $0x14;
	_ =	swait.ge [sflag:s10], $0x2800  }
0x107: {  	s25 =	simm.s32 $0x28;
	s9 =	simm.s32 $0x14;
	[sflag:s10] =	ssyncset.done $0x0  }
.LBB2_13:
0x108: {  	s7 =	sadd.s32 s9, s17  }
0x109: {  	[sflag:s10] =	ssyncadd.s32 $0xFFFFD800;
	s26 =	smov.u32 s25;
	s28 =	sadd.s32 $0x14, s25  }
0x10a: {  	[tilespmem:s30], [sflag:$0x3] =	stream.linear.gather [hbm4b:s7+s30], $0x50, $0x38;
	[tilespmem:$0x1A000] =	vst v63  }
0x10b: {  	p1 =	sne.s32 s25, $0x1E0;
	_ =	swait.ge [sflag:s0], $0x50  }
0x10c: {  	[sflag:s0] =	ssyncset.done $0x0  }
0x10d: {  	[sflag:s0] =	ssyncadd.s32 $0xFFFFFFB0  }
0x10e: {  	[spmem:s3] =	stream.indirect.scatter.add.f32 [tilespmem:s31], [sflag:$0x1], $0x80, s30, s1, $0xb8;
	[tilespmem:$0x1A000] =	vst v63  }
0x10f: {  	s7 =	sadd.s32 s9, s18;
	s9 =	smov.u32 s26  }
0x110: {  	[tilespmem:s2], [sflag:$0x3] =	stream.linear.gather [hbm4b:s7+s30], $0x50, $0x38;
	[tilespmem:$0x1A000] =	vst v63  }
0x111: {  	_ =	swait.ge [sflag:s0], $0x50  }
0x112: {  	[sflag:s0] =	ssyncset.done $0x0  }
0x113: {  	[sflag:s0] =	ssyncadd.s32 $0xFFFFFFB0  }
0x114: {  	[spmem:s3] =	stream.indirect.scatter.add.f32 [tilespmem:s31], [sflag:$0x2], $0x80, s2, s1, $0xb8;
	[tilespmem:$0x1A000] =	vst v63  }
.Ltmp7:
0x115: {  	_ =	swait.ge [sflag:s8], $0x2800;
	(pc) =	sbr.rel @p1 .LBB2_13-.Ltmp7, $4  }
0x116: {  	[sflag:s8] =	ssyncset.done $0x0  }
0x117: {  	[sflag:s8] =	ssyncadd.s32 $0xFFFFD800  }
0x118: {  	_ =	swait.ge [sflag:s10], $0x2800  }
0x119: {  	s25 =	smov.u32 s28;
	[sflag:s10] =	ssyncset.done $0x0  }
0x11a: {  	s7 =	sadd.s32 s9, s17;
	[sflag:s10] =	ssyncadd.s32 $0xFFFFD800  }
0x11b: {  	[tilespmem:s30], [sflag:$0x3] =	stream.linear.gather [hbm4b:s7+s30], $0x50, $0x38;
	[tilespmem:$0x1A000] =	vst v63  }
0x11c: {  	_ =	swait.ge [sflag:s0], $0x50  }
0x11d: {  	[sflag:s0] =	ssyncset.done $0x0  }
0x11e: {  	[sflag:s0] =	ssyncadd.s32 $0xFFFFFFB0  }
0x11f: {  	[spmem:s3] =	stream.indirect.scatter.add.f32 [tilespmem:s31], [sflag:$0x1], $0x80, s30, s1, $0xb8;
	[tilespmem:$0x1A000] =	vst v63  }
0x120: {  	s25 =	sadd.s32 s9, s18  }
0x121: {  	[tilespmem:s2], [sflag:$0x3] =	stream.linear.gather [hbm4b:s25+s30], $0x50, $0x38;
	[tilespmem:$0x1A000] =	vst v63  }
0x122: {  	_ =	swait.ge [sflag:s0], $0x50  }
0x123: {  	[sflag:s0] =	ssyncset.done $0x0  }
0x124: {  	[sflag:s0] =	ssyncadd.s32 $0xFFFFFFB0  }
0x125: {  	[spmem:s3] =	stream.indirect.scatter.add.f32 [tilespmem:s31], [sflag:$0x2], $0x80, s2, s1, $0xb8;
	[tilespmem:$0x1A000] =	vst v63  }
0x126: {  	_ =	swait.ge [sflag:s8], $0x2800  }
0x127: {  	[sflag:s8] =	ssyncset.done $0x0  }
0x128: {  	[sflag:s8] =	ssyncadd.s32 $0xFFFFD800  }
0x129: {  	_ =	swait.ge [sflag:s10], $0x2800  }
0x12a: {  	[sflag:s10] =	ssyncset.done $0x0  }
0x12b: {  	s26 =	sadd.s32 $0x0, s19;
	s30 =	simm.s32 $0x0;
	[sflag:s10] =	ssyncadd.s32 $0xFFFFD800  }
0x12c: {  	[tilespmem:s30], [sflag:$0x3] =	stream.linear.gather [hbm4b:s26+s30], $0x50, $0x38;
	[tilespmem:$0x1A000] =	vst v63  }
0x12d: {  	_ =	swait.ge [sflag:s0], $0x50  }
0x12e: {  	[sflag:s0] =	ssyncset.done $0x0  }
0x12f: {  	[sflag:s0] =	ssyncadd.s32 $0xFFFFFFB0  }
0x130: {  	[spmem:s4] =	stream.indirect.scatter.add.f32 [tilespmem:s31], [sflag:$0x1], $0x80, s30, s1, $0xb8;
	[tilespmem:$0x1A000] =	vst v63  }
0x131: {  	s28 =	sadd.s32 $0x0, s20  }
0x132: {  	[tilespmem:s2], [sflag:$0x3] =	stream.linear.gather [hbm4b:s28+s30], $0x50, $0x38;
	[tilespmem:$0x1A000] =	vst v63  }
0x133: {  	_ =	swait.ge [sflag:s0], $0x50  }
0x134: {  	[sflag:s0] =	ssyncset.done $0x0  }
0x135: {  	[sflag:s0] =	ssyncadd.s32 $0xFFFFFFB0  }
0x136: {  	[spmem:s4] =	stream.indirect.scatter.add.f32 [tilespmem:s31], [sflag:$0x2], $0x80, s2, s1, $0xb8;
	[tilespmem:$0x1A000] =	vst v63  }
0x137: {  	_ =	swait.ge [sflag:s8], $0x2800  }
0x138: {  	[sflag:s8] =	ssyncset.done $0x0  }
0x139: {  	[sflag:s8] =	ssyncadd.s32 $0xFFFFD800  }
0x13a: {  	_ =	swait.ge [sflag:s10], $0x2800  }
0x13b: {  	s9 =	simm.s32 $0x28;
	s25 =	sadd.s32 $0x14, s19;
	[sflag:s10] =	ssyncset.done $0x0  }
.LBB2_15:
0x13c: {  	s7 =	sadd.s32 s9, s19;
	[sflag:s10] =	ssyncadd.s32 $0xFFFFD800;
	s26 =	smov.u32 s9  }
0x13d: {  	[tilespmem:s30], [sflag:$0x3] =	stream.linear.gather [hbm4b:s25+s30], $0x50, $0x38;
	[tilespmem:$0x1A000] =	vst v63  }
0x13e: {  	p1 =	sne.s32 s9, $0x1E0;
	s9 =	sadd.s32 $0x14, s9;
	_ =	swait.ge [sflag:s0], $0x50  }
0x13f: {  	s25 =	smov.u32 s7;
	[sflag:s0] =	ssyncset.done $0x0  }
0x140: {  	[sflag:s0] =	ssyncadd.s32 $0xFFFFFFB0  }
0x141: {  	[spmem:s4] =	stream.indirect.scatter.add.f32 [tilespmem:s31], [sflag:$0x1], $0x80, s30, s1, $0xb8;
	[tilespmem:$0x1A000] =	vst v63  }
0x142: {  	s7 =	sadd.s32 s29, s20;
	s29 =	smov.u32 s26  }
0x143: {  	[tilespmem:s2], [sflag:$0x3] =	stream.linear.gather [hbm4b:s7+s30], $0x50, $0x38;
	[tilespmem:$0x1A000] =	vst v63  }
0x144: {  	_ =	swait.ge [sflag:s0], $0x50  }
0x145: {  	[sflag:s0] =	ssyncset.done $0x0  }
0x146: {  	[sflag:s0] =	ssyncadd.s32 $0xFFFFFFB0  }
0x147: {  	[spmem:s4] =	stream.indirect.scatter.add.f32 [tilespmem:s31], [sflag:$0x2], $0x80, s2, s1, $0xb8;
	[tilespmem:$0x1A000] =	vst v63  }
.Ltmp8:
0x148: {  	_ =	swait.ge [sflag:s8], $0x2800;
	(pc) =	sbr.rel @p1 .LBB2_15-.Ltmp8, $4  }
0x149: {  	[sflag:s8] =	ssyncset.done $0x0  }
0x14a: {  	[sflag:s8] =	ssyncadd.s32 $0xFFFFD800  }
0x14b: {  	_ =	swait.ge [sflag:s10], $0x2800  }
0x14c: {  	[sflag:s10] =	ssyncset.done $0x0  }
0x14d: {  	s9 =	simm.s32 $0x0;
	[sflag:s10] =	ssyncadd.s32 $0xFFFFD800  }
0x14e: {  	[tilespmem:s9], [sflag:$0x3] =	stream.linear.gather [hbm4b:s25+s9], $0x50, $0x38;
	[tilespmem:$0x1A000] =	vst v63  }
0x14f: {  	_ =	swait.ge [sflag:s0], $0x50  }
0x150: {  	[sflag:s0] =	ssyncset.done $0x0  }
0x151: {  	[sflag:s0] =	ssyncadd.s32 $0xFFFFFFB0  }
0x152: {  	[spmem:s4] =	stream.indirect.scatter.add.f32 [tilespmem:s31], [sflag:$0x1], $0x80, s9, s1, $0xb8;
	[tilespmem:$0x1A000] =	vst v63  }
0x153: {  	s7 =	sadd.s32 s29, s20  }
0x154: {  	[tilespmem:s2], [sflag:$0x3] =	stream.linear.gather [hbm4b:s7+s9], $0x50, $0x38;
	[tilespmem:$0x1A000] =	vst v63  }
0x155: {  	_ =	swait.ge [sflag:s0], $0x50  }
0x156: {  	[sflag:s0] =	ssyncset.done $0x0  }
0x157: {  	[sflag:s0] =	ssyncadd.s32 $0xFFFFFFB0  }
0x158: {  	[spmem:s4] =	stream.indirect.scatter.add.f32 [tilespmem:s31], [sflag:$0x2], $0x80, s2, s1, $0xb8;
	[tilespmem:$0x1A000] =	vst v63  }
0x159: {  	p2 =	por $0x1, $0x1;
	_ =	swait.ge [sflag:s8], $0x2800  }
.Ltmp9:
0x15a: {  	[sflag:s8] =	ssyncset.done $0x0;
	(pc) =	sbr.rel @!p2 .LBB2_21-.Ltmp9, $4  }
0x15b: {  	[sflag:s8] =	ssyncadd.s32 $0xFFFFD800  }
0x15c: {  	_ =	swait.ge [sflag:s10], $0x2800  }
0x15d: {  	[sflag:s10] =	ssyncset.done $0x0  }
0x15e: {  	s29 =	simm.s32 $0x14;
	p1 =	por $0x0, $0x0;
	[sflag:s10] =	ssyncadd.s32 $0xFFFFD800  }
0x15f: {  	s7 =	sadd.s32 $0x0, s21  }
0x160: {  	[tilespmem:s6], [sflag:$0x3] =	stream.linear.gather [hbm4b:s7+s6], $0x50, $0x38;
	[tilespmem:$0x1A000] =	vst v63  }
0x161: {  	_ =	swait.ge [sflag:s0], $0x50  }
0x162: {  	[sflag:s0] =	ssyncset.done $0x0  }
0x163: {  	[sflag:s0] =	ssyncadd.s32 $0xFFFFFFB0  }
0x164: {  	[spmem:s5] =	stream.indirect.scatter.add.f32 [tilespmem:s31], [sflag:$0x1], $0x80, s6, s1, $0xb8;
	[tilespmem:$0x1A000] =	vst v63  }
0x165: {  	s30 =	sadd.s32 $0x0, s22  }
0x166: {  	[tilespmem:s2], [sflag:$0x3] =	stream.linear.gather [hbm4b:s30+s6], $0x50, $0x38;
	[tilespmem:$0x1A000] =	vst v63  }
0x167: {  	_ =	swait.ge [sflag:s0], $0x50  }
0x168: {  	[sflag:s0] =	ssyncset.done $0x0  }
0x169: {  	p2 =	por $0x1, $0x1;
	[sflag:s0] =	ssyncadd.s32 $0xFFFFFFB0  }
0x16a: {  	[spmem:s5] =	stream.indirect.scatter.add.f32 [tilespmem:s31], [sflag:$0x2], $0x80, s2, s1, $0xb8;
	[tilespmem:$0x1A000] =	vst v63  }
.Ltmp10:
0x16b: {  	_ =	swait.ge [sflag:s8], $0x2800;
	(pc) =	sbr.rel @!p2 .LBB2_18-.Ltmp10, $4  }
0x16c: {  	[sflag:s8] =	ssyncset.done $0x0  }
0x16d: {  	[sflag:s8] =	ssyncadd.s32 $0xFFFFD800  }
0x16e: {  	_ =	swait.ge [sflag:s10], $0x2800  }
0x16f: {  	s9 =	simm.s32 $0x28;
	p1 =	por $0x1, $0x1;
	[sflag:s10] =	ssyncset.done $0x0  }
.LBB2_19:
0x170: {  	s7 =	sadd.s32 s29, s21  }
0x171: {  	[sflag:s10] =	ssyncadd.s32 $0xFFFFD800;
	s25 =	smov.u32 s9;
	s26 =	sadd.s32 $0x14, s9  }
0x172: {  	[tilespmem:s6], [sflag:$0x3] =	stream.linear.gather [hbm4b:s7+s6], $0x50, $0x38;
	[tilespmem:$0x1A000] =	vst v63  }
0x173: {  	p2 =	sne.s32 s9, $0x1E0;
	_ =	swait.ge [sflag:s0], $0x50  }
0x174: {  	[sflag:s0] =	ssyncset.done $0x0  }
0x175: {  	[sflag:s0] =	ssyncadd.s32 $0xFFFFFFB0  }
0x176: {  	[spmem:s5] =	stream.indirect.scatter.add.f32 [tilespmem:s31], [sflag:$0x1], $0x80, s6, s1, $0xb8;
	[tilespmem:$0x1A000] =	vst v63  }
0x177: {  	s7 =	sadd.s32 s29, s22;
	s29 =	smov.u32 s25  }
0x178: {  	[tilespmem:s2], [sflag:$0x3] =	stream.linear.gather [hbm4b:s7+s6], $0x50, $0x38;
	[tilespmem:$0x1A000] =	vst v63  }
0x179: {  	_ =	swait.ge [sflag:s0], $0x50  }
0x17a: {  	[sflag:s0] =	ssyncset.done $0x0  }
0x17b: {  	[sflag:s0] =	ssyncadd.s32 $0xFFFFFFB0  }
0x17c: {  	[spmem:s5] =	stream.indirect.scatter.add.f32 [tilespmem:s31], [sflag:$0x2], $0x80, s2, s1, $0xb8;
	[tilespmem:$0x1A000] =	vst v63  }
.Ltmp11:
0x17d: {  	_ =	swait.ge [sflag:s8], $0x2800;
	(pc) =	sbr.rel @p2 .LBB2_19-.Ltmp11, $4  }
0x17e: {  	[sflag:s8] =	ssyncset.done $0x0  }
0x17f: {  	[sflag:s8] =	ssyncadd.s32 $0xFFFFD800  }
0x180: {  	_ =	swait.ge [sflag:s10], $0x2800  }
0x181: {  	s9 =	smov.u32 s26;
	[sflag:s10] =	ssyncset.done $0x0  }
0x182: {  	s9 =	smov.u32 s29  }
.LBB2_21:
0x183: {  	s7 =	sadd.s32 s9, s21;
	[sflag:s10] =	ssyncadd.s32 @p1 $0xFFFFD800  }
0x184: {  	[tilespmem:s6], [sflag:$0x3] =	stream.linear.gather [hbm4b:s7+s6], $0x50, $0x38;
	[tilespmem:$0x1A000] =	vst v63  }
0x185: {  	_ =	swait.ge [sflag:s0], $0x50  }
0x186: {  	[sflag:s0] =	ssyncset.done $0x0  }
0x187: {  	[sflag:s0] =	ssyncadd.s32 $0xFFFFFFB0  }
0x188: {  	[spmem:s5] =	stream.indirect.scatter.add.f32 [tilespmem:s31], [sflag:$0x1], $0x80, s6, s1, $0xb8;
	[tilespmem:$0x1A000] =	vst v63  }
0x189: {  	s29 =	sadd.s32 s9, s22  }
0x18a: {  	[tilespmem:s2], [sflag:$0x3] =	stream.linear.gather [hbm4b:s29+s6], $0x50, $0x38;
	[tilespmem:$0x1A000] =	vst v63  }
0x18b: {  	_ =	swait.ge [sflag:s0], $0x50  }
0x18c: {  	[sflag:s0] =	ssyncset.done $0x0  }
0x18d: {  	[sflag:s0] =	ssyncadd.s32 $0xFFFFFFB0  }
0x18e: {  	[spmem:s5] =	stream.indirect.scatter.add.f32 [tilespmem:s31], [sflag:$0x2], $0x80, s2, s1, $0xb8;
	[tilespmem:$0x1A000] =	vst v63  }
0x18f: {  	_ =	swait.ge [sflag:s8], $0x2800  }
0x190: {  	[sflag:s8] =	ssyncset.done $0x0  }
0x191: {  	[sflag:s8] =	ssyncadd.s32 $0xFFFFD800  }
0x192: {  	_ =	swait.ge [sflag:s10], $0x2800  }
0x193: {  	[sflag:s10] =	ssyncset.done $0x0  }
0x194: {  	[sflag:s10] =	ssyncadd.s32 $0xFFFFD800  }
0x195: {  	[bflag:$0x0] =	sbarrier.arrive $0xFFFF  }
0x196: {  	s7 =	rddreg [dreg:$0xf]  }
0x197: {  	s9 =	rddreg [dreg:$0x12]  }
0x198: {  	[hbm:s7], [sflag:s24] =	dma.local @!p0 [spmem:s9], $0x1900  }
0x199: {  	s7 =	simm.s32 @!p0 $0x3  }
0x19a: {  	_ =	swait.ge @!p0 [sflag:s7], $0x1900  }
0x19b: {  	[sflag:s7] =	ssyncset.done @!p0 $0x0;
	s9 =	rddreg [dreg:$0x10]  }
0x19c: {  	s25 =	rddreg [dreg:$0x13];
	[sflag:s7] =	ssyncadd.s32 @!p0 $0xFFFFE700  }
0x19d: {  	[hbm:s9], [sflag:s24] =	dma.local @!p0 [spmem:s25], $0x1900  }
0x19e: {  	_ =	swait.ge @!p0 [sflag:s7], $0x1900  }
0x19f: {  	[sflag:s7] =	ssyncset.done @!p0 $0x0;
	s9 =	rddreg [dreg:$0x11]  }
0x1a0: {  	s25 =	rddreg [dreg:$0x14];
	[sflag:s7] =	ssyncadd.s32 @!p0 $0xFFFFE700  }
0x1a1: {  	[hbm:s9], [sflag:s24] =	dma.local @!p0 [spmem:s25], $0x1900  }
0x1a2: {  	_ =	swait.ge @!p0 [sflag:s7], $0x1900  }
0x1a3: {  	s23 =	sadd.s32 $0x1, s23;
	s30 =	rddreg [dreg:$0xd]  }
0x1a4: {  	p1 =	sne.s32 s23, s30  }
.Ltmp12:
0x1a5: {  	_ = 	snop;
	(pc) =	sbr.rel @p1 .LBB2_1-.Ltmp12, $4  }
.Ltmp13:
0x1a6: {  	[sflag:s7] =	ssyncset.done @!p0 $0x0;
	(pc) =	sbr.rel @!p1 .LBB2_22-.Ltmp13, $4  }
0x1a7: {  	[sflag:s7] =	ssyncadd.s32 @!p0 $0xFFFFE700  }
0x1a8: {  	[bflag:$0x0] =	sbarrier.arrive $0xFFFF  }
0x1a9: {  	_ = 	snop  }
0x1aa: {  	_ = 	snop  }
.LBB2_5:
.Ltmp14:
0x1ab: {  	(pc) =	sbr.rel .LBB2_7-.Ltmp14, $2  }
0x1ac: {  	_ =	sdelay $0x2  }
0x1ad: {  	s9 =	simm.s32 $0x14  }
.LBB2_9:
.Ltmp15:
0x1ae: {  	(pc) =	sbr.rel .LBB2_12-.Ltmp15, $2  }
0x1af: {  	_ =	sdelay $0x2  }
0x1b0: {  	s29 =	simm.s32 $0x14  }
.LBB2_18:
.Ltmp16:
0x1b1: {  	(pc) =	sbr.rel .LBB2_21-.Ltmp16, $2  }
0x1b2: {  	_ =	sdelay $0x2  }
0x1b3: {  	s9 =	simm.s32 $0x14  }
.LBB2_22:
0x1b4: {  	_ =	sfence.sel $0x180000  }
0x1b5: {  	[bflag:$0x0] =	sbarrier.arrive $0xFFFF  }
0x1b6: {  	_ =	strace $0x90000047  }
0x1b7: {  	s0 =	stileid.u32;
	[bflag:$0x2] =	sbarrier.arrive $0xFFFF  }
0x1b8: {  	p0 =	sne.s32 s0, $0x0;
	s0 =	rddreg [dreg:$0x6]  }
0x1b9: {  	s0 =	sadd.s32 @!p0 $0x100000, s0  }
0x1ba: {  	[sflag:s0] =	ssyncadd.tile.s32 @!p0 $0x1;
	_ =	shalt  }
.Lfunc_end2:
_tile_overlayer_lowered:
.L_overlay_start_2:
0x1bb: {  	(tag) =	ssettag $0x2  }
0x1bc: {  	s0 =	rddreg [dreg:$0x0];
	s2 =	stileid.u32  }
0x1bd: {  	s1 =	rddreg [dreg:$0x1];
	p0 =	sne.s32 s2, $0x0  }
0x1be: {  	s3 =	rddreg [dreg:$0x2];
	[bflag:$0x3] =	sbarrier.arrive $0xFFFF;
	s2 =	simm.s32 @!p0 $0x1C03  }
0x1bf: {  	[timem:s3], [sflag:s2] =	dma.local @!p0 [hbm:s0], s1  }
0x1c0: {  	s0 =	simm.s32 @!p0 $0x3  }
0x1c1: {  	_ =	swait.ge @!p0 [sflag:s0], s1  }
0x1c2: {  	s1 =	ssub.s32 @!p0 $0x0, s1;
	[sflag:s0] =	ssyncset.done @!p0 $0x0  }
0x1c3: {  	[sflag:s0] =	ssyncadd.s32 @!p0 s1  }
0x1c4: {  	[bflag:$0x3] =	sbarrier.arrive $0xFFFF  }
0x1c5: {  	_ =	shalt  }

</sc_bundles>
